<compile_context>
chip_gen: v7x
topology: tpu7x:2x2x1
jax: 0.10.2.dev20260603
libtpu: 0.0.44.dev20260713+nightly
codegen_flags: <defaults>
</compile_context>

<pallas_src>
import functools

import jax
import jax.numpy as jnp
from jax import lax
from jax.experimental import pallas as pl
from jax.experimental.pallas import tpu as pltpu
from jax.experimental.pallas import tpu_sc as plsc

_D = 64
_NW = 32
_BB = 128
_L = 16


@functools.lru_cache(maxsize=None)
def _make_gather(batch: int, seq: int, vrows: int):
    nblk = batch // _BB
    blk_per_w = nblk // _NW
    chunks_per_w = blk_per_w * seq
    mesh = plsc.VectorSubcoreMesh(core_axis_name="c", subcore_axis_name="s")

    scratch = [
        pltpu.VMEM((_BB // 2, seq), jnp.int32),
        pltpu.VMEM((chunks_per_w, _BB), jnp.int32),
        pltpu.VMEM((chunks_per_w, _BB), jnp.int32),
        pltpu.VMEM((_BB, 2 * _D), jnp.float32),
        pltpu.VMEM((_BB, 2 * _D), jnp.float32),
        pltpu.VMEM((1, _D, _BB), jnp.float32),
        pltpu.VMEM((1, _D, _BB), jnp.float32),
        pltpu.SemaphoreType.DMA,
        pltpu.SemaphoreType.DMA,
        pltpu.SemaphoreType.DMA,
        pltpu.SemaphoreType.DMA,
    ]

    @functools.partial(
        pl.kernel,
        mesh=mesh,
        compiler_params=pltpu.CompilerParams(use_tc_tiling_on_sc=True,
                                             needs_layout_passes=False),
        out_type=jax.ShapeDtypeStruct((seq, _D, batch), jnp.float32),
        scratch_types=scratch,
    )
    def gather_kernel(sent_hbm, table2_hbm, out_hbm, idx_raw, idx2, colb,
                      gb0, gb1, ob0, ob1, gs0, gs1, ws0, ws1):
        wid = lax.axis_index("s") * 2 + lax.axis_index("c")
        blk0 = wid * blk_per_w
        rows = [lax.iota(jnp.int32, _L) + _L * g for g in range(_BB // _L)]

        for hb in range(2 * blk_per_w):
            b0 = blk0 * _BB + hb * (_BB // 2)
            pltpu.sync_copy(sent_hbm.at[pl.ds(b0, _BB // 2)], idx_raw)

            def prep_row(s, carry, hb=hb):
                col = jnp.full((_L,), 0, jnp.int32) + s
                crow = (hb // 2) * seq + s
                coff = (hb % 2) * (_BB // 2)
                for g in range(_BB // (2 * _L)):
                    ids = plsc.load_gather(idx_raw, [rows[g], col])
                    idx2[crow, pl.ds(coff + g * _L, _L)] = ids >> 1
                    colb[crow, pl.ds(coff + g * _L, _L)] = (ids & 1) << 6
                return carry

            lax.fori_loop(0, seq, prep_row, 0)

        gbufs, obufs = (gb0, gb1), (ob0, ob1)
        gsems, wsems = (gs0, gs1), (ws0, ws1)

        def out_box(k):
            bb = k // seq
            s = k - bb * seq
            b0 = (blk0 + bb) * _BB
            return out_hbm.at[pl.ds(s, 1), :, pl.ds(b0, _BB)]

        pltpu.async_copy(table2_hbm.at[idx2.at[0]], gb0, gs0)
        pltpu.async_copy(table2_hbm.at[idx2.at[1]], gb1, gs1)

        def round_body(p, carry):
            for j in range(2):
                k = 2 * p + j
                gb, ob = gbufs[j], obufs[j]
                pltpu.make_async_copy(table2_hbm.at[idx2.at[k]], gb,
                                      gsems[j]).wait()

                @pl.when(p > 0)
                def _(j=j, k=k, ob=ob):
                    pltpu.make_async_copy(ob, out_box(k - 2), wsems[j]).wait()

                cbases = [colb[k, pl.ds(g * _L, _L)]
                          for g in range(_BB // _L)]
                zero = jnp.zeros((_L,), jnp.int32)

                def d_block(i, carry, gb=gb, ob=ob, cbases=cbases):
                    for dd in range(8):
                        dvec = (lax.iota(jnp.int32, _L) + (i * 8 + dd)) \
                            & (_D - 1)
                        vals = [plsc.load_gather(gb,
                                                 [rows[g], cbases[g] + dvec])
                                for g in range(_BB // _L)]
                        for g in range(_BB // _L):
                            plsc.store_scatter(ob, [zero, dvec, rows[g]],
                                               vals[g])
                    return carry

                lax.fori_loop(0, _D // 8, d_block, 0)
                pltpu.async_copy(ob, out_box(k), wsems[j])

                @pl.when(p < chunks_per_w // 2 - 1)
                def _(j=j, k=k, gb=gb):
                    pltpu.async_copy(table2_hbm.at[idx2.at[k + 2]], gb,
                                     gsems[j])
            return carry

        lax.fori_loop(0, chunks_per_w // 2, round_body, 0)
        for j in range(2):
            pltpu.make_async_copy(obufs[j], out_box(chunks_per_w - 2 + j),
                                  wsems[j]).wait()

    return gather_kernel


def kernel(sentence, word_vectors):
    batch, seq = sentence.shape
    vocab = word_vectors.shape[0]
    vpad = -vocab % 16
    table2 = jnp.pad(word_vectors, ((0, vpad), (0, 0))).reshape(-1, 2 * _D)
    idx = sentence.astype(jnp.int32)
    out = _make_gather(batch, seq, table2.shape[0])(idx, table2)
    return jnp.transpose(out, (2, 0, 1))

# --- scband reference (transcript-rebuilt; emitter-appended) ---
"""Pipeline reference for scband-vector-constructor-90795608637663 (READ-ONLY COPY).

The authoritative reference and input builder live on the scoring server;
editing this copy changes nothing except your own understanding.
"""

import jax, jax.numpy as jnp
import numpy as np

VOCAB = 9999
WORD_DIM = 64
BATCH = 16384
SEQ = 50


def setup_inputs(seed: int = 0) -> dict:
    key = jax.random.key(seed)
    k_idx, k_tab = jax.random.split(key)
    # 'sentence' is pre-encoded token ids (tokenize+encode collapsed to int ids)
    sentence = jax.random.randint(k_idx, (BATCH, SEQ), 0, VOCAB, dtype=jnp.int64) if jax.config.jax_enable_x64 else jax.random.randint(k_idx, (BATCH, SEQ), 0, VOCAB, dtype=jnp.int32)
    word_vectors = jax.random.normal(k_tab, (VOCAB, WORD_DIM), dtype=jnp.float32)
    return {"sentence": sentence, "word_vectors": word_vectors}


def reference(sentence, word_vectors):
    # VectorConstructor.forward: embedding lookup of encoded token ids
    return jnp.take(word_vectors, sentence, axis=0)

if __name__ == "__main__":
    import jax
    _d = setup_inputs()
    print(jax.jit(kernel)(*tuple(_d.values())))

</pallas_src>

<mosaic_0001>
#map = affine_map<(d0, d1) -> (0, 0)>
#map1 = affine_map<(d0, d1) -> (0, 0, 0)>
module attributes {stable_mosaic.version = 14 : i64} {
  func.func @gather_kernel(%arg0: i32, %arg1: i32, %arg2: memref<16384x50xi32, #tpu.memory_space<hbm>>, %arg3: memref<5000x128xf32, #tpu.memory_space<hbm>>, %arg4: memref<50x64x16384xf32, #tpu.memory_space<hbm>>, %arg5: memref<64x50xi32, #tpu.memory_space<vmem>>, %arg6: memref<200x128xi32, #tpu.memory_space<vmem>>, %arg7: memref<200x128xi32, #tpu.memory_space<vmem>>, %arg8: memref<128x128xf32, #tpu.memory_space<vmem>>, %arg9: memref<128x128xf32, #tpu.memory_space<vmem>>, %arg10: memref<1x64x128xf32, #tpu.memory_space<vmem>>, %arg11: memref<1x64x128xf32, #tpu.memory_space<vmem>>, %arg12: memref<!tpu.dma_semaphore, #tpu.memory_space<semaphore_mem>>, %arg13: memref<!tpu.dma_semaphore, #tpu.memory_space<semaphore_mem>>, %arg14: memref<!tpu.dma_semaphore, #tpu.memory_space<semaphore_mem>>, %arg15: memref<!tpu.dma_semaphore, #tpu.memory_space<semaphore_mem>>) attributes {dimension_semantics = [#tpu.dimension_semantics<core_parallel>, #tpu.dimension_semantics<subcore_parallel>], iteration_bounds = array<i64: 2, 16>, scalar_prefetch = 0 : i64, scratch_operands = 11 : i64, tpu.core_type = #tpu.core_type<sc_vector_subcore>, window_params = [{transform_indices = #map}, {transform_indices = #map}, {transform_indices = #map1}]} {
    %mul3A = arith.constant 2 : i32
    %mul3A_0 = arith.muli %arg1, %mul3A : i32
    %add3A = arith.addi %mul3A_0, %arg0 : i32
    %mul3A_1 = arith.constant 4 : i32
    %mul3A_2 = arith.muli %add3A, %mul3A_1 : i32
    %iota3A = tpu.iota {dimensions = array<i32: 0>} : vector<16xi32>
    %add3A_3 = arith.constant 0 : i32
    %add3A_4 = vector.broadcast %add3A_3 : i32 to vector<16xi32>
    %add3A_5 = arith.addi %iota3A, %add3A_4 : vector<16xi32>
    %iota3A_6 = tpu.iota {dimensions = array<i32: 0>} : vector<16xi32>
    %add3A_7 = arith.constant 16 : i32
    %add3A_8 = vector.broadcast %add3A_7 : i32 to vector<16xi32>
    %add3A_9 = arith.addi %iota3A_6, %add3A_8 : vector<16xi32>
    %iota3A_10 = tpu.iota {dimensions = array<i32: 0>} : vector<16xi32>
    %add3A_11 = arith.constant 32 : i32
    %add3A_12 = vector.broadcast %add3A_11 : i32 to vector<16xi32>
    %add3A_13 = arith.addi %iota3A_10, %add3A_12 : vector<16xi32>
    %iota3A_14 = tpu.iota {dimensions = array<i32: 0>} : vector<16xi32>
    %add3A_15 = arith.constant 48 : i32
    %add3A_16 = vector.broadcast %add3A_15 : i32 to vector<16xi32>
    %add3A_17 = arith.addi %iota3A_14, %add3A_16 : vector<16xi32>
    %iota3A_18 = tpu.iota {dimensions = array<i32: 0>} : vector<16xi32>
    %add3A_19 = arith.constant 64 : i32
    %add3A_20 = vector.broadcast %add3A_19 : i32 to vector<16xi32>
    %add3A_21 = arith.addi %iota3A_18, %add3A_20 : vector<16xi32>
    %iota3A_22 = tpu.iota {dimensions = array<i32: 0>} : vector<16xi32>
    %add3A_23 = arith.constant 80 : i32
    %add3A_24 = vector.broadcast %add3A_23 : i32 to vector<16xi32>
    %add3A_25 = arith.addi %iota3A_22, %add3A_24 : vector<16xi32>
    %iota3A_26 = tpu.iota {dimensions = array<i32: 0>} : vector<16xi32>
    %add3A_27 = arith.constant 96 : i32
    %add3A_28 = vector.broadcast %add3A_27 : i32 to vector<16xi32>
    %add3A_29 = arith.addi %iota3A_26, %add3A_28 : vector<16xi32>
    %iota3A_30 = tpu.iota {dimensions = array<i32: 0>} : vector<16xi32>
    %add3A_31 = arith.constant 112 : i32
    %add3A_32 = vector.broadcast %add3A_31 : i32 to vector<16xi32>
    %add3A_33 = arith.addi %iota3A_30, %add3A_32 : vector<16xi32>
    %mul3A_34 = arith.constant 128 : i32
    %mul3A_35 = arith.muli %mul3A_2, %mul3A_34 : i32
    %add3A_36 = arith.constant 0 : i32
    %add3A_37 = arith.addi %mul3A_35, %add3A_36 : i32
    "tpu.region"() ({
      %run_scoped3A = tpu.sem_alloc : memref<!tpu.dma_semaphore, #tpu.memory_space<semaphore_mem>>
      %dma_start3A_151 = arith.constant 0 : i32
      %dma_start3A_152 = tpu.memref_slice %arg2[%add3A_37, %dma_start3A_151] : memref<16384x50xi32, #tpu.memory_space<hbm>> -> memref<64x50xi32, #tpu.memory_space<hbm>>
      %dma_start3A_153 = arith.constant 0 : i32
      %dma_start3A_154 = tpu.memref_slice %arg2[%add3A_37, %dma_start3A_153] : memref<16384x50xi32, #tpu.memory_space<hbm>> -> memref<64x50xi32, #tpu.memory_space<hbm>>
      tpu.enqueue_dma source(%dma_start3A_154 : memref<64x50xi32, #tpu.memory_space<hbm>>) target(%arg5 : memref<64x50xi32, #tpu.memory_space<vmem>>) target_semaphore(%run_scoped3A : memref<!tpu.dma_semaphore, #tpu.memory_space<semaphore_mem>>)
      %dma_wait3A_155 = arith.constant 0 : i32
      %dma_wait3A_156 = tpu.memref_slice %arg2[%add3A_37, %dma_wait3A_155] : memref<16384x50xi32, #tpu.memory_space<hbm>> -> memref<64x50xi32, #tpu.memory_space<hbm>>
      %dma_wait3A_157 = arith.constant 0 : i32
      %dma_wait3A_158 = tpu.memref_slice %arg2[%add3A_37, %dma_wait3A_157] : memref<16384x50xi32, #tpu.memory_space<hbm>> -> memref<64x50xi32, #tpu.memory_space<hbm>>
      tpu.wait_dma2 semaphore(%run_scoped3A : memref<!tpu.dma_semaphore, #tpu.memory_space<semaphore_mem>>) src(%dma_wait3A_158 : memref<64x50xi32, #tpu.memory_space<hbm>>) dst(%arg5 : memref<64x50xi32, #tpu.memory_space<vmem>>)
      tpu.yield
    }) : () -> ()
    %scan3A = arith.constant 0 : i32
    %scan3A_38 = arith.constant 0 : i32
    %scan3A_39 = arith.constant 50 : i32
    %scan3A_40 = arith.addi %scan3A_38, %scan3A_39 : i32
    %scan3A_41 = arith.constant 1 : i32
    scf.for %scan3A_151 = %scan3A_38 to %scan3A_40 step %scan3A_41  : i32 {
      %broadcast_in_dim3A = arith.constant 0 : i32
      %broadcast_in_dim3A_152 = vector.broadcast %broadcast_in_dim3A : i32 to vector<16xi32>
      %add3A_153 = vector.broadcast %scan3A_151 : i32 to vector<16xi32>
      %add3A_154 = arith.addi %broadcast_in_dim3A_152, %add3A_153 : vector<16xi32>
      %add3A_155 = arith.constant 0 : i32
      %add3A_156 = arith.addi %add3A_155, %scan3A_151 : i32
      %gather3A = tpu.vector_load_idx %arg5[%add3A_5, %add3A_154] : memref<64x50xi32, #tpu.memory_space<vmem>>[vector<16xi32>, vector<16xi32>], vector<16xi32>,
      %shift_right_arithmetic3A = arith.constant 1 : i32
      %shift_right_arithmetic3A_157 = vector.broadcast %shift_right_arithmetic3A : i32 to vector<16xi32>
      %shift_right_arithmetic3A_158 = arith.shrsi %gather3A, %shift_right_arithmetic3A_157 : vector<16xi32>
      %swap3A = arith.index_cast %add3A_156 : i32 to index
      %swap3A_159 = arith.constant 0 : index
      %swap3A_160 = tpu.vector_load %arg6[%swap3A, %swap3A_159] {strides = array<i32>} : memref<200x128xi32, #tpu.memory_space<vmem>>, vector<16xi32>,
      tpu.vector_store %arg6[%swap3A, %swap3A_159], %shift_right_arithmetic3A_158 {strides = array<i32>} : memref<200x128xi32, #tpu.memory_space<vmem>>, vector<16xi32>,
      %and3A = arith.constant 1 : i32
      %and3A_161 = vector.broadcast %and3A : i32 to vector<16xi32>
      %and3A_162 = arith.andi %gather3A, %and3A_161 : vector<16xi32>
      %shift_left3A = arith.constant 6 : i32
      %shift_left3A_163 = vector.broadcast %shift_left3A : i32 to vector<16xi32>
      %shift_left3A_164 = arith.shli %and3A_162, %shift_left3A_163 : vector<16xi32>
      %swap3A_165 = arith.index_cast %add3A_156 : i32 to index
      %swap3A_166 = arith.constant 0 : index
      %swap3A_167 = tpu.vector_load %arg7[%swap3A_165, %swap3A_166] {strides = array<i32>} : memref<200x128xi32, #tpu.memory_space<vmem>>, vector<16xi32>,
      tpu.vector_store %arg7[%swap3A_165, %swap3A_166], %shift_left3A_164 {strides = array<i32>} : memref<200x128xi32, #tpu.memory_space<vmem>>, vector<16xi32>,
      %gather3A_168 = tpu.vector_load_idx %arg5[%add3A_9, %add3A_154] : memref<64x50xi32, #tpu.memory_space<vmem>>[vector<16xi32>, vector<16xi32>], vector<16xi32>,
      %shift_right_arithmetic3A_169 = arith.constant 1 : i32
      %shift_right_arithmetic3A_170 = vector.broadcast %shift_right_arithmetic3A_169 : i32 to vector<16xi32>
      %shift_right_arithmetic3A_171 = arith.shrsi %gather3A_168, %shift_right_arithmetic3A_170 : vector<16xi32>
      %swap3A_172 = arith.index_cast %add3A_156 : i32 to index
      %swap3A_173 = arith.constant 16 : index
      %swap3A_174 = tpu.vector_load %arg6[%swap3A_172, %swap3A_173] {strides = array<i32>} : memref<200x128xi32, #tpu.memory_space<vmem>>, vector<16xi32>,
      tpu.vector_store %arg6[%swap3A_172, %swap3A_173], %shift_right_arithmetic3A_171 {strides = array<i32>} : memref<200x128xi32, #tpu.memory_space<vmem>>, vector<16xi32>,
      %and3A_175 = arith.constant 1 : i32
      %and3A_176 = vector.broadcast %and3A_175 : i32 to vector<16xi32>
      %and3A_177 = arith.andi %gather3A_168, %and3A_176 : vector<16xi32>
      %shift_left3A_178 = arith.constant 6 : i32
      %shift_left3A_179 = vector.broadcast %shift_left3A_178 : i32 to vector<16xi32>
      %shift_left3A_180 = arith.shli %and3A_177, %shift_left3A_179 : vector<16xi32>
      %swap3A_181 = arith.index_cast %add3A_156 : i32 to index
      %swap3A_182 = arith.constant 16 : index
      %swap3A_183 = tpu.vector_load %arg7[%swap3A_181, %swap3A_182] {strides = array<i32>} : memref<200x128xi32, #tpu.memory_space<vmem>>, vector<16xi32>,
      tpu.vector_store %arg7[%swap3A_181, %swap3A_182], %shift_left3A_180 {strides = array<i32>} : memref<200x128xi32, #tpu.memory_space<vmem>>, vector<16xi32>,
      %gather3A_184 = tpu.vector_load_idx %arg5[%add3A_13, %add3A_154] : memref<64x50xi32, #tpu.memory_space<vmem>>[vector<16xi32>, vector<16xi32>], vector<16xi32>,
      %shift_right_arithmetic3A_185 = arith.constant 1 : i32
      %shift_right_arithmetic3A_186 = vector.broadcast %shift_right_arithmetic3A_185 : i32 to vector<16xi32>
      %shift_right_arithmetic3A_187 = arith.shrsi %gather3A_184, %shift_right_arithmetic3A_186 : vector<16xi32>
      %swap3A_188 = arith.index_cast %add3A_156 : i32 to index
      %swap3A_189 = arith.constant 32 : index
      %swap3A_190 = tpu.vector_load %arg6[%swap3A_188, %swap3A_189] {strides = array<i32>} : memref<200x128xi32, #tpu.memory_space<vmem>>, vector<16xi32>,
      tpu.vector_store %arg6[%swap3A_188, %swap3A_189], %shift_right_arithmetic3A_187 {strides = array<i32>} : memref<200x128xi32, #tpu.memory_space<vmem>>, vector<16xi32>,
      %and3A_191 = arith.constant 1 : i32
      %and3A_192 = vector.broadcast %and3A_191 : i32 to vector<16xi32>
      %and3A_193 = arith.andi %gather3A_184, %and3A_192 : vector<16xi32>
      %shift_left3A_194 = arith.constant 6 : i32
      %shift_left3A_195 = vector.broadcast %shift_left3A_194 : i32 to vector<16xi32>
      %shift_left3A_196 = arith.shli %and3A_193, %shift_left3A_195 : vector<16xi32>
      %swap3A_197 = arith.index_cast %add3A_156 : i32 to index
      %swap3A_198 = arith.constant 32 : index
      %swap3A_199 = tpu.vector_load %arg7[%swap3A_197, %swap3A_198] {strides = array<i32>} : memref<200x128xi32, #tpu.memory_space<vmem>>, vector<16xi32>,
      tpu.vector_store %arg7[%swap3A_197, %swap3A_198], %shift_left3A_196 {strides = array<i32>} : memref<200x128xi32, #tpu.memory_space<vmem>>, vector<16xi32>,
      %gather3A_200 = tpu.vector_load_idx %arg5[%add3A_17, %add3A_154] : memref<64x50xi32, #tpu.memory_space<vmem>>[vector<16xi32>, vector<16xi32>], vector<16xi32>,
      %shift_right_arithmetic3A_201 = arith.constant 1 : i32
      %shift_right_arithmetic3A_202 = vector.broadcast %shift_right_arithmetic3A_201 : i32 to vector<16xi32>
      %shift_right_arithmetic3A_203 = arith.shrsi %gather3A_200, %shift_right_arithmetic3A_202 : vector<16xi32>
      %swap3A_204 = arith.index_cast %add3A_156 : i32 to index
      %swap3A_205 = arith.constant 48 : index
      %swap3A_206 = tpu.vector_load %arg6[%swap3A_204, %swap3A_205] {strides = array<i32>} : memref<200x128xi32, #tpu.memory_space<vmem>>, vector<16xi32>,
      tpu.vector_store %arg6[%swap3A_204, %swap3A_205], %shift_right_arithmetic3A_203 {strides = array<i32>} : memref<200x128xi32, #tpu.memory_space<vmem>>, vector<16xi32>,
      %and3A_207 = arith.constant 1 : i32
      %and3A_208 = vector.broadcast %and3A_207 : i32 to vector<16xi32>
      %and3A_209 = arith.andi %gather3A_200, %and3A_208 : vector<16xi32>
      %shift_left3A_210 = arith.constant 6 : i32
      %shift_left3A_211 = vector.broadcast %shift_left3A_210 : i32 to vector<16xi32>
      %shift_left3A_212 = arith.shli %and3A_209, %shift_left3A_211 : vector<16xi32>
      %swap3A_213 = arith.index_cast %add3A_156 : i32 to index
      %swap3A_214 = arith.constant 48 : index
      %swap3A_215 = tpu.vector_load %arg7[%swap3A_213, %swap3A_214] {strides = array<i32>} : memref<200x128xi32, #tpu.memory_space<vmem>>, vector<16xi32>,
      tpu.vector_store %arg7[%swap3A_213, %swap3A_214], %shift_left3A_212 {strides = array<i32>} : memref<200x128xi32, #tpu.memory_space<vmem>>, vector<16xi32>,
    }
    %scan3A_42 = arith.constant 50 : i32
    %mul3A_43 = arith.constant 128 : i32
    %mul3A_44 = arith.muli %mul3A_2, %mul3A_43 : i32
    %add3A_45 = arith.constant 64 : i32
    %add3A_46 = arith.addi %mul3A_44, %add3A_45 : i32
    "tpu.region"() ({
      %run_scoped3A = tpu.sem_alloc : memref<!tpu.dma_semaphore, #tpu.memory_space<semaphore_mem>>
      %dma_start3A_151 = arith.constant 0 : i32
      %dma_start3A_152 = tpu.memref_slice %arg2[%add3A_46, %dma_start3A_151] : memref<16384x50xi32, #tpu.memory_space<hbm>> -> memref<64x50xi32, #tpu.memory_space<hbm>>
      %dma_start3A_153 = arith.constant 0 : i32
      %dma_start3A_154 = tpu.memref_slice %arg2[%add3A_46, %dma_start3A_153] : memref<16384x50xi32, #tpu.memory_space<hbm>> -> memref<64x50xi32, #tpu.memory_space<hbm>>
      tpu.enqueue_dma source(%dma_start3A_154 : memref<64x50xi32, #tpu.memory_space<hbm>>) target(%arg5 : memref<64x50xi32, #tpu.memory_space<vmem>>) target_semaphore(%run_scoped3A : memref<!tpu.dma_semaphore, #tpu.memory_space<semaphore_mem>>)
      %dma_wait3A_155 = arith.constant 0 : i32
      %dma_wait3A_156 = tpu.memref_slice %arg2[%add3A_46, %dma_wait3A_155] : memref<16384x50xi32, #tpu.memory_space<hbm>> -> memref<64x50xi32, #tpu.memory_space<hbm>>
      %dma_wait3A_157 = arith.constant 0 : i32
      %dma_wait3A_158 = tpu.memref_slice %arg2[%add3A_46, %dma_wait3A_157] : memref<16384x50xi32, #tpu.memory_space<hbm>> -> memref<64x50xi32, #tpu.memory_space<hbm>>
      tpu.wait_dma2 semaphore(%run_scoped3A : memref<!tpu.dma_semaphore, #tpu.memory_space<semaphore_mem>>) src(%dma_wait3A_158 : memref<64x50xi32, #tpu.memory_space<hbm>>) dst(%arg5 : memref<64x50xi32, #tpu.memory_space<vmem>>)
      tpu.yield
    }) : () -> ()
    %scan3A_47 = arith.constant 0 : i32
    %scan3A_48 = arith.constant 0 : i32
    %scan3A_49 = arith.constant 50 : i32
    %scan3A_50 = arith.addi %scan3A_48, %scan3A_49 : i32
    %scan3A_51 = arith.constant 1 : i32
    scf.for %scan3A_151 = %scan3A_48 to %scan3A_50 step %scan3A_51  : i32 {
      %broadcast_in_dim3A = arith.constant 0 : i32
      %broadcast_in_dim3A_152 = vector.broadcast %broadcast_in_dim3A : i32 to vector<16xi32>
      %add3A_153 = vector.broadcast %scan3A_151 : i32 to vector<16xi32>
      %add3A_154 = arith.addi %broadcast_in_dim3A_152, %add3A_153 : vector<16xi32>
      %add3A_155 = arith.constant 0 : i32
      %add3A_156 = arith.addi %add3A_155, %scan3A_151 : i32
      %gather3A = tpu.vector_load_idx %arg5[%add3A_5, %add3A_154] : memref<64x50xi32, #tpu.memory_space<vmem>>[vector<16xi32>, vector<16xi32>], vector<16xi32>,
      %shift_right_arithmetic3A = arith.constant 1 : i32
      %shift_right_arithmetic3A_157 = vector.broadcast %shift_right_arithmetic3A : i32 to vector<16xi32>
      %shift_right_arithmetic3A_158 = arith.shrsi %gather3A, %shift_right_arithmetic3A_157 : vector<16xi32>
      %swap3A = arith.index_cast %add3A_156 : i32 to index
      %swap3A_159 = arith.constant 64 : index
      %swap3A_160 = tpu.vector_load %arg6[%swap3A, %swap3A_159] {strides = array<i32>} : memref<200x128xi32, #tpu.memory_space<vmem>>, vector<16xi32>,
      tpu.vector_store %arg6[%swap3A, %swap3A_159], %shift_right_arithmetic3A_158 {strides = array<i32>} : memref<200x128xi32, #tpu.memory_space<vmem>>, vector<16xi32>,
      %and3A = arith.constant 1 : i32
      %and3A_161 = vector.broadcast %and3A : i32 to vector<16xi32>
      %and3A_162 = arith.andi %gather3A, %and3A_161 : vector<16xi32>
      %shift_left3A = arith.constant 6 : i32
      %shift_left3A_163 = vector.broadcast %shift_left3A : i32 to vector<16xi32>
      %shift_left3A_164 = arith.shli %and3A_162, %shift_left3A_163 : vector<16xi32>
      %swap3A_165 = arith.index_cast %add3A_156 : i32 to index
      %swap3A_166 = arith.constant 64 : index
      %swap3A_167 = tpu.vector_load %arg7[%swap3A_165, %swap3A_166] {strides = array<i32>} : memref<200x128xi32, #tpu.memory_space<vmem>>, vector<16xi32>,
      tpu.vector_store %arg7[%swap3A_165, %swap3A_166], %shift_left3A_164 {strides = array<i32>} : memref<200x128xi32, #tpu.memory_space<vmem>>, vector<16xi32>,
      %gather3A_168 = tpu.vector_load_idx %arg5[%add3A_9, %add3A_154] : memref<64x50xi32, #tpu.memory_space<vmem>>[vector<16xi32>, vector<16xi32>], vector<16xi32>,
      %shift_right_arithmetic3A_169 = arith.constant 1 : i32
      %shift_right_arithmetic3A_170 = vector.broadcast %shift_right_arithmetic3A_169 : i32 to vector<16xi32>
      %shift_right_arithmetic3A_171 = arith.shrsi %gather3A_168, %shift_right_arithmetic3A_170 : vector<16xi32>
      %swap3A_172 = arith.index_cast %add3A_156 : i32 to index
      %swap3A_173 = arith.constant 80 : index
      %swap3A_174 = tpu.vector_load %arg6[%swap3A_172, %swap3A_173] {strides = array<i32>} : memref<200x128xi32, #tpu.memory_space<vmem>>, vector<16xi32>,
      tpu.vector_store %arg6[%swap3A_172, %swap3A_173], %shift_right_arithmetic3A_171 {strides = array<i32>} : memref<200x128xi32, #tpu.memory_space<vmem>>, vector<16xi32>,
      %and3A_175 = arith.constant 1 : i32
      %and3A_176 = vector.broadcast %and3A_175 : i32 to vector<16xi32>
      %and3A_177 = arith.andi %gather3A_168, %and3A_176 : vector<16xi32>
      %shift_left3A_178 = arith.constant 6 : i32
      %shift_left3A_179 = vector.broadcast %shift_left3A_178 : i32 to vector<16xi32>
      %shift_left3A_180 = arith.shli %and3A_177, %shift_left3A_179 : vector<16xi32>
      %swap3A_181 = arith.index_cast %add3A_156 : i32 to index
      %swap3A_182 = arith.constant 80 : index
      %swap3A_183 = tpu.vector_load %arg7[%swap3A_181, %swap3A_182] {strides = array<i32>} : memref<200x128xi32, #tpu.memory_space<vmem>>, vector<16xi32>,
      tpu.vector_store %arg7[%swap3A_181, %swap3A_182], %shift_left3A_180 {strides = array<i32>} : memref<200x128xi32, #tpu.memory_space<vmem>>, vector<16xi32>,
      %gather3A_184 = tpu.vector_load_idx %arg5[%add3A_13, %add3A_154] : memref<64x50xi32, #tpu.memory_space<vmem>>[vector<16xi32>, vector<16xi32>], vector<16xi32>,
      %shift_right_arithmetic3A_185 = arith.constant 1 : i32
      %shift_right_arithmetic3A_186 = vector.broadcast %shift_right_arithmetic3A_185 : i32 to vector<16xi32>
      %shift_right_arithmetic3A_187 = arith.shrsi %gather3A_184, %shift_right_arithmetic3A_186 : vector<16xi32>
      %swap3A_188 = arith.index_cast %add3A_156 : i32 to index
      %swap3A_189 = arith.constant 96 : index
      %swap3A_190 = tpu.vector_load %arg6[%swap3A_188, %swap3A_189] {strides = array<i32>} : memref<200x128xi32, #tpu.memory_space<vmem>>, vector<16xi32>,
      tpu.vector_store %arg6[%swap3A_188, %swap3A_189], %shift_right_arithmetic3A_187 {strides = array<i32>} : memref<200x128xi32, #tpu.memory_space<vmem>>, vector<16xi32>,
      %and3A_191 = arith.constant 1 : i32
      %and3A_192 = vector.broadcast %and3A_191 : i32 to vector<16xi32>
      %and3A_193 = arith.andi %gather3A_184, %and3A_192 : vector<16xi32>
      %shift_left3A_194 = arith.constant 6 : i32
      %shift_left3A_195 = vector.broadcast %shift_left3A_194 : i32 to vector<16xi32>
      %shift_left3A_196 = arith.shli %and3A_193, %shift_left3A_195 : vector<16xi32>
      %swap3A_197 = arith.index_cast %add3A_156 : i32 to index
      %swap3A_198 = arith.constant 96 : index
      %swap3A_199 = tpu.vector_load %arg7[%swap3A_197, %swap3A_198] {strides = array<i32>} : memref<200x128xi32, #tpu.memory_space<vmem>>, vector<16xi32>,
      tpu.vector_store %arg7[%swap3A_197, %swap3A_198], %shift_left3A_196 {strides = array<i32>} : memref<200x128xi32, #tpu.memory_space<vmem>>, vector<16xi32>,
      %gather3A_200 = tpu.vector_load_idx %arg5[%add3A_17, %add3A_154] : memref<64x50xi32, #tpu.memory_space<vmem>>[vector<16xi32>, vector<16xi32>], vector<16xi32>,
      %shift_right_arithmetic3A_201 = arith.constant 1 : i32
      %shift_right_arithmetic3A_202 = vector.broadcast %shift_right_arithmetic3A_201 : i32 to vector<16xi32>
      %shift_right_arithmetic3A_203 = arith.shrsi %gather3A_200, %shift_right_arithmetic3A_202 : vector<16xi32>
      %swap3A_204 = arith.index_cast %add3A_156 : i32 to index
      %swap3A_205 = arith.constant 112 : index
      %swap3A_206 = tpu.vector_load %arg6[%swap3A_204, %swap3A_205] {strides = array<i32>} : memref<200x128xi32, #tpu.memory_space<vmem>>, vector<16xi32>,
      tpu.vector_store %arg6[%swap3A_204, %swap3A_205], %shift_right_arithmetic3A_203 {strides = array<i32>} : memref<200x128xi32, #tpu.memory_space<vmem>>, vector<16xi32>,
      %and3A_207 = arith.constant 1 : i32
      %and3A_208 = vector.broadcast %and3A_207 : i32 to vector<16xi32>
      %and3A_209 = arith.andi %gather3A_200, %and3A_208 : vector<16xi32>
      %shift_left3A_210 = arith.constant 6 : i32
      %shift_left3A_211 = vector.broadcast %shift_left3A_210 : i32 to vector<16xi32>
      %shift_left3A_212 = arith.shli %and3A_209, %shift_left3A_211 : vector<16xi32>
      %swap3A_213 = arith.index_cast %add3A_156 : i32 to index
      %swap3A_214 = arith.constant 112 : index
      %swap3A_215 = tpu.vector_load %arg7[%swap3A_213, %swap3A_214] {strides = array<i32>} : memref<200x128xi32, #tpu.memory_space<vmem>>, vector<16xi32>,
      tpu.vector_store %arg7[%swap3A_213, %swap3A_214], %shift_left3A_212 {strides = array<i32>} : memref<200x128xi32, #tpu.memory_space<vmem>>, vector<16xi32>,
    }
    %scan3A_52 = arith.constant 50 : i32
    %mul3A_53 = arith.constant 128 : i32
    %mul3A_54 = arith.muli %mul3A_2, %mul3A_53 : i32
    %add3A_55 = arith.constant 128 : i32
    %add3A_56 = arith.addi %mul3A_54, %add3A_55 : i32
    "tpu.region"() ({
      %run_scoped3A = tpu.sem_alloc : memref<!tpu.dma_semaphore, #tpu.memory_space<semaphore_mem>>
      %dma_start3A_151 = arith.constant 0 : i32
      %dma_start3A_152 = tpu.memref_slice %arg2[%add3A_56, %dma_start3A_151] : memref<16384x50xi32, #tpu.memory_space<hbm>> -> memref<64x50xi32, #tpu.memory_space<hbm>>
      %dma_start3A_153 = arith.constant 0 : i32
      %dma_start3A_154 = tpu.memref_slice %arg2[%add3A_56, %dma_start3A_153] : memref<16384x50xi32, #tpu.memory_space<hbm>> -> memref<64x50xi32, #tpu.memory_space<hbm>>
      tpu.enqueue_dma source(%dma_start3A_154 : memref<64x50xi32, #tpu.memory_space<hbm>>) target(%arg5 : memref<64x50xi32, #tpu.memory_space<vmem>>) target_semaphore(%run_scoped3A : memref<!tpu.dma_semaphore, #tpu.memory_space<semaphore_mem>>)
      %dma_wait3A_155 = arith.constant 0 : i32
      %dma_wait3A_156 = tpu.memref_slice %arg2[%add3A_56, %dma_wait3A_155] : memref<16384x50xi32, #tpu.memory_space<hbm>> -> memref<64x50xi32, #tpu.memory_space<hbm>>
      %dma_wait3A_157 = arith.constant 0 : i32
      %dma_wait3A_158 = tpu.memref_slice %arg2[%add3A_56, %dma_wait3A_157] : memref<16384x50xi32, #tpu.memory_space<hbm>> -> memref<64x50xi32, #tpu.memory_space<hbm>>
      tpu.wait_dma2 semaphore(%run_scoped3A : memref<!tpu.dma_semaphore, #tpu.memory_space<semaphore_mem>>) src(%dma_wait3A_158 : memref<64x50xi32, #tpu.memory_space<hbm>>) dst(%arg5 : memref<64x50xi32, #tpu.memory_space<vmem>>)
      tpu.yield
    }) : () -> ()
    %scan3A_57 = arith.constant 0 : i32
    %scan3A_58 = arith.constant 0 : i32
    %scan3A_59 = arith.constant 50 : i32
    %scan3A_60 = arith.addi %scan3A_58, %scan3A_59 : i32
    %scan3A_61 = arith.constant 1 : i32
    scf.for %scan3A_151 = %scan3A_58 to %scan3A_60 step %scan3A_61  : i32 {
      %broadcast_in_dim3A = arith.constant 0 : i32
      %broadcast_in_dim3A_152 = vector.broadcast %broadcast_in_dim3A : i32 to vector<16xi32>
      %add3A_153 = vector.broadcast %scan3A_151 : i32 to vector<16xi32>
      %add3A_154 = arith.addi %broadcast_in_dim3A_152, %add3A_153 : vector<16xi32>
      %add3A_155 = arith.constant 50 : i32
      %add3A_156 = arith.addi %add3A_155, %scan3A_151 : i32
      %gather3A = tpu.vector_load_idx %arg5[%add3A_5, %add3A_154] : memref<64x50xi32, #tpu.memory_space<vmem>>[vector<16xi32>, vector<16xi32>], vector<16xi32>,
      %shift_right_arithmetic3A = arith.constant 1 : i32
      %shift_right_arithmetic3A_157 = vector.broadcast %shift_right_arithmetic3A : i32 to vector<16xi32>
      %shift_right_arithmetic3A_158 = arith.shrsi %gather3A, %shift_right_arithmetic3A_157 : vector<16xi32>
      %swap3A = arith.index_cast %add3A_156 : i32 to index
      %swap3A_159 = arith.constant 0 : index
      %swap3A_160 = tpu.vector_load %arg6[%swap3A, %swap3A_159] {strides = array<i32>} : memref<200x128xi32, #tpu.memory_space<vmem>>, vector<16xi32>,
      tpu.vector_store %arg6[%swap3A, %swap3A_159], %shift_right_arithmetic3A_158 {strides = array<i32>} : memref<200x128xi32, #tpu.memory_space<vmem>>, vector<16xi32>,
      %and3A = arith.constant 1 : i32
      %and3A_161 = vector.broadcast %and3A : i32 to vector<16xi32>
      %and3A_162 = arith.andi %gather3A, %and3A_161 : vector<16xi32>
      %shift_left3A = arith.constant 6 : i32
      %shift_left3A_163 = vector.broadcast %shift_left3A : i32 to vector<16xi32>
      %shift_left3A_164 = arith.shli %and3A_162, %shift_left3A_163 : vector<16xi32>
      %swap3A_165 = arith.index_cast %add3A_156 : i32 to index
      %swap3A_166 = arith.constant 0 : index
      %swap3A_167 = tpu.vector_load %arg7[%swap3A_165, %swap3A_166] {strides = array<i32>} : memref<200x128xi32, #tpu.memory_space<vmem>>, vector<16xi32>,
      tpu.vector_store %arg7[%swap3A_165, %swap3A_166], %shift_left3A_164 {strides = array<i32>} : memref<200x128xi32, #tpu.memory_space<vmem>>, vector<16xi32>,
      %gather3A_168 = tpu.vector_load_idx %arg5[%add3A_9, %add3A_154] : memref<64x50xi32, #tpu.memory_space<vmem>>[vector<16xi32>, vector<16xi32>], vector<16xi32>,
      %shift_right_arithmetic3A_169 = arith.constant 1 : i32
      %shift_right_arithmetic3A_170 = vector.broadcast %shift_right_arithmetic3A_169 : i32 to vector<16xi32>
      %shift_right_arithmetic3A_171 = arith.shrsi %gather3A_168, %shift_right_arithmetic3A_170 : vector<16xi32>
      %swap3A_172 = arith.index_cast %add3A_156 : i32 to index
      %swap3A_173 = arith.constant 16 : index
      %swap3A_174 = tpu.vector_load %arg6[%swap3A_172, %swap3A_173] {strides = array<i32>} : memref<200x128xi32, #tpu.memory_space<vmem>>, vector<16xi32>,
      tpu.vector_store %arg6[%swap3A_172, %swap3A_173], %shift_right_arithmetic3A_171 {strides = array<i32>} : memref<200x128xi32, #tpu.memory_space<vmem>>, vector<16xi32>,
      %and3A_175 = arith.constant 1 : i32
      %and3A_176 = vector.broadcast %and3A_175 : i32 to vector<16xi32>
      %and3A_177 = arith.andi %gather3A_168, %and3A_176 : vector<16xi32>
      %shift_left3A_178 = arith.constant 6 : i32
      %shift_left3A_179 = vector.broadcast %shift_left3A_178 : i32 to vector<16xi32>
      %shift_left3A_180 = arith.shli %and3A_177, %shift_left3A_179 : vector<16xi32>
      %swap3A_181 = arith.index_cast %add3A_156 : i32 to index
      %swap3A_182 = arith.constant 16 : index
      %swap3A_183 = tpu.vector_load %arg7[%swap3A_181, %swap3A_182] {strides = array<i32>} : memref<200x128xi32, #tpu.memory_space<vmem>>, vector<16xi32>,
      tpu.vector_store %arg7[%swap3A_181, %swap3A_182], %shift_left3A_180 {strides = array<i32>} : memref<200x128xi32, #tpu.memory_space<vmem>>, vector<16xi32>,
      %gather3A_184 = tpu.vector_load_idx %arg5[%add3A_13, %add3A_154] : memref<64x50xi32, #tpu.memory_space<vmem>>[vector<16xi32>, vector<16xi32>], vector<16xi32>,
      %shift_right_arithmetic3A_185 = arith.constant 1 : i32
      %shift_right_arithmetic3A_186 = vector.broadcast %shift_right_arithmetic3A_185 : i32 to vector<16xi32>
      %shift_right_arithmetic3A_187 = arith.shrsi %gather3A_184, %shift_right_arithmetic3A_186 : vector<16xi32>
      %swap3A_188 = arith.index_cast %add3A_156 : i32 to index
      %swap3A_189 = arith.constant 32 : index
      %swap3A_190 = tpu.vector_load %arg6[%swap3A_188, %swap3A_189] {strides = array<i32>} : memref<200x128xi32, #tpu.memory_space<vmem>>, vector<16xi32>,
      tpu.vector_store %arg6[%swap3A_188, %swap3A_189], %shift_right_arithmetic3A_187 {strides = array<i32>} : memref<200x128xi32, #tpu.memory_space<vmem>>, vector<16xi32>,
      %and3A_191 = arith.constant 1 : i32
      %and3A_192 = vector.broadcast %and3A_191 : i32 to vector<16xi32>
      %and3A_193 = arith.andi %gather3A_184, %and3A_192 : vector<16xi32>
      %shift_left3A_194 = arith.constant 6 : i32
      %shift_left3A_195 = vector.broadcast %shift_left3A_194 : i32 to vector<16xi32>
      %shift_left3A_196 = arith.shli %and3A_193, %shift_left3A_195 : vector<16xi32>
      %swap3A_197 = arith.index_cast %add3A_156 : i32 to index
      %swap3A_198 = arith.constant 32 : index
      %swap3A_199 = tpu.vector_load %arg7[%swap3A_197, %swap3A_198] {strides = array<i32>} : memref<200x128xi32, #tpu.memory_space<vmem>>, vector<16xi32>,
      tpu.vector_store %arg7[%swap3A_197, %swap3A_198], %shift_left3A_196 {strides = array<i32>} : memref<200x128xi32, #tpu.memory_space<vmem>>, vector<16xi32>,
      %gather3A_200 = tpu.vector_load_idx %arg5[%add3A_17, %add3A_154] : memref<64x50xi32, #tpu.memory_space<vmem>>[vector<16xi32>, vector<16xi32>], vector<16xi32>,
      %shift_right_arithmetic3A_201 = arith.constant 1 : i32
      %shift_right_arithmetic3A_202 = vector.broadcast %shift_right_arithmetic3A_201 : i32 to vector<16xi32>
      %shift_right_arithmetic3A_203 = arith.shrsi %gather3A_200, %shift_right_arithmetic3A_202 : vector<16xi32>
      %swap3A_204 = arith.index_cast %add3A_156 : i32 to index
      %swap3A_205 = arith.constant 48 : index
      %swap3A_206 = tpu.vector_load %arg6[%swap3A_204, %swap3A_205] {strides = array<i32>} : memref<200x128xi32, #tpu.memory_space<vmem>>, vector<16xi32>,
      tpu.vector_store %arg6[%swap3A_204, %swap3A_205], %shift_right_arithmetic3A_203 {strides = array<i32>} : memref<200x128xi32, #tpu.memory_space<vmem>>, vector<16xi32>,
      %and3A_207 = arith.constant 1 : i32
      %and3A_208 = vector.broadcast %and3A_207 : i32 to vector<16xi32>
      %and3A_209 = arith.andi %gather3A_200, %and3A_208 : vector<16xi32>
      %shift_left3A_210 = arith.constant 6 : i32
      %shift_left3A_211 = vector.broadcast %shift_left3A_210 : i32 to vector<16xi32>
      %shift_left3A_212 = arith.shli %and3A_209, %shift_left3A_211 : vector<16xi32>
      %swap3A_213 = arith.index_cast %add3A_156 : i32 to index
      %swap3A_214 = arith.constant 48 : index
      %swap3A_215 = tpu.vector_load %arg7[%swap3A_213, %swap3A_214] {strides = array<i32>} : memref<200x128xi32, #tpu.memory_space<vmem>>, vector<16xi32>,
      tpu.vector_store %arg7[%swap3A_213, %swap3A_214], %shift_left3A_212 {strides = array<i32>} : memref<200x128xi32, #tpu.memory_space<vmem>>, vector<16xi32>,
    }
    %scan3A_62 = arith.constant 50 : i32
    %mul3A_63 = arith.constant 128 : i32
    %mul3A_64 = arith.muli %mul3A_2, %mul3A_63 : i32
    %add3A_65 = arith.constant 192 : i32
    %add3A_66 = arith.addi %mul3A_64, %add3A_65 : i32
    "tpu.region"() ({
      %run_scoped3A = tpu.sem_alloc : memref<!tpu.dma_semaphore, #tpu.memory_space<semaphore_mem>>
      %dma_start3A_151 = arith.constant 0 : i32
      %dma_start3A_152 = tpu.memref_slice %arg2[%add3A_66, %dma_start3A_151] : memref<16384x50xi32, #tpu.memory_space<hbm>> -> memref<64x50xi32, #tpu.memory_space<hbm>>
      %dma_start3A_153 = arith.constant 0 : i32
      %dma_start3A_154 = tpu.memref_slice %arg2[%add3A_66, %dma_start3A_153] : memref<16384x50xi32, #tpu.memory_space<hbm>> -> memref<64x50xi32, #tpu.memory_space<hbm>>
      tpu.enqueue_dma source(%dma_start3A_154 : memref<64x50xi32, #tpu.memory_space<hbm>>) target(%arg5 : memref<64x50xi32, #tpu.memory_space<vmem>>) target_semaphore(%run_scoped3A : memref<!tpu.dma_semaphore, #tpu.memory_space<semaphore_mem>>)
      %dma_wait3A_155 = arith.constant 0 : i32
      %dma_wait3A_156 = tpu.memref_slice %arg2[%add3A_66, %dma_wait3A_155] : memref<16384x50xi32, #tpu.memory_space<hbm>> -> memref<64x50xi32, #tpu.memory_space<hbm>>
      %dma_wait3A_157 = arith.constant 0 : i32
      %dma_wait3A_158 = tpu.memref_slice %arg2[%add3A_66, %dma_wait3A_157] : memref<16384x50xi32, #tpu.memory_space<hbm>> -> memref<64x50xi32, #tpu.memory_space<hbm>>
      tpu.wait_dma2 semaphore(%run_scoped3A : memref<!tpu.dma_semaphore, #tpu.memory_space<semaphore_mem>>) src(%dma_wait3A_158 : memref<64x50xi32, #tpu.memory_space<hbm>>) dst(%arg5 : memref<64x50xi32, #tpu.memory_space<vmem>>)
      tpu.yield
    }) : () -> ()
    %scan3A_67 = arith.constant 0 : i32
    %scan3A_68 = arith.constant 0 : i32
    %scan3A_69 = arith.constant 50 : i32
    %scan3A_70 = arith.addi %scan3A_68, %scan3A_69 : i32
    %scan3A_71 = arith.constant 1 : i32
    scf.for %scan3A_151 = %scan3A_68 to %scan3A_70 step %scan3A_71  : i32 {
      %broadcast_in_dim3A = arith.constant 0 : i32
      %broadcast_in_dim3A_152 = vector.broadcast %broadcast_in_dim3A : i32 to vector<16xi32>
      %add3A_153 = vector.broadcast %scan3A_151 : i32 to vector<16xi32>
      %add3A_154 = arith.addi %broadcast_in_dim3A_152, %add3A_153 : vector<16xi32>
      %add3A_155 = arith.constant 50 : i32
      %add3A_156 = arith.addi %add3A_155, %scan3A_151 : i32
      %gather3A = tpu.vector_load_idx %arg5[%add3A_5, %add3A_154] : memref<64x50xi32, #tpu.memory_space<vmem>>[vector<16xi32>, vector<16xi32>], vector<16xi32>,
      %shift_right_arithmetic3A = arith.constant 1 : i32
      %shift_right_arithmetic3A_157 = vector.broadcast %shift_right_arithmetic3A : i32 to vector<16xi32>
      %shift_right_arithmetic3A_158 = arith.shrsi %gather3A, %shift_right_arithmetic3A_157 : vector<16xi32>
      %swap3A = arith.index_cast %add3A_156 : i32 to index
      %swap3A_159 = arith.constant 64 : index
      %swap3A_160 = tpu.vector_load %arg6[%swap3A, %swap3A_159] {strides = array<i32>} : memref<200x128xi32, #tpu.memory_space<vmem>>, vector<16xi32>,
      tpu.vector_store %arg6[%swap3A, %swap3A_159], %shift_right_arithmetic3A_158 {strides = array<i32>} : memref<200x128xi32, #tpu.memory_space<vmem>>, vector<16xi32>,
      %and3A = arith.constant 1 : i32
      %and3A_161 = vector.broadcast %and3A : i32 to vector<16xi32>
      %and3A_162 = arith.andi %gather3A, %and3A_161 : vector<16xi32>
      %shift_left3A = arith.constant 6 : i32
      %shift_left3A_163 = vector.broadcast %shift_left3A : i32 to vector<16xi32>
      %shift_left3A_164 = arith.shli %and3A_162, %shift_left3A_163 : vector<16xi32>
      %swap3A_165 = arith.index_cast %add3A_156 : i32 to index
      %swap3A_166 = arith.constant 64 : index
      %swap3A_167 = tpu.vector_load %arg7[%swap3A_165, %swap3A_166] {strides = array<i32>} : memref<200x128xi32, #tpu.memory_space<vmem>>, vector<16xi32>,
      tpu.vector_store %arg7[%swap3A_165, %swap3A_166], %shift_left3A_164 {strides = array<i32>} : memref<200x128xi32, #tpu.memory_space<vmem>>, vector<16xi32>,
      %gather3A_168 = tpu.vector_load_idx %arg5[%add3A_9, %add3A_154] : memref<64x50xi32, #tpu.memory_space<vmem>>[vector<16xi32>, vector<16xi32>], vector<16xi32>,
      %shift_right_arithmetic3A_169 = arith.constant 1 : i32
      %shift_right_arithmetic3A_170 = vector.broadcast %shift_right_arithmetic3A_169 : i32 to vector<16xi32>
      %shift_right_arithmetic3A_171 = arith.shrsi %gather3A_168, %shift_right_arithmetic3A_170 : vector<16xi32>
      %swap3A_172 = arith.index_cast %add3A_156 : i32 to index
      %swap3A_173 = arith.constant 80 : index
      %swap3A_174 = tpu.vector_load %arg6[%swap3A_172, %swap3A_173] {strides = array<i32>} : memref<200x128xi32, #tpu.memory_space<vmem>>, vector<16xi32>,
      tpu.vector_store %arg6[%swap3A_172, %swap3A_173], %shift_right_arithmetic3A_171 {strides = array<i32>} : memref<200x128xi32, #tpu.memory_space<vmem>>, vector<16xi32>,
      %and3A_175 = arith.constant 1 : i32
      %and3A_176 = vector.broadcast %and3A_175 : i32 to vector<16xi32>
      %and3A_177 = arith.andi %gather3A_168, %and3A_176 : vector<16xi32>
      %shift_left3A_178 = arith.constant 6 : i32
      %shift_left3A_179 = vector.broadcast %shift_left3A_178 : i32 to vector<16xi32>
      %shift_left3A_180 = arith.shli %and3A_177, %shift_left3A_179 : vector<16xi32>
      %swap3A_181 = arith.index_cast %add3A_156 : i32 to index
      %swap3A_182 = arith.constant 80 : index
      %swap3A_183 = tpu.vector_load %arg7[%swap3A_181, %swap3A_182] {strides = array<i32>} : memref<200x128xi32, #tpu.memory_space<vmem>>, vector<16xi32>,
      tpu.vector_store %arg7[%swap3A_181, %swap3A_182], %shift_left3A_180 {strides = array<i32>} : memref<200x128xi32, #tpu.memory_space<vmem>>, vector<16xi32>,
      %gather3A_184 = tpu.vector_load_idx %arg5[%add3A_13, %add3A_154] : memref<64x50xi32, #tpu.memory_space<vmem>>[vector<16xi32>, vector<16xi32>], vector<16xi32>,
      %shift_right_arithmetic3A_185 = arith.constant 1 : i32
      %shift_right_arithmetic3A_186 = vector.broadcast %shift_right_arithmetic3A_185 : i32 to vector<16xi32>
      %shift_right_arithmetic3A_187 = arith.shrsi %gather3A_184, %shift_right_arithmetic3A_186 : vector<16xi32>
      %swap3A_188 = arith.index_cast %add3A_156 : i32 to index
      %swap3A_189 = arith.constant 96 : index
      %swap3A_190 = tpu.vector_load %arg6[%swap3A_188, %swap3A_189] {strides = array<i32>} : memref<200x128xi32, #tpu.memory_space<vmem>>, vector<16xi32>,
      tpu.vector_store %arg6[%swap3A_188, %swap3A_189], %shift_right_arithmetic3A_187 {strides = array<i32>} : memref<200x128xi32, #tpu.memory_space<vmem>>, vector<16xi32>,
      %and3A_191 = arith.constant 1 : i32
      %and3A_192 = vector.broadcast %and3A_191 : i32 to vector<16xi32>
      %and3A_193 = arith.andi %gather3A_184, %and3A_192 : vector<16xi32>
      %shift_left3A_194 = arith.constant 6 : i32
      %shift_left3A_195 = vector.broadcast %shift_left3A_194 : i32 to vector<16xi32>
      %shift_left3A_196 = arith.shli %and3A_193, %shift_left3A_195 : vector<16xi32>
      %swap3A_197 = arith.index_cast %add3A_156 : i32 to index
      %swap3A_198 = arith.constant 96 : index
      %swap3A_199 = tpu.vector_load %arg7[%swap3A_197, %swap3A_198] {strides = array<i32>} : memref<200x128xi32, #tpu.memory_space<vmem>>, vector<16xi32>,
      tpu.vector_store %arg7[%swap3A_197, %swap3A_198], %shift_left3A_196 {strides = array<i32>} : memref<200x128xi32, #tpu.memory_space<vmem>>, vector<16xi32>,
      %gather3A_200 = tpu.vector_load_idx %arg5[%add3A_17, %add3A_154] : memref<64x50xi32, #tpu.memory_space<vmem>>[vector<16xi32>, vector<16xi32>], vector<16xi32>,
      %shift_right_arithmetic3A_201 = arith.constant 1 : i32
      %shift_right_arithmetic3A_202 = vector.broadcast %shift_right_arithmetic3A_201 : i32 to vector<16xi32>
      %shift_right_arithmetic3A_203 = arith.shrsi %gather3A_200, %shift_right_arithmetic3A_202 : vector<16xi32>
      %swap3A_204 = arith.index_cast %add3A_156 : i32 to index
      %swap3A_205 = arith.constant 112 : index
      %swap3A_206 = tpu.vector_load %arg6[%swap3A_204, %swap3A_205] {strides = array<i32>} : memref<200x128xi32, #tpu.memory_space<vmem>>, vector<16xi32>,
      tpu.vector_store %arg6[%swap3A_204, %swap3A_205], %shift_right_arithmetic3A_203 {strides = array<i32>} : memref<200x128xi32, #tpu.memory_space<vmem>>, vector<16xi32>,
      %and3A_207 = arith.constant 1 : i32
      %and3A_208 = vector.broadcast %and3A_207 : i32 to vector<16xi32>
      %and3A_209 = arith.andi %gather3A_200, %and3A_208 : vector<16xi32>
      %shift_left3A_210 = arith.constant 6 : i32
      %shift_left3A_211 = vector.broadcast %shift_left3A_210 : i32 to vector<16xi32>
      %shift_left3A_212 = arith.shli %and3A_209, %shift_left3A_211 : vector<16xi32>
      %swap3A_213 = arith.index_cast %add3A_156 : i32 to index
      %swap3A_214 = arith.constant 112 : index
      %swap3A_215 = tpu.vector_load %arg7[%swap3A_213, %swap3A_214] {strides = array<i32>} : memref<200x128xi32, #tpu.memory_space<vmem>>, vector<16xi32>,
      tpu.vector_store %arg7[%swap3A_213, %swap3A_214], %shift_left3A_212 {strides = array<i32>} : memref<200x128xi32, #tpu.memory_space<vmem>>, vector<16xi32>,
    }
    %scan3A_72 = arith.constant 50 : i32
    %mul3A_73 = arith.constant 128 : i32
    %mul3A_74 = arith.muli %mul3A_2, %mul3A_73 : i32
    %add3A_75 = arith.constant 256 : i32
    %add3A_76 = arith.addi %mul3A_74, %add3A_75 : i32
    "tpu.region"() ({
      %run_scoped3A = tpu.sem_alloc : memref<!tpu.dma_semaphore, #tpu.memory_space<semaphore_mem>>
      %dma_start3A_151 = arith.constant 0 : i32
      %dma_start3A_152 = tpu.memref_slice %arg2[%add3A_76, %dma_start3A_151] : memref<16384x50xi32, #tpu.memory_space<hbm>> -> memref<64x50xi32, #tpu.memory_space<hbm>>
      %dma_start3A_153 = arith.constant 0 : i32
      %dma_start3A_154 = tpu.memref_slice %arg2[%add3A_76, %dma_start3A_153] : memref<16384x50xi32, #tpu.memory_space<hbm>> -> memref<64x50xi32, #tpu.memory_space<hbm>>
      tpu.enqueue_dma source(%dma_start3A_154 : memref<64x50xi32, #tpu.memory_space<hbm>>) target(%arg5 : memref<64x50xi32, #tpu.memory_space<vmem>>) target_semaphore(%run_scoped3A : memref<!tpu.dma_semaphore, #tpu.memory_space<semaphore_mem>>)
      %dma_wait3A_155 = arith.constant 0 : i32
      %dma_wait3A_156 = tpu.memref_slice %arg2[%add3A_76, %dma_wait3A_155] : memref<16384x50xi32, #tpu.memory_space<hbm>> -> memref<64x50xi32, #tpu.memory_space<hbm>>
      %dma_wait3A_157 = arith.constant 0 : i32
      %dma_wait3A_158 = tpu.memref_slice %arg2[%add3A_76, %dma_wait3A_157] : memref<16384x50xi32, #tpu.memory_space<hbm>> -> memref<64x50xi32, #tpu.memory_space<hbm>>
      tpu.wait_dma2 semaphore(%run_scoped3A : memref<!tpu.dma_semaphore, #tpu.memory_space<semaphore_mem>>) src(%dma_wait3A_158 : memref<64x50xi32, #tpu.memory_space<hbm>>) dst(%arg5 : memref<64x50xi32, #tpu.memory_space<vmem>>)
      tpu.yield
    }) : () -> ()
    %scan3A_77 = arith.constant 0 : i32
    %scan3A_78 = arith.constant 0 : i32
    %scan3A_79 = arith.constant 50 : i32
    %scan3A_80 = arith.addi %scan3A_78, %scan3A_79 : i32
    %scan3A_81 = arith.constant 1 : i32
    scf.for %scan3A_151 = %scan3A_78 to %scan3A_80 step %scan3A_81  : i32 {
      %broadcast_in_dim3A = arith.constant 0 : i32
      %broadcast_in_dim3A_152 = vector.broadcast %broadcast_in_dim3A : i32 to vector<16xi32>
      %add3A_153 = vector.broadcast %scan3A_151 : i32 to vector<16xi32>
      %add3A_154 = arith.addi %broadcast_in_dim3A_152, %add3A_153 : vector<16xi32>
      %add3A_155 = arith.constant 100 : i32
      %add3A_156 = arith.addi %add3A_155, %scan3A_151 : i32
      %gather3A = tpu.vector_load_idx %arg5[%add3A_5, %add3A_154] : memref<64x50xi32, #tpu.memory_space<vmem>>[vector<16xi32>, vector<16xi32>], vector<16xi32>,
      %shift_right_arithmetic3A = arith.constant 1 : i32
      %shift_right_arithmetic3A_157 = vector.broadcast %shift_right_arithmetic3A : i32 to vector<16xi32>
      %shift_right_arithmetic3A_158 = arith.shrsi %gather3A, %shift_right_arithmetic3A_157 : vector<16xi32>
      %swap3A = arith.index_cast %add3A_156 : i32 to index
      %swap3A_159 = arith.constant 0 : index
      %swap3A_160 = tpu.vector_load %arg6[%swap3A, %swap3A_159] {strides = array<i32>} : memref<200x128xi32, #tpu.memory_space<vmem>>, vector<16xi32>,
      tpu.vector_store %arg6[%swap3A, %swap3A_159], %shift_right_arithmetic3A_158 {strides = array<i32>} : memref<200x128xi32, #tpu.memory_space<vmem>>, vector<16xi32>,
      %and3A = arith.constant 1 : i32
      %and3A_161 = vector.broadcast %and3A : i32 to vector<16xi32>
      %and3A_162 = arith.andi %gather3A, %and3A_161 : vector<16xi32>
      %shift_left3A = arith.constant 6 : i32
      %shift_left3A_163 = vector.broadcast %shift_left3A : i32 to vector<16xi32>
      %shift_left3A_164 = arith.shli %and3A_162, %shift_left3A_163 : vector<16xi32>
      %swap3A_165 = arith.index_cast %add3A_156 : i32 to index
      %swap3A_166 = arith.constant 0 : index
      %swap3A_167 = tpu.vector_load %arg7[%swap3A_165, %swap3A_166] {strides = array<i32>} : memref<200x128xi32, #tpu.memory_space<vmem>>, vector<16xi32>,
      tpu.vector_store %arg7[%swap3A_165, %swap3A_166], %shift_left3A_164 {strides = array<i32>} : memref<200x128xi32, #tpu.memory_space<vmem>>, vector<16xi32>,
      %gather3A_168 = tpu.vector_load_idx %arg5[%add3A_9, %add3A_154] : memref<64x50xi32, #tpu.memory_space<vmem>>[vector<16xi32>, vector<16xi32>], vector<16xi32>,
      %shift_right_arithmetic3A_169 = arith.constant 1 : i32
      %shift_right_arithmetic3A_170 = vector.broadcast %shift_right_arithmetic3A_169 : i32 to vector<16xi32>
      %shift_right_arithmetic3A_171 = arith.shrsi %gather3A_168, %shift_right_arithmetic3A_170 : vector<16xi32>
      %swap3A_172 = arith.index_cast %add3A_156 : i32 to index
      %swap3A_173 = arith.constant 16 : index
      %swap3A_174 = tpu.vector_load %arg6[%swap3A_172, %swap3A_173] {strides = array<i32>} : memref<200x128xi32, #tpu.memory_space<vmem>>, vector<16xi32>,
      tpu.vector_store %arg6[%swap3A_172, %swap3A_173], %shift_right_arithmetic3A_171 {strides = array<i32>} : memref<200x128xi32, #tpu.memory_space<vmem>>, vector<16xi32>,
      %and3A_175 = arith.constant 1 : i32
      %and3A_176 = vector.broadcast %and3A_175 : i32 to vector<16xi32>
      %and3A_177 = arith.andi %gather3A_168, %and3A_176 : vector<16xi32>
      %shift_left3A_178 = arith.constant 6 : i32
      %shift_left3A_179 = vector.broadcast %shift_left3A_178 : i32 to vector<16xi32>
      %shift_left3A_180 = arith.shli %and3A_177, %shift_left3A_179 : vector<16xi32>
      %swap3A_181 = arith.index_cast %add3A_156 : i32 to index
      %swap3A_182 = arith.constant 16 : index
      %swap3A_183 = tpu.vector_load %arg7[%swap3A_181, %swap3A_182] {strides = array<i32>} : memref<200x128xi32, #tpu.memory_space<vmem>>, vector<16xi32>,
      tpu.vector_store %arg7[%swap3A_181, %swap3A_182], %shift_left3A_180 {strides = array<i32>} : memref<200x128xi32, #tpu.memory_space<vmem>>, vector<16xi32>,
      %gather3A_184 = tpu.vector_load_idx %arg5[%add3A_13, %add3A_154] : memref<64x50xi32, #tpu.memory_space<vmem>>[vector<16xi32>, vector<16xi32>], vector<16xi32>,
      %shift_right_arithmetic3A_185 = arith.constant 1 : i32
      %shift_right_arithmetic3A_186 = vector.broadcast %shift_right_arithmetic3A_185 : i32 to vector<16xi32>
      %shift_right_arithmetic3A_187 = arith.shrsi %gather3A_184, %shift_right_arithmetic3A_186 : vector<16xi32>
      %swap3A_188 = arith.index_cast %add3A_156 : i32 to index
      %swap3A_189 = arith.constant 32 : index
      %swap3A_190 = tpu.vector_load %arg6[%swap3A_188, %swap3A_189] {strides = array<i32>} : memref<200x128xi32, #tpu.memory_space<vmem>>, vector<16xi32>,
      tpu.vector_store %arg6[%swap3A_188, %swap3A_189], %shift_right_arithmetic3A_187 {strides = array<i32>} : memref<200x128xi32, #tpu.memory_space<vmem>>, vector<16xi32>,
      %and3A_191 = arith.constant 1 : i32
      %and3A_192 = vector.broadcast %and3A_191 : i32 to vector<16xi32>
      %and3A_193 = arith.andi %gather3A_184, %and3A_192 : vector<16xi32>
      %shift_left3A_194 = arith.constant 6 : i32
      %shift_left3A_195 = vector.broadcast %shift_left3A_194 : i32 to vector<16xi32>
      %shift_left3A_196 = arith.shli %and3A_193, %shift_left3A_195 : vector<16xi32>
      %swap3A_197 = arith.index_cast %add3A_156 : i32 to index
      %swap3A_198 = arith.constant 32 : index
      %swap3A_199 = tpu.vector_load %arg7[%swap3A_197, %swap3A_198] {strides = array<i32>} : memref<200x128xi32, #tpu.memory_space<vmem>>, vector<16xi32>,
      tpu.vector_store %arg7[%swap3A_197, %swap3A_198], %shift_left3A_196 {strides = array<i32>} : memref<200x128xi32, #tpu.memory_space<vmem>>, vector<16xi32>,
      %gather3A_200 = tpu.vector_load_idx %arg5[%add3A_17, %add3A_154] : memref<64x50xi32, #tpu.memory_space<vmem>>[vector<16xi32>, vector<16xi32>], vector<16xi32>,
      %shift_right_arithmetic3A_201 = arith.constant 1 : i32
      %shift_right_arithmetic3A_202 = vector.broadcast %shift_right_arithmetic3A_201 : i32 to vector<16xi32>
      %shift_right_arithmetic3A_203 = arith.shrsi %gather3A_200, %shift_right_arithmetic3A_202 : vector<16xi32>
      %swap3A_204 = arith.index_cast %add3A_156 : i32 to index
      %swap3A_205 = arith.constant 48 : index
      %swap3A_206 = tpu.vector_load %arg6[%swap3A_204, %swap3A_205] {strides = array<i32>} : memref<200x128xi32, #tpu.memory_space<vmem>>, vector<16xi32>,
      tpu.vector_store %arg6[%swap3A_204, %swap3A_205], %shift_right_arithmetic3A_203 {strides = array<i32>} : memref<200x128xi32, #tpu.memory_space<vmem>>, vector<16xi32>,
      %and3A_207 = arith.constant 1 : i32
      %and3A_208 = vector.broadcast %and3A_207 : i32 to vector<16xi32>
      %and3A_209 = arith.andi %gather3A_200, %and3A_208 : vector<16xi32>
      %shift_left3A_210 = arith.constant 6 : i32
      %shift_left3A_211 = vector.broadcast %shift_left3A_210 : i32 to vector<16xi32>
      %shift_left3A_212 = arith.shli %and3A_209, %shift_left3A_211 : vector<16xi32>
      %swap3A_213 = arith.index_cast %add3A_156 : i32 to index
      %swap3A_214 = arith.constant 48 : index
      %swap3A_215 = tpu.vector_load %arg7[%swap3A_213, %swap3A_214] {strides = array<i32>} : memref<200x128xi32, #tpu.memory_space<vmem>>, vector<16xi32>,
      tpu.vector_store %arg7[%swap3A_213, %swap3A_214], %shift_left3A_212 {strides = array<i32>} : memref<200x128xi32, #tpu.memory_space<vmem>>, vector<16xi32>,
    }
    %scan3A_82 = arith.constant 50 : i32
    %mul3A_83 = arith.constant 128 : i32
    %mul3A_84 = arith.muli %mul3A_2, %mul3A_83 : i32
    %add3A_85 = arith.constant 320 : i32
    %add3A_86 = arith.addi %mul3A_84, %add3A_85 : i32
    "tpu.region"() ({
      %run_scoped3A = tpu.sem_alloc : memref<!tpu.dma_semaphore, #tpu.memory_space<semaphore_mem>>
      %dma_start3A_151 = arith.constant 0 : i32
      %dma_start3A_152 = tpu.memref_slice %arg2[%add3A_86, %dma_start3A_151] : memref<16384x50xi32, #tpu.memory_space<hbm>> -> memref<64x50xi32, #tpu.memory_space<hbm>>
      %dma_start3A_153 = arith.constant 0 : i32
      %dma_start3A_154 = tpu.memref_slice %arg2[%add3A_86, %dma_start3A_153] : memref<16384x50xi32, #tpu.memory_space<hbm>> -> memref<64x50xi32, #tpu.memory_space<hbm>>
      tpu.enqueue_dma source(%dma_start3A_154 : memref<64x50xi32, #tpu.memory_space<hbm>>) target(%arg5 : memref<64x50xi32, #tpu.memory_space<vmem>>) target_semaphore(%run_scoped3A : memref<!tpu.dma_semaphore, #tpu.memory_space<semaphore_mem>>)
      %dma_wait3A_155 = arith.constant 0 : i32
      %dma_wait3A_156 = tpu.memref_slice %arg2[%add3A_86, %dma_wait3A_155] : memref<16384x50xi32, #tpu.memory_space<hbm>> -> memref<64x50xi32, #tpu.memory_space<hbm>>
      %dma_wait3A_157 = arith.constant 0 : i32
      %dma_wait3A_158 = tpu.memref_slice %arg2[%add3A_86, %dma_wait3A_157] : memref<16384x50xi32, #tpu.memory_space<hbm>> -> memref<64x50xi32, #tpu.memory_space<hbm>>
      tpu.wait_dma2 semaphore(%run_scoped3A : memref<!tpu.dma_semaphore, #tpu.memory_space<semaphore_mem>>) src(%dma_wait3A_158 : memref<64x50xi32, #tpu.memory_space<hbm>>) dst(%arg5 : memref<64x50xi32, #tpu.memory_space<vmem>>)
      tpu.yield
    }) : () -> ()
    %scan3A_87 = arith.constant 0 : i32
    %scan3A_88 = arith.constant 0 : i32
    %scan3A_89 = arith.constant 50 : i32
    %scan3A_90 = arith.addi %scan3A_88, %scan3A_89 : i32
    %scan3A_91 = arith.constant 1 : i32
    scf.for %scan3A_151 = %scan3A_88 to %scan3A_90 step %scan3A_91  : i32 {
      %broadcast_in_dim3A = arith.constant 0 : i32
      %broadcast_in_dim3A_152 = vector.broadcast %broadcast_in_dim3A : i32 to vector<16xi32>
      %add3A_153 = vector.broadcast %scan3A_151 : i32 to vector<16xi32>
      %add3A_154 = arith.addi %broadcast_in_dim3A_152, %add3A_153 : vector<16xi32>
      %add3A_155 = arith.constant 100 : i32
      %add3A_156 = arith.addi %add3A_155, %scan3A_151 : i32
      %gather3A = tpu.vector_load_idx %arg5[%add3A_5, %add3A_154] : memref<64x50xi32, #tpu.memory_space<vmem>>[vector<16xi32>, vector<16xi32>], vector<16xi32>,
      %shift_right_arithmetic3A = arith.constant 1 : i32
      %shift_right_arithmetic3A_157 = vector.broadcast %shift_right_arithmetic3A : i32 to vector<16xi32>
      %shift_right_arithmetic3A_158 = arith.shrsi %gather3A, %shift_right_arithmetic3A_157 : vector<16xi32>
      %swap3A = arith.index_cast %add3A_156 : i32 to index
      %swap3A_159 = arith.constant 64 : index
      %swap3A_160 = tpu.vector_load %arg6[%swap3A, %swap3A_159] {strides = array<i32>} : memref<200x128xi32, #tpu.memory_space<vmem>>, vector<16xi32>,
      tpu.vector_store %arg6[%swap3A, %swap3A_159], %shift_right_arithmetic3A_158 {strides = array<i32>} : memref<200x128xi32, #tpu.memory_space<vmem>>, vector<16xi32>,
      %and3A = arith.constant 1 : i32
      %and3A_161 = vector.broadcast %and3A : i32 to vector<16xi32>
      %and3A_162 = arith.andi %gather3A, %and3A_161 : vector<16xi32>
      %shift_left3A = arith.constant 6 : i32
      %shift_left3A_163 = vector.broadcast %shift_left3A : i32 to vector<16xi32>
      %shift_left3A_164 = arith.shli %and3A_162, %shift_left3A_163 : vector<16xi32>
      %swap3A_165 = arith.index_cast %add3A_156 : i32 to index
      %swap3A_166 = arith.constant 64 : index
      %swap3A_167 = tpu.vector_load %arg7[%swap3A_165, %swap3A_166] {strides = array<i32>} : memref<200x128xi32, #tpu.memory_space<vmem>>, vector<16xi32>,
      tpu.vector_store %arg7[%swap3A_165, %swap3A_166], %shift_left3A_164 {strides = array<i32>} : memref<200x128xi32, #tpu.memory_space<vmem>>, vector<16xi32>,
      %gather3A_168 = tpu.vector_load_idx %arg5[%add3A_9, %add3A_154] : memref<64x50xi32, #tpu.memory_space<vmem>>[vector<16xi32>, vector<16xi32>], vector<16xi32>,
      %shift_right_arithmetic3A_169 = arith.constant 1 : i32
      %shift_right_arithmetic3A_170 = vector.broadcast %shift_right_arithmetic3A_169 : i32 to vector<16xi32>
      %shift_right_arithmetic3A_171 = arith.shrsi %gather3A_168, %shift_right_arithmetic3A_170 : vector<16xi32>
      %swap3A_172 = arith.index_cast %add3A_156 : i32 to index
      %swap3A_173 = arith.constant 80 : index
      %swap3A_174 = tpu.vector_load %arg6[%swap3A_172, %swap3A_173] {strides = array<i32>} : memref<200x128xi32, #tpu.memory_space<vmem>>, vector<16xi32>,
      tpu.vector_store %arg6[%swap3A_172, %swap3A_173], %shift_right_arithmetic3A_171 {strides = array<i32>} : memref<200x128xi32, #tpu.memory_space<vmem>>, vector<16xi32>,
      %and3A_175 = arith.constant 1 : i32
      %and3A_176 = vector.broadcast %and3A_175 : i32 to vector<16xi32>
      %and3A_177 = arith.andi %gather3A_168, %and3A_176 : vector<16xi32>
      %shift_left3A_178 = arith.constant 6 : i32
      %shift_left3A_179 = vector.broadcast %shift_left3A_178 : i32 to vector<16xi32>
      %shift_left3A_180 = arith.shli %and3A_177, %shift_left3A_179 : vector<16xi32>
      %swap3A_181 = arith.index_cast %add3A_156 : i32 to index
      %swap3A_182 = arith.constant 80 : index
      %swap3A_183 = tpu.vector_load %arg7[%swap3A_181, %swap3A_182] {strides = array<i32>} : memref<200x128xi32, #tpu.memory_space<vmem>>, vector<16xi32>,
      tpu.vector_store %arg7[%swap3A_181, %swap3A_182], %shift_left3A_180 {strides = array<i32>} : memref<200x128xi32, #tpu.memory_space<vmem>>, vector<16xi32>,
      %gather3A_184 = tpu.vector_load_idx %arg5[%add3A_13, %add3A_154] : memref<64x50xi32, #tpu.memory_space<vmem>>[vector<16xi32>, vector<16xi32>], vector<16xi32>,
      %shift_right_arithmetic3A_185 = arith.constant 1 : i32
      %shift_right_arithmetic3A_186 = vector.broadcast %shift_right_arithmetic3A_185 : i32 to vector<16xi32>
      %shift_right_arithmetic3A_187 = arith.shrsi %gather3A_184, %shift_right_arithmetic3A_186 : vector<16xi32>
      %swap3A_188 = arith.index_cast %add3A_156 : i32 to index
      %swap3A_189 = arith.constant 96 : index
      %swap3A_190 = tpu.vector_load %arg6[%swap3A_188, %swap3A_189] {strides = array<i32>} : memref<200x128xi32, #tpu.memory_space<vmem>>, vector<16xi32>,
      tpu.vector_store %arg6[%swap3A_188, %swap3A_189], %shift_right_arithmetic3A_187 {strides = array<i32>} : memref<200x128xi32, #tpu.memory_space<vmem>>, vector<16xi32>,
      %and3A_191 = arith.constant 1 : i32
      %and3A_192 = vector.broadcast %and3A_191 : i32 to vector<16xi32>
      %and3A_193 = arith.andi %gather3A_184, %and3A_192 : vector<16xi32>
      %shift_left3A_194 = arith.constant 6 : i32
      %shift_left3A_195 = vector.broadcast %shift_left3A_194 : i32 to vector<16xi32>
      %shift_left3A_196 = arith.shli %and3A_193, %shift_left3A_195 : vector<16xi32>
      %swap3A_197 = arith.index_cast %add3A_156 : i32 to index
      %swap3A_198 = arith.constant 96 : index
      %swap3A_199 = tpu.vector_load %arg7[%swap3A_197, %swap3A_198] {strides = array<i32>} : memref<200x128xi32, #tpu.memory_space<vmem>>, vector<16xi32>,
      tpu.vector_store %arg7[%swap3A_197, %swap3A_198], %shift_left3A_196 {strides = array<i32>} : memref<200x128xi32, #tpu.memory_space<vmem>>, vector<16xi32>,
      %gather3A_200 = tpu.vector_load_idx %arg5[%add3A_17, %add3A_154] : memref<64x50xi32, #tpu.memory_space<vmem>>[vector<16xi32>, vector<16xi32>], vector<16xi32>,
      %shift_right_arithmetic3A_201 = arith.constant 1 : i32
      %shift_right_arithmetic3A_202 = vector.broadcast %shift_right_arithmetic3A_201 : i32 to vector<16xi32>
      %shift_right_arithmetic3A_203 = arith.shrsi %gather3A_200, %shift_right_arithmetic3A_202 : vector<16xi32>
      %swap3A_204 = arith.index_cast %add3A_156 : i32 to index
      %swap3A_205 = arith.constant 112 : index
      %swap3A_206 = tpu.vector_load %arg6[%swap3A_204, %swap3A_205] {strides = array<i32>} : memref<200x128xi32, #tpu.memory_space<vmem>>, vector<16xi32>,
      tpu.vector_store %arg6[%swap3A_204, %swap3A_205], %shift_right_arithmetic3A_203 {strides = array<i32>} : memref<200x128xi32, #tpu.memory_space<vmem>>, vector<16xi32>,
      %and3A_207 = arith.constant 1 : i32
      %and3A_208 = vector.broadcast %and3A_207 : i32 to vector<16xi32>
      %and3A_209 = arith.andi %gather3A_200, %and3A_208 : vector<16xi32>
      %shift_left3A_210 = arith.constant 6 : i32
      %shift_left3A_211 = vector.broadcast %shift_left3A_210 : i32 to vector<16xi32>
      %shift_left3A_212 = arith.shli %and3A_209, %shift_left3A_211 : vector<16xi32>
      %swap3A_213 = arith.index_cast %add3A_156 : i32 to index
      %swap3A_214 = arith.constant 112 : index
      %swap3A_215 = tpu.vector_load %arg7[%swap3A_213, %swap3A_214] {strides = array<i32>} : memref<200x128xi32, #tpu.memory_space<vmem>>, vector<16xi32>,
      tpu.vector_store %arg7[%swap3A_213, %swap3A_214], %shift_left3A_212 {strides = array<i32>} : memref<200x128xi32, #tpu.memory_space<vmem>>, vector<16xi32>,
    }
    %scan3A_92 = arith.constant 50 : i32
    %mul3A_93 = arith.constant 128 : i32
    %mul3A_94 = arith.muli %mul3A_2, %mul3A_93 : i32
    %add3A_95 = arith.constant 384 : i32
    %add3A_96 = arith.addi %mul3A_94, %add3A_95 : i32
    "tpu.region"() ({
      %run_scoped3A = tpu.sem_alloc : memref<!tpu.dma_semaphore, #tpu.memory_space<semaphore_mem>>
      %dma_start3A_151 = arith.constant 0 : i32
      %dma_start3A_152 = tpu.memref_slice %arg2[%add3A_96, %dma_start3A_151] : memref<16384x50xi32, #tpu.memory_space<hbm>> -> memref<64x50xi32, #tpu.memory_space<hbm>>
      %dma_start3A_153 = arith.constant 0 : i32
      %dma_start3A_154 = tpu.memref_slice %arg2[%add3A_96, %dma_start3A_153] : memref<16384x50xi32, #tpu.memory_space<hbm>> -> memref<64x50xi32, #tpu.memory_space<hbm>>
      tpu.enqueue_dma source(%dma_start3A_154 : memref<64x50xi32, #tpu.memory_space<hbm>>) target(%arg5 : memref<64x50xi32, #tpu.memory_space<vmem>>) target_semaphore(%run_scoped3A : memref<!tpu.dma_semaphore, #tpu.memory_space<semaphore_mem>>)
      %dma_wait3A_155 = arith.constant 0 : i32
      %dma_wait3A_156 = tpu.memref_slice %arg2[%add3A_96, %dma_wait3A_155] : memref<16384x50xi32, #tpu.memory_space<hbm>> -> memref<64x50xi32, #tpu.memory_space<hbm>>
      %dma_wait3A_157 = arith.constant 0 : i32
      %dma_wait3A_158 = tpu.memref_slice %arg2[%add3A_96, %dma_wait3A_157] : memref<16384x50xi32, #tpu.memory_space<hbm>> -> memref<64x50xi32, #tpu.memory_space<hbm>>
      tpu.wait_dma2 semaphore(%run_scoped3A : memref<!tpu.dma_semaphore, #tpu.memory_space<semaphore_mem>>) src(%dma_wait3A_158 : memref<64x50xi32, #tpu.memory_space<hbm>>) dst(%arg5 : memref<64x50xi32, #tpu.memory_space<vmem>>)
      tpu.yield
    }) : () -> ()
    %scan3A_97 = arith.constant 0 : i32
    %scan3A_98 = arith.constant 0 : i32
    %scan3A_99 = arith.constant 50 : i32
    %scan3A_100 = arith.addi %scan3A_98, %scan3A_99 : i32
    %scan3A_101 = arith.constant 1 : i32
    scf.for %scan3A_151 = %scan3A_98 to %scan3A_100 step %scan3A_101  : i32 {
      %broadcast_in_dim3A = arith.constant 0 : i32
      %broadcast_in_dim3A_152 = vector.broadcast %broadcast_in_dim3A : i32 to vector<16xi32>
      %add3A_153 = vector.broadcast %scan3A_151 : i32 to vector<16xi32>
      %add3A_154 = arith.addi %broadcast_in_dim3A_152, %add3A_153 : vector<16xi32>
      %add3A_155 = arith.constant 150 : i32
      %add3A_156 = arith.addi %add3A_155, %scan3A_151 : i32
      %gather3A = tpu.vector_load_idx %arg5[%add3A_5, %add3A_154] : memref<64x50xi32, #tpu.memory_space<vmem>>[vector<16xi32>, vector<16xi32>], vector<16xi32>,
      %shift_right_arithmetic3A = arith.constant 1 : i32
      %shift_right_arithmetic3A_157 = vector.broadcast %shift_right_arithmetic3A : i32 to vector<16xi32>
      %shift_right_arithmetic3A_158 = arith.shrsi %gather3A, %shift_right_arithmetic3A_157 : vector<16xi32>
      %swap3A = arith.index_cast %add3A_156 : i32 to index
      %swap3A_159 = arith.constant 0 : index
      %swap3A_160 = tpu.vector_load %arg6[%swap3A, %swap3A_159] {strides = array<i32>} : memref<200x128xi32, #tpu.memory_space<vmem>>, vector<16xi32>,
      tpu.vector_store %arg6[%swap3A, %swap3A_159], %shift_right_arithmetic3A_158 {strides = array<i32>} : memref<200x128xi32, #tpu.memory_space<vmem>>, vector<16xi32>,
      %and3A = arith.constant 1 : i32
      %and3A_161 = vector.broadcast %and3A : i32 to vector<16xi32>
      %and3A_162 = arith.andi %gather3A, %and3A_161 : vector<16xi32>
      %shift_left3A = arith.constant 6 : i32
      %shift_left3A_163 = vector.broadcast %shift_left3A : i32 to vector<16xi32>
      %shift_left3A_164 = arith.shli %and3A_162, %shift_left3A_163 : vector<16xi32>
      %swap3A_165 = arith.index_cast %add3A_156 : i32 to index
      %swap3A_166 = arith.constant 0 : index
      %swap3A_167 = tpu.vector_load %arg7[%swap3A_165, %swap3A_166] {strides = array<i32>} : memref<200x128xi32, #tpu.memory_space<vmem>>, vector<16xi32>,
      tpu.vector_store %arg7[%swap3A_165, %swap3A_166], %shift_left3A_164 {strides = array<i32>} : memref<200x128xi32, #tpu.memory_space<vmem>>, vector<16xi32>,
      %gather3A_168 = tpu.vector_load_idx %arg5[%add3A_9, %add3A_154] : memref<64x50xi32, #tpu.memory_space<vmem>>[vector<16xi32>, vector<16xi32>], vector<16xi32>,
      %shift_right_arithmetic3A_169 = arith.constant 1 : i32
      %shift_right_arithmetic3A_170 = vector.broadcast %shift_right_arithmetic3A_169 : i32 to vector<16xi32>
      %shift_right_arithmetic3A_171 = arith.shrsi %gather3A_168, %shift_right_arithmetic3A_170 : vector<16xi32>
      %swap3A_172 = arith.index_cast %add3A_156 : i32 to index
      %swap3A_173 = arith.constant 16 : index
      %swap3A_174 = tpu.vector_load %arg6[%swap3A_172, %swap3A_173] {strides = array<i32>} : memref<200x128xi32, #tpu.memory_space<vmem>>, vector<16xi32>,
      tpu.vector_store %arg6[%swap3A_172, %swap3A_173], %shift_right_arithmetic3A_171 {strides = array<i32>} : memref<200x128xi32, #tpu.memory_space<vmem>>, vector<16xi32>,
      %and3A_175 = arith.constant 1 : i32
      %and3A_176 = vector.broadcast %and3A_175 : i32 to vector<16xi32>
      %and3A_177 = arith.andi %gather3A_168, %and3A_176 : vector<16xi32>
      %shift_left3A_178 = arith.constant 6 : i32
      %shift_left3A_179 = vector.broadcast %shift_left3A_178 : i32 to vector<16xi32>
      %shift_left3A_180 = arith.shli %and3A_177, %shift_left3A_179 : vector<16xi32>
      %swap3A_181 = arith.index_cast %add3A_156 : i32 to index
      %swap3A_182 = arith.constant 16 : index
      %swap3A_183 = tpu.vector_load %arg7[%swap3A_181, %swap3A_182] {strides = array<i32>} : memref<200x128xi32, #tpu.memory_space<vmem>>, vector<16xi32>,
      tpu.vector_store %arg7[%swap3A_181, %swap3A_182], %shift_left3A_180 {strides = array<i32>} : memref<200x128xi32, #tpu.memory_space<vmem>>, vector<16xi32>,
      %gather3A_184 = tpu.vector_load_idx %arg5[%add3A_13, %add3A_154] : memref<64x50xi32, #tpu.memory_space<vmem>>[vector<16xi32>, vector<16xi32>], vector<16xi32>,
      %shift_right_arithmetic3A_185 = arith.constant 1 : i32
      %shift_right_arithmetic3A_186 = vector.broadcast %shift_right_arithmetic3A_185 : i32 to vector<16xi32>
      %shift_right_arithmetic3A_187 = arith.shrsi %gather3A_184, %shift_right_arithmetic3A_186 : vector<16xi32>
      %swap3A_188 = arith.index_cast %add3A_156 : i32 to index
      %swap3A_189 = arith.constant 32 : index
      %swap3A_190 = tpu.vector_load %arg6[%swap3A_188, %swap3A_189] {strides = array<i32>} : memref<200x128xi32, #tpu.memory_space<vmem>>, vector<16xi32>,
      tpu.vector_store %arg6[%swap3A_188, %swap3A_189], %shift_right_arithmetic3A_187 {strides = array<i32>} : memref<200x128xi32, #tpu.memory_space<vmem>>, vector<16xi32>,
      %and3A_191 = arith.constant 1 : i32
      %and3A_192 = vector.broadcast %and3A_191 : i32 to vector<16xi32>
      %and3A_193 = arith.andi %gather3A_184, %and3A_192 : vector<16xi32>
      %shift_left3A_194 = arith.constant 6 : i32
      %shift_left3A_195 = vector.broadcast %shift_left3A_194 : i32 to vector<16xi32>
      %shift_left3A_196 = arith.shli %and3A_193, %shift_left3A_195 : vector<16xi32>
      %swap3A_197 = arith.index_cast %add3A_156 : i32 to index
      %swap3A_198 = arith.constant 32 : index
      %swap3A_199 = tpu.vector_load %arg7[%swap3A_197, %swap3A_198] {strides = array<i32>} : memref<200x128xi32, #tpu.memory_space<vmem>>, vector<16xi32>,
      tpu.vector_store %arg7[%swap3A_197, %swap3A_198], %shift_left3A_196 {strides = array<i32>} : memref<200x128xi32, #tpu.memory_space<vmem>>, vector<16xi32>,
      %gather3A_200 = tpu.vector_load_idx %arg5[%add3A_17, %add3A_154] : memref<64x50xi32, #tpu.memory_space<vmem>>[vector<16xi32>, vector<16xi32>], vector<16xi32>,
      %shift_right_arithmetic3A_201 = arith.constant 1 : i32
      %shift_right_arithmetic3A_202 = vector.broadcast %shift_right_arithmetic3A_201 : i32 to vector<16xi32>
      %shift_right_arithmetic3A_203 = arith.shrsi %gather3A_200, %shift_right_arithmetic3A_202 : vector<16xi32>
      %swap3A_204 = arith.index_cast %add3A_156 : i32 to index
      %swap3A_205 = arith.constant 48 : index
      %swap3A_206 = tpu.vector_load %arg6[%swap3A_204, %swap3A_205] {strides = array<i32>} : memref<200x128xi32, #tpu.memory_space<vmem>>, vector<16xi32>,
      tpu.vector_store %arg6[%swap3A_204, %swap3A_205], %shift_right_arithmetic3A_203 {strides = array<i32>} : memref<200x128xi32, #tpu.memory_space<vmem>>, vector<16xi32>,
      %and3A_207 = arith.constant 1 : i32
      %and3A_208 = vector.broadcast %and3A_207 : i32 to vector<16xi32>
      %and3A_209 = arith.andi %gather3A_200, %and3A_208 : vector<16xi32>
      %shift_left3A_210 = arith.constant 6 : i32
      %shift_left3A_211 = vector.broadcast %shift_left3A_210 : i32 to vector<16xi32>
      %shift_left3A_212 = arith.shli %and3A_209, %shift_left3A_211 : vector<16xi32>
      %swap3A_213 = arith.index_cast %add3A_156 : i32 to index
      %swap3A_214 = arith.constant 48 : index
      %swap3A_215 = tpu.vector_load %arg7[%swap3A_213, %swap3A_214] {strides = array<i32>} : memref<200x128xi32, #tpu.memory_space<vmem>>, vector<16xi32>,
      tpu.vector_store %arg7[%swap3A_213, %swap3A_214], %shift_left3A_212 {strides = array<i32>} : memref<200x128xi32, #tpu.memory_space<vmem>>, vector<16xi32>,
    }
    %scan3A_102 = arith.constant 50 : i32
    %mul3A_103 = arith.constant 128 : i32
    %mul3A_104 = arith.muli %mul3A_2, %mul3A_103 : i32
    %add3A_105 = arith.constant 448 : i32
    %add3A_106 = arith.addi %mul3A_104, %add3A_105 : i32
    "tpu.region"() ({
      %run_scoped3A = tpu.sem_alloc : memref<!tpu.dma_semaphore, #tpu.memory_space<semaphore_mem>>
      %dma_start3A_151 = arith.constant 0 : i32
      %dma_start3A_152 = tpu.memref_slice %arg2[%add3A_106, %dma_start3A_151] : memref<16384x50xi32, #tpu.memory_space<hbm>> -> memref<64x50xi32, #tpu.memory_space<hbm>>
      %dma_start3A_153 = arith.constant 0 : i32
      %dma_start3A_154 = tpu.memref_slice %arg2[%add3A_106, %dma_start3A_153] : memref<16384x50xi32, #tpu.memory_space<hbm>> -> memref<64x50xi32, #tpu.memory_space<hbm>>
      tpu.enqueue_dma source(%dma_start3A_154 : memref<64x50xi32, #tpu.memory_space<hbm>>) target(%arg5 : memref<64x50xi32, #tpu.memory_space<vmem>>) target_semaphore(%run_scoped3A : memref<!tpu.dma_semaphore, #tpu.memory_space<semaphore_mem>>)
      %dma_wait3A_155 = arith.constant 0 : i32
      %dma_wait3A_156 = tpu.memref_slice %arg2[%add3A_106, %dma_wait3A_155] : memref<16384x50xi32, #tpu.memory_space<hbm>> -> memref<64x50xi32, #tpu.memory_space<hbm>>
      %dma_wait3A_157 = arith.constant 0 : i32
      %dma_wait3A_158 = tpu.memref_slice %arg2[%add3A_106, %dma_wait3A_157] : memref<16384x50xi32, #tpu.memory_space<hbm>> -> memref<64x50xi32, #tpu.memory_space<hbm>>
      tpu.wait_dma2 semaphore(%run_scoped3A : memref<!tpu.dma_semaphore, #tpu.memory_space<semaphore_mem>>) src(%dma_wait3A_158 : memref<64x50xi32, #tpu.memory_space<hbm>>) dst(%arg5 : memref<64x50xi32, #tpu.memory_space<vmem>>)
      tpu.yield
    }) : () -> ()
    %scan3A_107 = arith.constant 0 : i32
    %scan3A_108 = arith.constant 0 : i32
    %scan3A_109 = arith.constant 50 : i32
    %scan3A_110 = arith.addi %scan3A_108, %scan3A_109 : i32
    %scan3A_111 = arith.constant 1 : i32
    scf.for %scan3A_151 = %scan3A_108 to %scan3A_110 step %scan3A_111  : i32 {
      %broadcast_in_dim3A = arith.constant 0 : i32
      %broadcast_in_dim3A_152 = vector.broadcast %broadcast_in_dim3A : i32 to vector<16xi32>
      %add3A_153 = vector.broadcast %scan3A_151 : i32 to vector<16xi32>
      %add3A_154 = arith.addi %broadcast_in_dim3A_152, %add3A_153 : vector<16xi32>
      %add3A_155 = arith.constant 150 : i32
      %add3A_156 = arith.addi %add3A_155, %scan3A_151 : i32
      %gather3A = tpu.vector_load_idx %arg5[%add3A_5, %add3A_154] : memref<64x50xi32, #tpu.memory_space<vmem>>[vector<16xi32>, vector<16xi32>], vector<16xi32>,
      %shift_right_arithmetic3A = arith.constant 1 : i32
      %shift_right_arithmetic3A_157 = vector.broadcast %shift_right_arithmetic3A : i32 to vector<16xi32>
      %shift_right_arithmetic3A_158 = arith.shrsi %gather3A, %shift_right_arithmetic3A_157 : vector<16xi32>
      %swap3A = arith.index_cast %add3A_156 : i32 to index
      %swap3A_159 = arith.constant 64 : index
      %swap3A_160 = tpu.vector_load %arg6[%swap3A, %swap3A_159] {strides = array<i32>} : memref<200x128xi32, #tpu.memory_space<vmem>>, vector<16xi32>,
      tpu.vector_store %arg6[%swap3A, %swap3A_159], %shift_right_arithmetic3A_158 {strides = array<i32>} : memref<200x128xi32, #tpu.memory_space<vmem>>, vector<16xi32>,
      %and3A = arith.constant 1 : i32
      %and3A_161 = vector.broadcast %and3A : i32 to vector<16xi32>
      %and3A_162 = arith.andi %gather3A, %and3A_161 : vector<16xi32>
      %shift_left3A = arith.constant 6 : i32
      %shift_left3A_163 = vector.broadcast %shift_left3A : i32 to vector<16xi32>
      %shift_left3A_164 = arith.shli %and3A_162, %shift_left3A_163 : vector<16xi32>
      %swap3A_165 = arith.index_cast %add3A_156 : i32 to index
      %swap3A_166 = arith.constant 64 : index
      %swap3A_167 = tpu.vector_load %arg7[%swap3A_165, %swap3A_166] {strides = array<i32>} : memref<200x128xi32, #tpu.memory_space<vmem>>, vector<16xi32>,
      tpu.vector_store %arg7[%swap3A_165, %swap3A_166], %shift_left3A_164 {strides = array<i32>} : memref<200x128xi32, #tpu.memory_space<vmem>>, vector<16xi32>,
      %gather3A_168 = tpu.vector_load_idx %arg5[%add3A_9, %add3A_154] : memref<64x50xi32, #tpu.memory_space<vmem>>[vector<16xi32>, vector<16xi32>], vector<16xi32>,
      %shift_right_arithmetic3A_169 = arith.constant 1 : i32
      %shift_right_arithmetic3A_170 = vector.broadcast %shift_right_arithmetic3A_169 : i32 to vector<16xi32>
      %shift_right_arithmetic3A_171 = arith.shrsi %gather3A_168, %shift_right_arithmetic3A_170 : vector<16xi32>
      %swap3A_172 = arith.index_cast %add3A_156 : i32 to index
      %swap3A_173 = arith.constant 80 : index
      %swap3A_174 = tpu.vector_load %arg6[%swap3A_172, %swap3A_173] {strides = array<i32>} : memref<200x128xi32, #tpu.memory_space<vmem>>, vector<16xi32>,
      tpu.vector_store %arg6[%swap3A_172, %swap3A_173], %shift_right_arithmetic3A_171 {strides = array<i32>} : memref<200x128xi32, #tpu.memory_space<vmem>>, vector<16xi32>,
      %and3A_175 = arith.constant 1 : i32
      %and3A_176 = vector.broadcast %and3A_175 : i32 to vector<16xi32>
      %and3A_177 = arith.andi %gather3A_168, %and3A_176 : vector<16xi32>
      %shift_left3A_178 = arith.constant 6 : i32
      %shift_left3A_179 = vector.broadcast %shift_left3A_178 : i32 to vector<16xi32>
      %shift_left3A_180 = arith.shli %and3A_177, %shift_left3A_179 : vector<16xi32>
      %swap3A_181 = arith.index_cast %add3A_156 : i32 to index
      %swap3A_182 = arith.constant 80 : index
      %swap3A_183 = tpu.vector_load %arg7[%swap3A_181, %swap3A_182] {strides = array<i32>} : memref<200x128xi32, #tpu.memory_space<vmem>>, vector<16xi32>,
      tpu.vector_store %arg7[%swap3A_181, %swap3A_182], %shift_left3A_180 {strides = array<i32>} : memref<200x128xi32, #tpu.memory_space<vmem>>, vector<16xi32>,
      %gather3A_184 = tpu.vector_load_idx %arg5[%add3A_13, %add3A_154] : memref<64x50xi32, #tpu.memory_space<vmem>>[vector<16xi32>, vector<16xi32>], vector<16xi32>,
      %shift_right_arithmetic3A_185 = arith.constant 1 : i32
      %shift_right_arithmetic3A_186 = vector.broadcast %shift_right_arithmetic3A_185 : i32 to vector<16xi32>
      %shift_right_arithmetic3A_187 = arith.shrsi %gather3A_184, %shift_right_arithmetic3A_186 : vector<16xi32>
      %swap3A_188 = arith.index_cast %add3A_156 : i32 to index
      %swap3A_189 = arith.constant 96 : index
      %swap3A_190 = tpu.vector_load %arg6[%swap3A_188, %swap3A_189] {strides = array<i32>} : memref<200x128xi32, #tpu.memory_space<vmem>>, vector<16xi32>,
      tpu.vector_store %arg6[%swap3A_188, %swap3A_189], %shift_right_arithmetic3A_187 {strides = array<i32>} : memref<200x128xi32, #tpu.memory_space<vmem>>, vector<16xi32>,
      %and3A_191 = arith.constant 1 : i32
      %and3A_192 = vector.broadcast %and3A_191 : i32 to vector<16xi32>
      %and3A_193 = arith.andi %gather3A_184, %and3A_192 : vector<16xi32>
      %shift_left3A_194 = arith.constant 6 : i32
      %shift_left3A_195 = vector.broadcast %shift_left3A_194 : i32 to vector<16xi32>
      %shift_left3A_196 = arith.shli %and3A_193, %shift_left3A_195 : vector<16xi32>
      %swap3A_197 = arith.index_cast %add3A_156 : i32 to index
      %swap3A_198 = arith.constant 96 : index
      %swap3A_199 = tpu.vector_load %arg7[%swap3A_197, %swap3A_198] {strides = array<i32>} : memref<200x128xi32, #tpu.memory_space<vmem>>, vector<16xi32>,
      tpu.vector_store %arg7[%swap3A_197, %swap3A_198], %shift_left3A_196 {strides = array<i32>} : memref<200x128xi32, #tpu.memory_space<vmem>>, vector<16xi32>,
      %gather3A_200 = tpu.vector_load_idx %arg5[%add3A_17, %add3A_154] : memref<64x50xi32, #tpu.memory_space<vmem>>[vector<16xi32>, vector<16xi32>], vector<16xi32>,
      %shift_right_arithmetic3A_201 = arith.constant 1 : i32
      %shift_right_arithmetic3A_202 = vector.broadcast %shift_right_arithmetic3A_201 : i32 to vector<16xi32>
      %shift_right_arithmetic3A_203 = arith.shrsi %gather3A_200, %shift_right_arithmetic3A_202 : vector<16xi32>
      %swap3A_204 = arith.index_cast %add3A_156 : i32 to index
      %swap3A_205 = arith.constant 112 : index
      %swap3A_206 = tpu.vector_load %arg6[%swap3A_204, %swap3A_205] {strides = array<i32>} : memref<200x128xi32, #tpu.memory_space<vmem>>, vector<16xi32>,
      tpu.vector_store %arg6[%swap3A_204, %swap3A_205], %shift_right_arithmetic3A_203 {strides = array<i32>} : memref<200x128xi32, #tpu.memory_space<vmem>>, vector<16xi32>,
      %and3A_207 = arith.constant 1 : i32
      %and3A_208 = vector.broadcast %and3A_207 : i32 to vector<16xi32>
      %and3A_209 = arith.andi %gather3A_200, %and3A_208 : vector<16xi32>
      %shift_left3A_210 = arith.constant 6 : i32
      %shift_left3A_211 = vector.broadcast %shift_left3A_210 : i32 to vector<16xi32>
      %shift_left3A_212 = arith.shli %and3A_209, %shift_left3A_211 : vector<16xi32>
      %swap3A_213 = arith.index_cast %add3A_156 : i32 to index
      %swap3A_214 = arith.constant 112 : index
      %swap3A_215 = tpu.vector_load %arg7[%swap3A_213, %swap3A_214] {strides = array<i32>} : memref<200x128xi32, #tpu.memory_space<vmem>>, vector<16xi32>,
      tpu.vector_store %arg7[%swap3A_213, %swap3A_214], %shift_left3A_212 {strides = array<i32>} : memref<200x128xi32, #tpu.memory_space<vmem>>, vector<16xi32>,
    }
    %scan3A_112 = arith.constant 50 : i32
    %dma_start3A = arith.constant 0 : i32
    %dma_start3A_113 = arith.constant 0 : i32
    %dma_start3A_114 = tpu.memref_slice %arg6[%dma_start3A, %dma_start3A_113] : memref<200x128xi32, #tpu.memory_space<vmem>> -> memref<1x128xi32, #tpu.memory_space<vmem>>
    %dma_start3A_115 = tpu.memref_squeeze %dma_start3A_114 : memref<1x128xi32, #tpu.memory_space<vmem>> -> memref<128xi32, #tpu.memory_space<vmem>>
    %dma_start3A_116 = arith.constant 0 : i32
    %dma_start3A_117 = arith.constant 0 : i32
    %dma_start3A_118 = tpu.memref_slice %arg3[%dma_start3A_116, %dma_start3A_117] : memref<5000x128xf32, #tpu.memory_space<hbm>> -> memref<5000x128xf32, #tpu.memory_space<hbm>>
    tpu.enqueue_indirect_dma source(%dma_start3A_118 : memref<5000x128xf32, #tpu.memory_space<hbm>>) target(%arg8 : memref<128x128xf32, #tpu.memory_space<vmem>>) offsets(%dma_start3A_115 : memref<128xi32, #tpu.memory_space<vmem>>) semaphore(%arg12 : memref<!tpu.dma_semaphore, #tpu.memory_space<semaphore_mem>>)
    %dma_start3A_119 = arith.constant 1 : i32
    %dma_start3A_120 = arith.constant 0 : i32
    %dma_start3A_121 = tpu.memref_slice %arg6[%dma_start3A_119, %dma_start3A_120] : memref<200x128xi32, #tpu.memory_space<vmem>> -> memref<1x128xi32, #tpu.memory_space<vmem>>
    %dma_start3A_122 = tpu.memref_squeeze %dma_start3A_121 : memref<1x128xi32, #tpu.memory_space<vmem>> -> memref<128xi32, #tpu.memory_space<vmem>>
    %dma_start3A_123 = arith.constant 0 : i32
    %dma_start3A_124 = arith.constant 0 : i32
    %dma_start3A_125 = tpu.memref_slice %arg3[%dma_start3A_123, %dma_start3A_124] : memref<5000x128xf32, #tpu.memory_space<hbm>> -> memref<5000x128xf32, #tpu.memory_space<hbm>>
    tpu.enqueue_indirect_dma source(%dma_start3A_125 : memref<5000x128xf32, #tpu.memory_space<hbm>>) target(%arg9 : memref<128x128xf32, #tpu.memory_space<vmem>>) offsets(%dma_start3A_122 : memref<128xi32, #tpu.memory_space<vmem>>) semaphore(%arg13 : memref<!tpu.dma_semaphore, #tpu.memory_space<semaphore_mem>>)
    %scan3A_126 = arith.constant 0 : i32
    %scan3A_127 = arith.constant 0 : i32
    %scan3A_128 = arith.constant 100 : i32
    %scan3A_129 = arith.addi %scan3A_127, %scan3A_128 : i32
    %scan3A_130 = arith.constant 1 : i32
    scf.for %scan3A_151 = %scan3A_127 to %scan3A_129 step %scan3A_130  : i32 {
      %mul3A_152 = arith.constant 2 : i32
      %mul3A_153 = arith.muli %mul3A_152, %scan3A_151 : i32
      %add3A_154 = arith.constant 0 : i32
      %add3A_155 = arith.addi %mul3A_153, %add3A_154 : i32
      %dma_wait3A_156 = arith.constant 0 : i32
      %dma_wait3A_157 = tpu.memref_slice %arg6[%add3A_155, %dma_wait3A_156] : memref<200x128xi32, #tpu.memory_space<vmem>> -> memref<1x128xi32, #tpu.memory_space<vmem>>
      %dma_wait3A_158 = tpu.memref_squeeze %dma_wait3A_157 : memref<1x128xi32, #tpu.memory_space<vmem>> -> memref<128xi32, #tpu.memory_space<vmem>>
      %dma_wait3A_159 = arith.constant 0 : i32
      %dma_wait3A_160 = arith.constant 0 : i32
      %dma_wait3A_161 = tpu.memref_slice %arg3[%dma_wait3A_159, %dma_wait3A_160] : memref<5000x128xf32, #tpu.memory_space<hbm>> -> memref<5000x128xf32, #tpu.memory_space<hbm>>
      tpu.wait_indirect_dma semaphore(%arg12 : memref<!tpu.dma_semaphore, #tpu.memory_space<semaphore_mem>>) src(%dma_wait3A_161 : memref<5000x128xf32, #tpu.memory_space<hbm>>) dst(%arg8 : memref<128x128xf32, #tpu.memory_space<vmem>>)
      %gt3A = arith.constant 0 : i32
      %gt3A_162 = arith.cmpi sgt, %scan3A_151, %gt3A : i32
      %convert_element_type3A = arith.extui %gt3A_162 : i1 to i32
      %cond3A = arith.constant 0 : i32
      %cond3A_163 = arith.cmpi ne, %convert_element_type3A, %cond3A : i32
      scf.if %cond3A_163 {
        %sub3A_310 = arith.constant 2 : i32
        %sub3A_311 = arith.subi %add3A_155, %sub3A_310 : i32
        %jit3A_312 = arith.constant 50 : i32
        %div3A_313 = arith.divsi %sub3A_311, %jit3A_312 : i32
        %sign3A_314 = arith.constant 0 : i32
        %sign3A_315 = arith.cmpi sgt, %sub3A_311, %sign3A_314 : i32
        %sign3A_316 = arith.extui %sign3A_315 : i1 to i32
        %sign3A_317 = arith.constant 0 : i32
        %sign3A_318 = arith.cmpi slt, %sub3A_311, %sign3A_317 : i32
        %sign3A_319 = arith.extui %sign3A_318 : i1 to i32
        %sign3A_320 = arith.subi %sign3A_316, %sign3A_319 : i32
        %sign3A_321 = arith.constant 0 : i32
        %sign3A_322 = arith.cmpi sgt, %jit3A_312, %sign3A_321 : i32
        %sign3A_323 = arith.extui %sign3A_322 : i1 to i32
        %sign3A_324 = arith.constant 0 : i32
        %sign3A_325 = arith.cmpi slt, %jit3A_312, %sign3A_324 : i32
        %sign3A_326 = arith.extui %sign3A_325 : i1 to i32
        %sign3A_327 = arith.subi %sign3A_323, %sign3A_326 : i32
        %ne3A_328 = arith.cmpi ne, %sign3A_320, %sign3A_327 : i32
        %rem3A_329 = arith.remsi %sub3A_311, %jit3A_312 : i32
        %ne3A_330 = arith.constant 0 : i32
        %ne3A_331 = arith.cmpi ne, %rem3A_329, %ne3A_330 : i32
        %and3A_332 = arith.andi %ne3A_328, %ne3A_331 : i1
        %sub3A_333 = arith.constant 1 : i32
        %sub3A_334 = arith.subi %div3A_313, %sub3A_333 : i32
        %select_n3A_335 = arith.select %and3A_332, %sub3A_334, %div3A_313 : i32
        %mul3A_336 = arith.constant 50 : i32
        %mul3A_337 = arith.muli %select_n3A_335, %mul3A_336 : i32
        %sub3A_338 = arith.subi %sub3A_311, %mul3A_337 : i32
        %add3A_339 = arith.addi %mul3A_2, %select_n3A_335 : i32
        %mul3A_340 = arith.constant 128 : i32
        %mul3A_341 = arith.muli %add3A_339, %mul3A_340 : i32
        %dma_wait3A_342 = arith.constant 0 : i32
        %dma_wait3A_343 = tpu.memref_slice %arg4[%sub3A_338, %dma_wait3A_342, %mul3A_341] : memref<50x64x16384xf32, #tpu.memory_space<hbm>> -> memref<1x64x128xf32, #tpu.memory_space<hbm>>
        %dma_wait3A_344 = arith.constant 0 : i32
        %dma_wait3A_345 = tpu.memref_slice %arg4[%sub3A_338, %dma_wait3A_344, %mul3A_341] : memref<50x64x16384xf32, #tpu.memory_space<hbm>> -> memref<1x64x128xf32, #tpu.memory_space<hbm>>
        tpu.wait_dma2 semaphore(%arg14 : memref<!tpu.dma_semaphore, #tpu.memory_space<semaphore_mem>>) src(%arg10 : memref<1x64x128xf32, #tpu.memory_space<vmem>>) dst(%dma_wait3A_345 : memref<1x64x128xf32, #tpu.memory_space<hbm>>)
      } else {
      }
      %get3A = arith.index_cast %add3A_155 : i32 to index
      %get3A_164 = arith.constant 0 : index
      %get3A_165 = tpu.vector_load %arg7[%get3A, %get3A_164] {strides = array<i32>} : memref<200x128xi32, #tpu.memory_space<vmem>>, vector<16xi32>,
      %get3A_166 = arith.index_cast %add3A_155 : i32 to index
      %get3A_167 = arith.constant 16 : index
      %get3A_168 = tpu.vector_load %arg7[%get3A_166, %get3A_167] {strides = array<i32>} : memref<200x128xi32, #tpu.memory_space<vmem>>, vector<16xi32>,
      %get3A_169 = arith.index_cast %add3A_155 : i32 to index
      %get3A_170 = arith.constant 32 : index
      %get3A_171 = tpu.vector_load %arg7[%get3A_169, %get3A_170] {strides = array<i32>} : memref<200x128xi32, #tpu.memory_space<vmem>>, vector<16xi32>,
      %get3A_172 = arith.index_cast %add3A_155 : i32 to index
      %get3A_173 = arith.constant 48 : index
      %get3A_174 = tpu.vector_load %arg7[%get3A_172, %get3A_173] {strides = array<i32>} : memref<200x128xi32, #tpu.memory_space<vmem>>, vector<16xi32>,
      %get3A_175 = arith.index_cast %add3A_155 : i32 to index
      %get3A_176 = arith.constant 64 : index
      %get3A_177 = tpu.vector_load %arg7[%get3A_175, %get3A_176] {strides = array<i32>} : memref<200x128xi32, #tpu.memory_space<vmem>>, vector<16xi32>,
      %get3A_178 = arith.index_cast %add3A_155 : i32 to index
      %get3A_179 = arith.constant 80 : index
      %get3A_180 = tpu.vector_load %arg7[%get3A_178, %get3A_179] {strides = array<i32>} : memref<200x128xi32, #tpu.memory_space<vmem>>, vector<16xi32>,
      %get3A_181 = arith.index_cast %add3A_155 : i32 to index
      %get3A_182 = arith.constant 96 : index
      %get3A_183 = tpu.vector_load %arg7[%get3A_181, %get3A_182] {strides = array<i32>} : memref<200x128xi32, #tpu.memory_space<vmem>>, vector<16xi32>,
      %get3A_184 = arith.index_cast %add3A_155 : i32 to index
      %get3A_185 = arith.constant 112 : index
      %get3A_186 = tpu.vector_load %arg7[%get3A_184, %get3A_185] {strides = array<i32>} : memref<200x128xi32, #tpu.memory_space<vmem>>, vector<16xi32>,
      %broadcast_in_dim3A = arith.constant 0 : i32
      %broadcast_in_dim3A_187 = vector.broadcast %broadcast_in_dim3A : i32 to vector<16xi32>
      %scan3A_188 = arith.constant 0 : i32
      %scan3A_189 = arith.constant 0 : i32
      %scan3A_190 = arith.constant 8 : i32
      %scan3A_191 = arith.addi %scan3A_189, %scan3A_190 : i32
      %scan3A_192 = arith.constant 1 : i32
      scf.for %scan3A_310 = %scan3A_189 to %scan3A_191 step %scan3A_192  : i32 {
        %iota3A_311 = tpu.iota {dimensions = array<i32: 0>} : vector<16xi32>
        %mul3A_312 = arith.constant 8 : i32
        %mul3A_313 = arith.muli %scan3A_310, %mul3A_312 : i32
        %add3A_314 = arith.constant 0 : i32
        %add3A_315 = arith.addi %mul3A_313, %add3A_314 : i32
        %add3A_316 = vector.broadcast %add3A_315 : i32 to vector<16xi32>
        %add3A_317 = arith.addi %iota3A_311, %add3A_316 : vector<16xi32>
        %and3A_318 = arith.constant 63 : i32
        %and3A_319 = vector.broadcast %and3A_318 : i32 to vector<16xi32>
        %and3A_320 = arith.andi %add3A_317, %and3A_319 : vector<16xi32>
        %add3A_321 = arith.addi %get3A_165, %and3A_320 : vector<16xi32>
        %gather3A = tpu.vector_load_idx %arg8[%add3A_5, %add3A_321] : memref<128x128xf32, #tpu.memory_space<vmem>>[vector<16xi32>, vector<16xi32>], vector<16xf32>,
        %add3A_322 = arith.addi %get3A_168, %and3A_320 : vector<16xi32>
        %gather3A_323 = tpu.vector_load_idx %arg8[%add3A_9, %add3A_322] : memref<128x128xf32, #tpu.memory_space<vmem>>[vector<16xi32>, vector<16xi32>], vector<16xf32>,
        %add3A_324 = arith.addi %get3A_171, %and3A_320 : vector<16xi32>
        %gather3A_325 = tpu.vector_load_idx %arg8[%add3A_13, %add3A_324] : memref<128x128xf32, #tpu.memory_space<vmem>>[vector<16xi32>, vector<16xi32>], vector<16xf32>,
        %add3A_326 = arith.addi %get3A_174, %and3A_320 : vector<16xi32>
        %gather3A_327 = tpu.vector_load_idx %arg8[%add3A_17, %add3A_326] : memref<128x128xf32, #tpu.memory_space<vmem>>[vector<16xi32>, vector<16xi32>], vector<16xf32>,
        %add3A_328 = arith.addi %get3A_177, %and3A_320 : vector<16xi32>
        %gather3A_329 = tpu.vector_load_idx %arg8[%add3A_21, %add3A_328] : memref<128x128xf32, #tpu.memory_space<vmem>>[vector<16xi32>, vector<16xi32>], vector<16xf32>,
        %add3A_330 = arith.addi %get3A_180, %and3A_320 : vector<16xi32>
        %gather3A_331 = tpu.vector_load_idx %arg8[%add3A_25, %add3A_330] : memref<128x128xf32, #tpu.memory_space<vmem>>[vector<16xi32>, vector<16xi32>], vector<16xf32>,
        %add3A_332 = arith.addi %get3A_183, %and3A_320 : vector<16xi32>
        %gather3A_333 = tpu.vector_load_idx %arg8[%add3A_29, %add3A_332] : memref<128x128xf32, #tpu.memory_space<vmem>>[vector<16xi32>, vector<16xi32>], vector<16xf32>,
        %add3A_334 = arith.addi %get3A_186, %and3A_320 : vector<16xi32>
        %gather3A_335 = tpu.vector_load_idx %arg8[%add3A_33, %add3A_334] : memref<128x128xf32, #tpu.memory_space<vmem>>[vector<16xi32>, vector<16xi32>], vector<16xf32>,
        tpu.vector_store_idx %arg10[%broadcast_in_dim3A_187, %and3A_320, %add3A_5], %gather3A : memref<1x64x128xf32, #tpu.memory_space<vmem>>[vector<16xi32>, vector<16xi32>, vector<16xi32>], vector<16xf32>,
        tpu.vector_store_idx %arg10[%broadcast_in_dim3A_187, %and3A_320, %add3A_9], %gather3A_323 : memref<1x64x128xf32, #tpu.memory_space<vmem>>[vector<16xi32>, vector<16xi32>, vector<16xi32>], vector<16xf32>,
        tpu.vector_store_idx %arg10[%broadcast_in_dim3A_187, %and3A_320, %add3A_13], %gather3A_325 : memref<1x64x128xf32, #tpu.memory_space<vmem>>[vector<16xi32>, vector<16xi32>, vector<16xi32>], vector<16xf32>,
        tpu.vector_store_idx %arg10[%broadcast_in_dim3A_187, %and3A_320, %add3A_17], %gather3A_327 : memref<1x64x128xf32, #tpu.memory_space<vmem>>[vector<16xi32>, vector<16xi32>, vector<16xi32>], vector<16xf32>,
        tpu.vector_store_idx %arg10[%broadcast_in_dim3A_187, %and3A_320, %add3A_21], %gather3A_329 : memref<1x64x128xf32, #tpu.memory_space<vmem>>[vector<16xi32>, vector<16xi32>, vector<16xi32>], vector<16xf32>,
        tpu.vector_store_idx %arg10[%broadcast_in_dim3A_187, %and3A_320, %add3A_25], %gather3A_331 : memref<1x64x128xf32, #tpu.memory_space<vmem>>[vector<16xi32>, vector<16xi32>, vector<16xi32>], vector<16xf32>,
        tpu.vector_store_idx %arg10[%broadcast_in_dim3A_187, %and3A_320, %add3A_29], %gather3A_333 : memref<1x64x128xf32, #tpu.memory_space<vmem>>[vector<16xi32>, vector<16xi32>, vector<16xi32>], vector<16xf32>,
        tpu.vector_store_idx %arg10[%broadcast_in_dim3A_187, %and3A_320, %add3A_33], %gather3A_335 : memref<1x64x128xf32, #tpu.memory_space<vmem>>[vector<16xi32>, vector<16xi32>, vector<16xi32>], vector<16xf32>,
        %iota3A_336 = tpu.iota {dimensions = array<i32: 0>} : vector<16xi32>
        %mul3A_337 = arith.constant 8 : i32
        %mul3A_338 = arith.muli %scan3A_310, %mul3A_337 : i32
        %add3A_339 = arith.constant 1 : i32
        %add3A_340 = arith.addi %mul3A_338, %add3A_339 : i32
        %add3A_341 = vector.broadcast %add3A_340 : i32 to vector<16xi32>
        %add3A_342 = arith.addi %iota3A_336, %add3A_341 : vector<16xi32>
        %and3A_343 = arith.constant 63 : i32
        %and3A_344 = vector.broadcast %and3A_343 : i32 to vector<16xi32>
        %and3A_345 = arith.andi %add3A_342, %and3A_344 : vector<16xi32>
        %add3A_346 = arith.addi %get3A_165, %and3A_345 : vector<16xi32>
        %gather3A_347 = tpu.vector_load_idx %arg8[%add3A_5, %add3A_346] : memref<128x128xf32, #tpu.memory_space<vmem>>[vector<16xi32>, vector<16xi32>], vector<16xf32>,
        %add3A_348 = arith.addi %get3A_168, %and3A_345 : vector<16xi32>
        %gather3A_349 = tpu.vector_load_idx %arg8[%add3A_9, %add3A_348] : memref<128x128xf32, #tpu.memory_space<vmem>>[vector<16xi32>, vector<16xi32>], vector<16xf32>,
        %add3A_350 = arith.addi %get3A_171, %and3A_345 : vector<16xi32>
        %gather3A_351 = tpu.vector_load_idx %arg8[%add3A_13, %add3A_350] : memref<128x128xf32, #tpu.memory_space<vmem>>[vector<16xi32>, vector<16xi32>], vector<16xf32>,
        %add3A_352 = arith.addi %get3A_174, %and3A_345 : vector<16xi32>
        %gather3A_353 = tpu.vector_load_idx %arg8[%add3A_17, %add3A_352] : memref<128x128xf32, #tpu.memory_space<vmem>>[vector<16xi32>, vector<16xi32>], vector<16xf32>,
        %add3A_354 = arith.addi %get3A_177, %and3A_345 : vector<16xi32>
        %gather3A_355 = tpu.vector_load_idx %arg8[%add3A_21, %add3A_354] : memref<128x128xf32, #tpu.memory_space<vmem>>[vector<16xi32>, vector<16xi32>], vector<16xf32>,
        %add3A_356 = arith.addi %get3A_180, %and3A_345 : vector<16xi32>
        %gather3A_357 = tpu.vector_load_idx %arg8[%add3A_25, %add3A_356] : memref<128x128xf32, #tpu.memory_space<vmem>>[vector<16xi32>, vector<16xi32>], vector<16xf32>,
        %add3A_358 = arith.addi %get3A_183, %and3A_345 : vector<16xi32>
        %gather3A_359 = tpu.vector_load_idx %arg8[%add3A_29, %add3A_358] : memref<128x128xf32, #tpu.memory_space<vmem>>[vector<16xi32>, vector<16xi32>], vector<16xf32>,
        %add3A_360 = arith.addi %get3A_186, %and3A_345 : vector<16xi32>
        %gather3A_361 = tpu.vector_load_idx %arg8[%add3A_33, %add3A_360] : memref<128x128xf32, #tpu.memory_space<vmem>>[vector<16xi32>, vector<16xi32>], vector<16xf32>,
        tpu.vector_store_idx %arg10[%broadcast_in_dim3A_187, %and3A_345, %add3A_5], %gather3A_347 : memref<1x64x128xf32, #tpu.memory_space<vmem>>[vector<16xi32>, vector<16xi32>, vector<16xi32>], vector<16xf32>,
        tpu.vector_store_idx %arg10[%broadcast_in_dim3A_187, %and3A_345, %add3A_9], %gather3A_349 : memref<1x64x128xf32, #tpu.memory_space<vmem>>[vector<16xi32>, vector<16xi32>, vector<16xi32>], vector<16xf32>,
        tpu.vector_store_idx %arg10[%broadcast_in_dim3A_187, %and3A_345, %add3A_13], %gather3A_351 : memref<1x64x128xf32, #tpu.memory_space<vmem>>[vector<16xi32>, vector<16xi32>, vector<16xi32>], vector<16xf32>,
        tpu.vector_store_idx %arg10[%broadcast_in_dim3A_187, %and3A_345, %add3A_17], %gather3A_353 : memref<1x64x128xf32, #tpu.memory_space<vmem>>[vector<16xi32>, vector<16xi32>, vector<16xi32>], vector<16xf32>,
        tpu.vector_store_idx %arg10[%broadcast_in_dim3A_187, %and3A_345, %add3A_21], %gather3A_355 : memref<1x64x128xf32, #tpu.memory_space<vmem>>[vector<16xi32>, vector<16xi32>, vector<16xi32>], vector<16xf32>,
        tpu.vector_store_idx %arg10[%broadcast_in_dim3A_187, %and3A_345, %add3A_25], %gather3A_357 : memref<1x64x128xf32, #tpu.memory_space<vmem>>[vector<16xi32>, vector<16xi32>, vector<16xi32>], vector<16xf32>,
        tpu.vector_store_idx %arg10[%broadcast_in_dim3A_187, %and3A_345, %add3A_29], %gather3A_359 : memref<1x64x128xf32, #tpu.memory_space<vmem>>[vector<16xi32>, vector<16xi32>, vector<16xi32>], vector<16xf32>,
        tpu.vector_store_idx %arg10[%broadcast_in_dim3A_187, %and3A_345, %add3A_33], %gather3A_361 : memref<1x64x128xf32, #tpu.memory_space<vmem>>[vector<16xi32>, vector<16xi32>, vector<16xi32>], vector<16xf32>,
        %iota3A_362 = tpu.iota {dimensions = array<i32: 0>} : vector<16xi32>
        %mul3A_363 = arith.constant 8 : i32
        %mul3A_364 = arith.muli %scan3A_310, %mul3A_363 : i32
        %add3A_365 = arith.constant 2 : i32
        %add3A_366 = arith.addi %mul3A_364, %add3A_365 : i32
        %add3A_367 = vector.broadcast %add3A_366 : i32 to vector<16xi32>
        %add3A_368 = arith.addi %iota3A_362, %add3A_367 : vector<16xi32>
        %and3A_369 = arith.constant 63 : i32
        %and3A_370 = vector.broadcast %and3A_369 : i32 to vector<16xi32>
        %and3A_371 = arith.andi %add3A_368, %and3A_370 : vector<16xi32>
        %add3A_372 = arith.addi %get3A_165, %and3A_371 : vector<16xi32>
        %gather3A_373 = tpu.vector_load_idx %arg8[%add3A_5, %add3A_372] : memref<128x128xf32, #tpu.memory_space<vmem>>[vector<16xi32>, vector<16xi32>], vector<16xf32>,
        %add3A_374 = arith.addi %get3A_168, %and3A_371 : vector<16xi32>
        %gather3A_375 = tpu.vector_load_idx %arg8[%add3A_9, %add3A_374] : memref<128x128xf32, #tpu.memory_space<vmem>>[vector<16xi32>, vector<16xi32>], vector<16xf32>,
        %add3A_376 = arith.addi %get3A_171, %and3A_371 : vector<16xi32>
        %gather3A_377 = tpu.vector_load_idx %arg8[%add3A_13, %add3A_376] : memref<128x128xf32, #tpu.memory_space<vmem>>[vector<16xi32>, vector<16xi32>], vector<16xf32>,
        %add3A_378 = arith.addi %get3A_174, %and3A_371 : vector<16xi32>
        %gather3A_379 = tpu.vector_load_idx %arg8[%add3A_17, %add3A_378] : memref<128x128xf32, #tpu.memory_space<vmem>>[vector<16xi32>, vector<16xi32>], vector<16xf32>,
        %add3A_380 = arith.addi %get3A_177, %and3A_371 : vector<16xi32>
        %gather3A_381 = tpu.vector_load_idx %arg8[%add3A_21, %add3A_380] : memref<128x128xf32, #tpu.memory_space<vmem>>[vector<16xi32>, vector<16xi32>], vector<16xf32>,
        %add3A_382 = arith.addi %get3A_180, %and3A_371 : vector<16xi32>
        %gather3A_383 = tpu.vector_load_idx %arg8[%add3A_25, %add3A_382] : memref<128x128xf32, #tpu.memory_space<vmem>>[vector<16xi32>, vector<16xi32>], vector<16xf32>,
        %add3A_384 = arith.addi %get3A_183, %and3A_371 : vector<16xi32>
        %gather3A_385 = tpu.vector_load_idx %arg8[%add3A_29, %add3A_384] : memref<128x128xf32, #tpu.memory_space<vmem>>[vector<16xi32>, vector<16xi32>], vector<16xf32>,
        %add3A_386 = arith.addi %get3A_186, %and3A_371 : vector<16xi32>
        %gather3A_387 = tpu.vector_load_idx %arg8[%add3A_33, %add3A_386] : memref<128x128xf32, #tpu.memory_space<vmem>>[vector<16xi32>, vector<16xi32>], vector<16xf32>,
        tpu.vector_store_idx %arg10[%broadcast_in_dim3A_187, %and3A_371, %add3A_5], %gather3A_373 : memref<1x64x128xf32, #tpu.memory_space<vmem>>[vector<16xi32>, vector<16xi32>, vector<16xi32>], vector<16xf32>,
        tpu.vector_store_idx %arg10[%broadcast_in_dim3A_187, %and3A_371, %add3A_9], %gather3A_375 : memref<1x64x128xf32, #tpu.memory_space<vmem>>[vector<16xi32>, vector<16xi32>, vector<16xi32>], vector<16xf32>,
        tpu.vector_store_idx %arg10[%broadcast_in_dim3A_187, %and3A_371, %add3A_13], %gather3A_377 : memref<1x64x128xf32, #tpu.memory_space<vmem>>[vector<16xi32>, vector<16xi32>, vector<16xi32>], vector<16xf32>,
        tpu.vector_store_idx %arg10[%broadcast_in_dim3A_187, %and3A_371, %add3A_17], %gather3A_379 : memref<1x64x128xf32, #tpu.memory_space<vmem>>[vector<16xi32>, vector<16xi32>, vector<16xi32>], vector<16xf32>,
        tpu.vector_store_idx %arg10[%broadcast_in_dim3A_187, %and3A_371, %add3A_21], %gather3A_381 : memref<1x64x128xf32, #tpu.memory_space<vmem>>[vector<16xi32>, vector<16xi32>, vector<16xi32>], vector<16xf32>,
        tpu.vector_store_idx %arg10[%broadcast_in_dim3A_187, %and3A_371, %add3A_25], %gather3A_383 : memref<1x64x128xf32, #tpu.memory_space<vmem>>[vector<16xi32>, vector<16xi32>, vector<16xi32>], vector<16xf32>,
        tpu.vector_store_idx %arg10[%broadcast_in_dim3A_187, %and3A_371, %add3A_29], %gather3A_385 : memref<1x64x128xf32, #tpu.memory_space<vmem>>[vector<16xi32>, vector<16xi32>, vector<16xi32>], vector<16xf32>,
        tpu.vector_store_idx %arg10[%broadcast_in_dim3A_187, %and3A_371, %add3A_33], %gather3A_387 : memref<1x64x128xf32, #tpu.memory_space<vmem>>[vector<16xi32>, vector<16xi32>, vector<16xi32>], vector<16xf32>,
        %iota3A_388 = tpu.iota {dimensions = array<i32: 0>} : vector<16xi32>
        %mul3A_389 = arith.constant 8 : i32
        %mul3A_390 = arith.muli %scan3A_310, %mul3A_389 : i32
        %add3A_391 = arith.constant 3 : i32
        %add3A_392 = arith.addi %mul3A_390, %add3A_391 : i32
        %add3A_393 = vector.broadcast %add3A_392 : i32 to vector<16xi32>
        %add3A_394 = arith.addi %iota3A_388, %add3A_393 : vector<16xi32>
        %and3A_395 = arith.constant 63 : i32
        %and3A_396 = vector.broadcast %and3A_395 : i32 to vector<16xi32>
        %and3A_397 = arith.andi %add3A_394, %and3A_396 : vector<16xi32>
        %add3A_398 = arith.addi %get3A_165, %and3A_397 : vector<16xi32>
        %gather3A_399 = tpu.vector_load_idx %arg8[%add3A_5, %add3A_398] : memref<128x128xf32, #tpu.memory_space<vmem>>[vector<16xi32>, vector<16xi32>], vector<16xf32>,
        %add3A_400 = arith.addi %get3A_168, %and3A_397 : vector<16xi32>
        %gather3A_401 = tpu.vector_load_idx %arg8[%add3A_9, %add3A_400] : memref<128x128xf32, #tpu.memory_space<vmem>>[vector<16xi32>, vector<16xi32>], vector<16xf32>,
        %add3A_402 = arith.addi %get3A_171, %and3A_397 : vector<16xi32>
        %gather3A_403 = tpu.vector_load_idx %arg8[%add3A_13, %add3A_402] : memref<128x128xf32, #tpu.memory_space<vmem>>[vector<16xi32>, vector<16xi32>], vector<16xf32>,
        %add3A_404 = arith.addi %get3A_174, %and3A_397 : vector<16xi32>
        %gather3A_405 = tpu.vector_load_idx %arg8[%add3A_17, %add3A_404] : memref<128x128xf32, #tpu.memory_space<vmem>>[vector<16xi32>, vector<16xi32>], vector<16xf32>,
        %add3A_406 = arith.addi %get3A_177, %and3A_397 : vector<16xi32>
        %gather3A_407 = tpu.vector_load_idx %arg8[%add3A_21, %add3A_406] : memref<128x128xf32, #tpu.memory_space<vmem>>[vector<16xi32>, vector<16xi32>], vector<16xf32>,
        %add3A_408 = arith.addi %get3A_180, %and3A_397 : vector<16xi32>
        %gather3A_409 = tpu.vector_load_idx %arg8[%add3A_25, %add3A_408] : memref<128x128xf32, #tpu.memory_space<vmem>>[vector<16xi32>, vector<16xi32>], vector<16xf32>,
        %add3A_410 = arith.addi %get3A_183, %and3A_397 : vector<16xi32>
        %gather3A_411 = tpu.vector_load_idx %arg8[%add3A_29, %add3A_410] : memref<128x128xf32, #tpu.memory_space<vmem>>[vector<16xi32>, vector<16xi32>], vector<16xf32>,
        %add3A_412 = arith.addi %get3A_186, %and3A_397 : vector<16xi32>
        %gather3A_413 = tpu.vector_load_idx %arg8[%add3A_33, %add3A_412] : memref<128x128xf32, #tpu.memory_space<vmem>>[vector<16xi32>, vector<16xi32>], vector<16xf32>,
        tpu.vector_store_idx %arg10[%broadcast_in_dim3A_187, %and3A_397, %add3A_5], %gather3A_399 : memref<1x64x128xf32, #tpu.memory_space<vmem>>[vector<16xi32>, vector<16xi32>, vector<16xi32>], vector<16xf32>,
        tpu.vector_store_idx %arg10[%broadcast_in_dim3A_187, %and3A_397, %add3A_9], %gather3A_401 : memref<1x64x128xf32, #tpu.memory_space<vmem>>[vector<16xi32>, vector<16xi32>, vector<16xi32>], vector<16xf32>,
        tpu.vector_store_idx %arg10[%broadcast_in_dim3A_187, %and3A_397, %add3A_13], %gather3A_403 : memref<1x64x128xf32, #tpu.memory_space<vmem>>[vector<16xi32>, vector<16xi32>, vector<16xi32>], vector<16xf32>,
        tpu.vector_store_idx %arg10[%broadcast_in_dim3A_187, %and3A_397, %add3A_17], %gather3A_405 : memref<1x64x128xf32, #tpu.memory_space<vmem>>[vector<16xi32>, vector<16xi32>, vector<16xi32>], vector<16xf32>,
        tpu.vector_store_idx %arg10[%broadcast_in_dim3A_187, %and3A_397, %add3A_21], %gather3A_407 : memref<1x64x128xf32, #tpu.memory_space<vmem>>[vector<16xi32>, vector<16xi32>, vector<16xi32>], vector<16xf32>,
        tpu.vector_store_idx %arg10[%broadcast_in_dim3A_187, %and3A_397, %add3A_25], %gather3A_409 : memref<1x64x128xf32, #tpu.memory_space<vmem>>[vector<16xi32>, vector<16xi32>, vector<16xi32>], vector<16xf32>,
        tpu.vector_store_idx %arg10[%broadcast_in_dim3A_187, %and3A_397, %add3A_29], %gather3A_411 : memref<1x64x128xf32, #tpu.memory_space<vmem>>[vector<16xi32>, vector<16xi32>, vector<16xi32>], vector<16xf32>,
        tpu.vector_store_idx %arg10[%broadcast_in_dim3A_187, %and3A_397, %add3A_33], %gather3A_413 : memref<1x64x128xf32, #tpu.memory_space<vmem>>[vector<16xi32>, vector<16xi32>, vector<16xi32>], vector<16xf32>,
        %iota3A_414 = tpu.iota {dimensions = array<i32: 0>} : vector<16xi32>
        %mul3A_415 = arith.constant 8 : i32
        %mul3A_416 = arith.muli %scan3A_310, %mul3A_415 : i32
        %add3A_417 = arith.constant 4 : i32
        %add3A_418 = arith.addi %mul3A_416, %add3A_417 : i32
        %add3A_419 = vector.broadcast %add3A_418 : i32 to vector<16xi32>
        %add3A_420 = arith.addi %iota3A_414, %add3A_419 : vector<16xi32>
        %and3A_421 = arith.constant 63 : i32
        %and3A_422 = vector.broadcast %and3A_421 : i32 to vector<16xi32>
        %and3A_423 = arith.andi %add3A_420, %and3A_422 : vector<16xi32>
        %add3A_424 = arith.addi %get3A_165, %and3A_423 : vector<16xi32>
        %gather3A_425 = tpu.vector_load_idx %arg8[%add3A_5, %add3A_424] : memref<128x128xf32, #tpu.memory_space<vmem>>[vector<16xi32>, vector<16xi32>], vector<16xf32>,
        %add3A_426 = arith.addi %get3A_168, %and3A_423 : vector<16xi32>
        %gather3A_427 = tpu.vector_load_idx %arg8[%add3A_9, %add3A_426] : memref<128x128xf32, #tpu.memory_space<vmem>>[vector<16xi32>, vector<16xi32>], vector<16xf32>,
        %add3A_428 = arith.addi %get3A_171, %and3A_423 : vector<16xi32>
        %gather3A_429 = tpu.vector_load_idx %arg8[%add3A_13, %add3A_428] : memref<128x128xf32, #tpu.memory_space<vmem>>[vector<16xi32>, vector<16xi32>], vector<16xf32>,
        %add3A_430 = arith.addi %get3A_174, %and3A_423 : vector<16xi32>
        %gather3A_431 = tpu.vector_load_idx %arg8[%add3A_17, %add3A_430] : memref<128x128xf32, #tpu.memory_space<vmem>>[vector<16xi32>, vector<16xi32>], vector<16xf32>,
        %add3A_432 = arith.addi %get3A_177, %and3A_423 : vector<16xi32>
        %gather3A_433 = tpu.vector_load_idx %arg8[%add3A_21, %add3A_432] : memref<128x128xf32, #tpu.memory_space<vmem>>[vector<16xi32>, vector<16xi32>], vector<16xf32>,
        %add3A_434 = arith.addi %get3A_180, %and3A_423 : vector<16xi32>
        %gather3A_435 = tpu.vector_load_idx %arg8[%add3A_25, %add3A_434] : memref<128x128xf32, #tpu.memory_space<vmem>>[vector<16xi32>, vector<16xi32>], vector<16xf32>,
        %add3A_436 = arith.addi %get3A_183, %and3A_423 : vector<16xi32>
        %gather3A_437 = tpu.vector_load_idx %arg8[%add3A_29, %add3A_436] : memref<128x128xf32, #tpu.memory_space<vmem>>[vector<16xi32>, vector<16xi32>], vector<16xf32>,
        %add3A_438 = arith.addi %get3A_186, %and3A_423 : vector<16xi32>
        %gather3A_439 = tpu.vector_load_idx %arg8[%add3A_33, %add3A_438] : memref<128x128xf32, #tpu.memory_space<vmem>>[vector<16xi32>, vector<16xi32>], vector<16xf32>,
        tpu.vector_store_idx %arg10[%broadcast_in_dim3A_187, %and3A_423, %add3A_5], %gather3A_425 : memref<1x64x128xf32, #tpu.memory_space<vmem>>[vector<16xi32>, vector<16xi32>, vector<16xi32>], vector<16xf32>,
        tpu.vector_store_idx %arg10[%broadcast_in_dim3A_187, %and3A_423, %add3A_9], %gather3A_427 : memref<1x64x128xf32, #tpu.memory_space<vmem>>[vector<16xi32>, vector<16xi32>, vector<16xi32>], vector<16xf32>,
        tpu.vector_store_idx %arg10[%broadcast_in_dim3A_187, %and3A_423, %add3A_13], %gather3A_429 : memref<1x64x128xf32, #tpu.memory_space<vmem>>[vector<16xi32>, vector<16xi32>, vector<16xi32>], vector<16xf32>,
        tpu.vector_store_idx %arg10[%broadcast_in_dim3A_187, %and3A_423, %add3A_17], %gather3A_431 : memref<1x64x128xf32, #tpu.memory_space<vmem>>[vector<16xi32>, vector<16xi32>, vector<16xi32>], vector<16xf32>,
        tpu.vector_store_idx %arg10[%broadcast_in_dim3A_187, %and3A_423, %add3A_21], %gather3A_433 : memref<1x64x128xf32, #tpu.memory_space<vmem>>[vector<16xi32>, vector<16xi32>, vector<16xi32>], vector<16xf32>,
        tpu.vector_store_idx %arg10[%broadcast_in_dim3A_187, %and3A_423, %add3A_25], %gather3A_435 : memref<1x64x128xf32, #tpu.memory_space<vmem>>[vector<16xi32>, vector<16xi32>, vector<16xi32>], vector<16xf32>,
        tpu.vector_store_idx %arg10[%broadcast_in_dim3A_187, %and3A_423, %add3A_29], %gather3A_437 : memref<1x64x128xf32, #tpu.memory_space<vmem>>[vector<16xi32>, vector<16xi32>, vector<16xi32>], vector<16xf32>,
        tpu.vector_store_idx %arg10[%broadcast_in_dim3A_187, %and3A_423, %add3A_33], %gather3A_439 : memref<1x64x128xf32, #tpu.memory_space<vmem>>[vector<16xi32>, vector<16xi32>, vector<16xi32>], vector<16xf32>,
        %iota3A_440 = tpu.iota {dimensions = array<i32: 0>} : vector<16xi32>
        %mul3A_441 = arith.constant 8 : i32
        %mul3A_442 = arith.muli %scan3A_310, %mul3A_441 : i32
        %add3A_443 = arith.constant 5 : i32
        %add3A_444 = arith.addi %mul3A_442, %add3A_443 : i32
        %add3A_445 = vector.broadcast %add3A_444 : i32 to vector<16xi32>
        %add3A_446 = arith.addi %iota3A_440, %add3A_445 : vector<16xi32>
        %and3A_447 = arith.constant 63 : i32
        %and3A_448 = vector.broadcast %and3A_447 : i32 to vector<16xi32>
        %and3A_449 = arith.andi %add3A_446, %and3A_448 : vector<16xi32>
        %add3A_450 = arith.addi %get3A_165, %and3A_449 : vector<16xi32>
        %gather3A_451 = tpu.vector_load_idx %arg8[%add3A_5, %add3A_450] : memref<128x128xf32, #tpu.memory_space<vmem>>[vector<16xi32>, vector<16xi32>], vector<16xf32>,
        %add3A_452 = arith.addi %get3A_168, %and3A_449 : vector<16xi32>
        %gather3A_453 = tpu.vector_load_idx %arg8[%add3A_9, %add3A_452] : memref<128x128xf32, #tpu.memory_space<vmem>>[vector<16xi32>, vector<16xi32>], vector<16xf32>,
        %add3A_454 = arith.addi %get3A_171, %and3A_449 : vector<16xi32>
        %gather3A_455 = tpu.vector_load_idx %arg8[%add3A_13, %add3A_454] : memref<128x128xf32, #tpu.memory_space<vmem>>[vector<16xi32>, vector<16xi32>], vector<16xf32>,
        %add3A_456 = arith.addi %get3A_174, %and3A_449 : vector<16xi32>
        %gather3A_457 = tpu.vector_load_idx %arg8[%add3A_17, %add3A_456] : memref<128x128xf32, #tpu.memory_space<vmem>>[vector<16xi32>, vector<16xi32>], vector<16xf32>,
        %add3A_458 = arith.addi %get3A_177, %and3A_449 : vector<16xi32>
        %gather3A_459 = tpu.vector_load_idx %arg8[%add3A_21, %add3A_458] : memref<128x128xf32, #tpu.memory_space<vmem>>[vector<16xi32>, vector<16xi32>], vector<16xf32>,
        %add3A_460 = arith.addi %get3A_180, %and3A_449 : vector<16xi32>
        %gather3A_461 = tpu.vector_load_idx %arg8[%add3A_25, %add3A_460] : memref<128x128xf32, #tpu.memory_space<vmem>>[vector<16xi32>, vector<16xi32>], vector<16xf32>,
        %add3A_462 = arith.addi %get3A_183, %and3A_449 : vector<16xi32>
        %gather3A_463 = tpu.vector_load_idx %arg8[%add3A_29, %add3A_462] : memref<128x128xf32, #tpu.memory_space<vmem>>[vector<16xi32>, vector<16xi32>], vector<16xf32>,
        %add3A_464 = arith.addi %get3A_186, %and3A_449 : vector<16xi32>
        %gather3A_465 = tpu.vector_load_idx %arg8[%add3A_33, %add3A_464] : memref<128x128xf32, #tpu.memory_space<vmem>>[vector<16xi32>, vector<16xi32>], vector<16xf32>,
        tpu.vector_store_idx %arg10[%broadcast_in_dim3A_187, %and3A_449, %add3A_5], %gather3A_451 : memref<1x64x128xf32, #tpu.memory_space<vmem>>[vector<16xi32>, vector<16xi32>, vector<16xi32>], vector<16xf32>,
        tpu.vector_store_idx %arg10[%broadcast_in_dim3A_187, %and3A_449, %add3A_9], %gather3A_453 : memref<1x64x128xf32, #tpu.memory_space<vmem>>[vector<16xi32>, vector<16xi32>, vector<16xi32>], vector<16xf32>,
        tpu.vector_store_idx %arg10[%broadcast_in_dim3A_187, %and3A_449, %add3A_13], %gather3A_455 : memref<1x64x128xf32, #tpu.memory_space<vmem>>[vector<16xi32>, vector<16xi32>, vector<16xi32>], vector<16xf32>,
        tpu.vector_store_idx %arg10[%broadcast_in_dim3A_187, %and3A_449, %add3A_17], %gather3A_457 : memref<1x64x128xf32, #tpu.memory_space<vmem>>[vector<16xi32>, vector<16xi32>, vector<16xi32>], vector<16xf32>,
        tpu.vector_store_idx %arg10[%broadcast_in_dim3A_187, %and3A_449, %add3A_21], %gather3A_459 : memref<1x64x128xf32, #tpu.memory_space<vmem>>[vector<16xi32>, vector<16xi32>, vector<16xi32>], vector<16xf32>,
        tpu.vector_store_idx %arg10[%broadcast_in_dim3A_187, %and3A_449, %add3A_25], %gather3A_461 : memref<1x64x128xf32, #tpu.memory_space<vmem>>[vector<16xi32>, vector<16xi32>, vector<16xi32>], vector<16xf32>,
        tpu.vector_store_idx %arg10[%broadcast_in_dim3A_187, %and3A_449, %add3A_29], %gather3A_463 : memref<1x64x128xf32, #tpu.memory_space<vmem>>[vector<16xi32>, vector<16xi32>, vector<16xi32>], vector<16xf32>,
        tpu.vector_store_idx %arg10[%broadcast_in_dim3A_187, %and3A_449, %add3A_33], %gather3A_465 : memref<1x64x128xf32, #tpu.memory_space<vmem>>[vector<16xi32>, vector<16xi32>, vector<16xi32>], vector<16xf32>,
        %iota3A_466 = tpu.iota {dimensions = array<i32: 0>} : vector<16xi32>
        %mul3A_467 = arith.constant 8 : i32
        %mul3A_468 = arith.muli %scan3A_310, %mul3A_467 : i32
        %add3A_469 = arith.constant 6 : i32
        %add3A_470 = arith.addi %mul3A_468, %add3A_469 : i32
        %add3A_471 = vector.broadcast %add3A_470 : i32 to vector<16xi32>
        %add3A_472 = arith.addi %iota3A_466, %add3A_471 : vector<16xi32>
        %and3A_473 = arith.constant 63 : i32
        %and3A_474 = vector.broadcast %and3A_473 : i32 to vector<16xi32>
        %and3A_475 = arith.andi %add3A_472, %and3A_474 : vector<16xi32>
        %add3A_476 = arith.addi %get3A_165, %and3A_475 : vector<16xi32>
        %gather3A_477 = tpu.vector_load_idx %arg8[%add3A_5, %add3A_476] : memref<128x128xf32, #tpu.memory_space<vmem>>[vector<16xi32>, vector<16xi32>], vector<16xf32>,
        %add3A_478 = arith.addi %get3A_168, %and3A_475 : vector<16xi32>
        %gather3A_479 = tpu.vector_load_idx %arg8[%add3A_9, %add3A_478] : memref<128x128xf32, #tpu.memory_space<vmem>>[vector<16xi32>, vector<16xi32>], vector<16xf32>,
        %add3A_480 = arith.addi %get3A_171, %and3A_475 : vector<16xi32>
        %gather3A_481 = tpu.vector_load_idx %arg8[%add3A_13, %add3A_480] : memref<128x128xf32, #tpu.memory_space<vmem>>[vector<16xi32>, vector<16xi32>], vector<16xf32>,
        %add3A_482 = arith.addi %get3A_174, %and3A_475 : vector<16xi32>
        %gather3A_483 = tpu.vector_load_idx %arg8[%add3A_17, %add3A_482] : memref<128x128xf32, #tpu.memory_space<vmem>>[vector<16xi32>, vector<16xi32>], vector<16xf32>,
        %add3A_484 = arith.addi %get3A_177, %and3A_475 : vector<16xi32>
        %gather3A_485 = tpu.vector_load_idx %arg8[%add3A_21, %add3A_484] : memref<128x128xf32, #tpu.memory_space<vmem>>[vector<16xi32>, vector<16xi32>], vector<16xf32>,
        %add3A_486 = arith.addi %get3A_180, %and3A_475 : vector<16xi32>
        %gather3A_487 = tpu.vector_load_idx %arg8[%add3A_25, %add3A_486] : memref<128x128xf32, #tpu.memory_space<vmem>>[vector<16xi32>, vector<16xi32>], vector<16xf32>,
        %add3A_488 = arith.addi %get3A_183, %and3A_475 : vector<16xi32>
        %gather3A_489 = tpu.vector_load_idx %arg8[%add3A_29, %add3A_488] : memref<128x128xf32, #tpu.memory_space<vmem>>[vector<16xi32>, vector<16xi32>], vector<16xf32>,
        %add3A_490 = arith.addi %get3A_186, %and3A_475 : vector<16xi32>
        %gather3A_491 = tpu.vector_load_idx %arg8[%add3A_33, %add3A_490] : memref<128x128xf32, #tpu.memory_space<vmem>>[vector<16xi32>, vector<16xi32>], vector<16xf32>,
        tpu.vector_store_idx %arg10[%broadcast_in_dim3A_187, %and3A_475, %add3A_5], %gather3A_477 : memref<1x64x128xf32, #tpu.memory_space<vmem>>[vector<16xi32>, vector<16xi32>, vector<16xi32>], vector<16xf32>,
        tpu.vector_store_idx %arg10[%broadcast_in_dim3A_187, %and3A_475, %add3A_9], %gather3A_479 : memref<1x64x128xf32, #tpu.memory_space<vmem>>[vector<16xi32>, vector<16xi32>, vector<16xi32>], vector<16xf32>,
        tpu.vector_store_idx %arg10[%broadcast_in_dim3A_187, %and3A_475, %add3A_13], %gather3A_481 : memref<1x64x128xf32, #tpu.memory_space<vmem>>[vector<16xi32>, vector<16xi32>, vector<16xi32>], vector<16xf32>,
        tpu.vector_store_idx %arg10[%broadcast_in_dim3A_187, %and3A_475, %add3A_17], %gather3A_483 : memref<1x64x128xf32, #tpu.memory_space<vmem>>[vector<16xi32>, vector<16xi32>, vector<16xi32>], vector<16xf32>,
        tpu.vector_store_idx %arg10[%broadcast_in_dim3A_187, %and3A_475, %add3A_21], %gather3A_485 : memref<1x64x128xf32, #tpu.memory_space<vmem>>[vector<16xi32>, vector<16xi32>, vector<16xi32>], vector<16xf32>,
        tpu.vector_store_idx %arg10[%broadcast_in_dim3A_187, %and3A_475, %add3A_25], %gather3A_487 : memref<1x64x128xf32, #tpu.memory_space<vmem>>[vector<16xi32>, vector<16xi32>, vector<16xi32>], vector<16xf32>,
        tpu.vector_store_idx %arg10[%broadcast_in_dim3A_187, %and3A_475, %add3A_29], %gather3A_489 : memref<1x64x128xf32, #tpu.memory_space<vmem>>[vector<16xi32>, vector<16xi32>, vector<16xi32>], vector<16xf32>,
        tpu.vector_store_idx %arg10[%broadcast_in_dim3A_187, %and3A_475, %add3A_33], %gather3A_491 : memref<1x64x128xf32, #tpu.memory_space<vmem>>[vector<16xi32>, vector<16xi32>, vector<16xi32>], vector<16xf32>,
        %iota3A_492 = tpu.iota {dimensions = array<i32: 0>} : vector<16xi32>
        %mul3A_493 = arith.constant 8 : i32
        %mul3A_494 = arith.muli %scan3A_310, %mul3A_493 : i32
        %add3A_495 = arith.constant 7 : i32
        %add3A_496 = arith.addi %mul3A_494, %add3A_495 : i32
        %add3A_497 = vector.broadcast %add3A_496 : i32 to vector<16xi32>
        %add3A_498 = arith.addi %iota3A_492, %add3A_497 : vector<16xi32>
        %and3A_499 = arith.constant 63 : i32
        %and3A_500 = vector.broadcast %and3A_499 : i32 to vector<16xi32>
        %and3A_501 = arith.andi %add3A_498, %and3A_500 : vector<16xi32>
        %add3A_502 = arith.addi %get3A_165, %and3A_501 : vector<16xi32>
        %gather3A_503 = tpu.vector_load_idx %arg8[%add3A_5, %add3A_502] : memref<128x128xf32, #tpu.memory_space<vmem>>[vector<16xi32>, vector<16xi32>], vector<16xf32>,
        %add3A_504 = arith.addi %get3A_168, %and3A_501 : vector<16xi32>
        %gather3A_505 = tpu.vector_load_idx %arg8[%add3A_9, %add3A_504] : memref<128x128xf32, #tpu.memory_space<vmem>>[vector<16xi32>, vector<16xi32>], vector<16xf32>,
        %add3A_506 = arith.addi %get3A_171, %and3A_501 : vector<16xi32>
        %gather3A_507 = tpu.vector_load_idx %arg8[%add3A_13, %add3A_506] : memref<128x128xf32, #tpu.memory_space<vmem>>[vector<16xi32>, vector<16xi32>], vector<16xf32>,
        %add3A_508 = arith.addi %get3A_174, %and3A_501 : vector<16xi32>
        %gather3A_509 = tpu.vector_load_idx %arg8[%add3A_17, %add3A_508] : memref<128x128xf32, #tpu.memory_space<vmem>>[vector<16xi32>, vector<16xi32>], vector<16xf32>,
        %add3A_510 = arith.addi %get3A_177, %and3A_501 : vector<16xi32>
        %gather3A_511 = tpu.vector_load_idx %arg8[%add3A_21, %add3A_510] : memref<128x128xf32, #tpu.memory_space<vmem>>[vector<16xi32>, vector<16xi32>], vector<16xf32>,
        %add3A_512 = arith.addi %get3A_180, %and3A_501 : vector<16xi32>
        %gather3A_513 = tpu.vector_load_idx %arg8[%add3A_25, %add3A_512] : memref<128x128xf32, #tpu.memory_space<vmem>>[vector<16xi32>, vector<16xi32>], vector<16xf32>,
        %add3A_514 = arith.addi %get3A_183, %and3A_501 : vector<16xi32>
        %gather3A_515 = tpu.vector_load_idx %arg8[%add3A_29, %add3A_514] : memref<128x128xf32, #tpu.memory_space<vmem>>[vector<16xi32>, vector<16xi32>], vector<16xf32>,
        %add3A_516 = arith.addi %get3A_186, %and3A_501 : vector<16xi32>
        %gather3A_517 = tpu.vector_load_idx %arg8[%add3A_33, %add3A_516] : memref<128x128xf32, #tpu.memory_space<vmem>>[vector<16xi32>, vector<16xi32>], vector<16xf32>,
        tpu.vector_store_idx %arg10[%broadcast_in_dim3A_187, %and3A_501, %add3A_5], %gather3A_503 : memref<1x64x128xf32, #tpu.memory_space<vmem>>[vector<16xi32>, vector<16xi32>, vector<16xi32>], vector<16xf32>,
        tpu.vector_store_idx %arg10[%broadcast_in_dim3A_187, %and3A_501, %add3A_9], %gather3A_505 : memref<1x64x128xf32, #tpu.memory_space<vmem>>[vector<16xi32>, vector<16xi32>, vector<16xi32>], vector<16xf32>,
        tpu.vector_store_idx %arg10[%broadcast_in_dim3A_187, %and3A_501, %add3A_13], %gather3A_507 : memref<1x64x128xf32, #tpu.memory_space<vmem>>[vector<16xi32>, vector<16xi32>, vector<16xi32>], vector<16xf32>,
        tpu.vector_store_idx %arg10[%broadcast_in_dim3A_187, %and3A_501, %add3A_17], %gather3A_509 : memref<1x64x128xf32, #tpu.memory_space<vmem>>[vector<16xi32>, vector<16xi32>, vector<16xi32>], vector<16xf32>,
        tpu.vector_store_idx %arg10[%broadcast_in_dim3A_187, %and3A_501, %add3A_21], %gather3A_511 : memref<1x64x128xf32, #tpu.memory_space<vmem>>[vector<16xi32>, vector<16xi32>, vector<16xi32>], vector<16xf32>,
        tpu.vector_store_idx %arg10[%broadcast_in_dim3A_187, %and3A_501, %add3A_25], %gather3A_513 : memref<1x64x128xf32, #tpu.memory_space<vmem>>[vector<16xi32>, vector<16xi32>, vector<16xi32>], vector<16xf32>,
        tpu.vector_store_idx %arg10[%broadcast_in_dim3A_187, %and3A_501, %add3A_29], %gather3A_515 : memref<1x64x128xf32, #tpu.memory_space<vmem>>[vector<16xi32>, vector<16xi32>, vector<16xi32>], vector<16xf32>,
        tpu.vector_store_idx %arg10[%broadcast_in_dim3A_187, %and3A_501, %add3A_33], %gather3A_517 : memref<1x64x128xf32, #tpu.memory_space<vmem>>[vector<16xi32>, vector<16xi32>, vector<16xi32>], vector<16xf32>,
      }
      %scan3A_193 = arith.constant 8 : i32
      %jit3A = arith.constant 50 : i32
      %div3A = arith.divsi %add3A_155, %jit3A : i32
      %sign3A = arith.constant 0 : i32
      %sign3A_194 = arith.cmpi sgt, %add3A_155, %sign3A : i32
      %sign3A_195 = arith.extui %sign3A_194 : i1 to i32
      %sign3A_196 = arith.constant 0 : i32
      %sign3A_197 = arith.cmpi slt, %add3A_155, %sign3A_196 : i32
      %sign3A_198 = arith.extui %sign3A_197 : i1 to i32
      %sign3A_199 = arith.subi %sign3A_195, %sign3A_198 : i32
      %sign3A_200 = arith.constant 0 : i32
      %sign3A_201 = arith.cmpi sgt, %jit3A, %sign3A_200 : i32
      %sign3A_202 = arith.extui %sign3A_201 : i1 to i32
      %sign3A_203 = arith.constant 0 : i32
      %sign3A_204 = arith.cmpi slt, %jit3A, %sign3A_203 : i32
      %sign3A_205 = arith.extui %sign3A_204 : i1 to i32
      %sign3A_206 = arith.subi %sign3A_202, %sign3A_205 : i32
      %ne3A = arith.cmpi ne, %sign3A_199, %sign3A_206 : i32
      %rem3A = arith.remsi %add3A_155, %jit3A : i32
      %ne3A_207 = arith.constant 0 : i32
      %ne3A_208 = arith.cmpi ne, %rem3A, %ne3A_207 : i32
      %and3A = arith.andi %ne3A, %ne3A_208 : i1
      %sub3A = arith.constant 1 : i32
      %sub3A_209 = arith.subi %div3A, %sub3A : i32
      %select_n3A = arith.select %and3A, %sub3A_209, %div3A : i32
      %mul3A_210 = arith.constant 50 : i32
      %mul3A_211 = arith.muli %select_n3A, %mul3A_210 : i32
      %sub3A_212 = arith.subi %add3A_155, %mul3A_211 : i32
      %add3A_213 = arith.addi %mul3A_2, %select_n3A : i32
      %mul3A_214 = arith.constant 128 : i32
      %mul3A_215 = arith.muli %add3A_213, %mul3A_214 : i32
      %dma_start3A_216 = arith.constant 0 : i32
      %dma_start3A_217 = tpu.memref_slice %arg4[%sub3A_212, %dma_start3A_216, %mul3A_215] : memref<50x64x16384xf32, #tpu.memory_space<hbm>> -> memref<1x64x128xf32, #tpu.memory_space<hbm>>
      %dma_start3A_218 = arith.constant 0 : i32
      %dma_start3A_219 = tpu.memref_slice %arg4[%sub3A_212, %dma_start3A_218, %mul3A_215] : memref<50x64x16384xf32, #tpu.memory_space<hbm>> -> memref<1x64x128xf32, #tpu.memory_space<hbm>>
      tpu.enqueue_dma source(%arg10 : memref<1x64x128xf32, #tpu.memory_space<vmem>>) target(%dma_start3A_219 : memref<1x64x128xf32, #tpu.memory_space<hbm>>) target_semaphore(%arg14 : memref<!tpu.dma_semaphore, #tpu.memory_space<semaphore_mem>>)
      %lt3A = arith.constant 99 : i32
      %lt3A_220 = arith.cmpi slt, %scan3A_151, %lt3A : i32
      %convert_element_type3A_221 = arith.extui %lt3A_220 : i1 to i32
      %cond3A_222 = arith.constant 0 : i32
      %cond3A_223 = arith.cmpi ne, %convert_element_type3A_221, %cond3A_222 : i32
      scf.if %cond3A_223 {
        %add3A_310 = arith.constant 2 : i32
        %add3A_311 = arith.addi %add3A_155, %add3A_310 : i32
        %dma_start3A_312 = arith.constant 0 : i32
        %dma_start3A_313 = tpu.memref_slice %arg6[%add3A_311, %dma_start3A_312] : memref<200x128xi32, #tpu.memory_space<vmem>> -> memref<1x128xi32, #tpu.memory_space<vmem>>
        %dma_start3A_314 = tpu.memref_squeeze %dma_start3A_313 : memref<1x128xi32, #tpu.memory_space<vmem>> -> memref<128xi32, #tpu.memory_space<vmem>>
        %dma_start3A_315 = arith.constant 0 : i32
        %dma_start3A_316 = arith.constant 0 : i32
        %dma_start3A_317 = tpu.memref_slice %arg3[%dma_start3A_315, %dma_start3A_316] : memref<5000x128xf32, #tpu.memory_space<hbm>> -> memref<5000x128xf32, #tpu.memory_space<hbm>>
        tpu.enqueue_indirect_dma source(%dma_start3A_317 : memref<5000x128xf32, #tpu.memory_space<hbm>>) target(%arg8 : memref<128x128xf32, #tpu.memory_space<vmem>>) offsets(%dma_start3A_314 : memref<128xi32, #tpu.memory_space<vmem>>) semaphore(%arg12 : memref<!tpu.dma_semaphore, #tpu.memory_space<semaphore_mem>>)
      } else {
      }
      %mul3A_224 = arith.constant 2 : i32
      %mul3A_225 = arith.muli %mul3A_224, %scan3A_151 : i32
      %add3A_226 = arith.constant 1 : i32
      %add3A_227 = arith.addi %mul3A_225, %add3A_226 : i32
      %dma_wait3A_228 = arith.constant 0 : i32
      %dma_wait3A_229 = tpu.memref_slice %arg6[%add3A_227, %dma_wait3A_228] : memref<200x128xi32, #tpu.memory_space<vmem>> -> memref<1x128xi32, #tpu.memory_space<vmem>>
      %dma_wait3A_230 = tpu.memref_squeeze %dma_wait3A_229 : memref<1x128xi32, #tpu.memory_space<vmem>> -> memref<128xi32, #tpu.memory_space<vmem>>
      %dma_wait3A_231 = arith.constant 0 : i32
      %dma_wait3A_232 = arith.constant 0 : i32
      %dma_wait3A_233 = tpu.memref_slice %arg3[%dma_wait3A_231, %dma_wait3A_232] : memref<5000x128xf32, #tpu.memory_space<hbm>> -> memref<5000x128xf32, #tpu.memory_space<hbm>>
      tpu.wait_indirect_dma semaphore(%arg13 : memref<!tpu.dma_semaphore, #tpu.memory_space<semaphore_mem>>) src(%dma_wait3A_233 : memref<5000x128xf32, #tpu.memory_space<hbm>>) dst(%arg9 : memref<128x128xf32, #tpu.memory_space<vmem>>)
      %gt3A_234 = arith.constant 0 : i32
      %gt3A_235 = arith.cmpi sgt, %scan3A_151, %gt3A_234 : i32
      %convert_element_type3A_236 = arith.extui %gt3A_235 : i1 to i32
      %cond3A_237 = arith.constant 0 : i32
      %cond3A_238 = arith.cmpi ne, %convert_element_type3A_236, %cond3A_237 : i32
      scf.if %cond3A_238 {
        %sub3A_310 = arith.constant 2 : i32
        %sub3A_311 = arith.subi %add3A_227, %sub3A_310 : i32
        %jit3A_312 = arith.constant 50 : i32
        %div3A_313 = arith.divsi %sub3A_311, %jit3A_312 : i32
        %sign3A_314 = arith.constant 0 : i32
        %sign3A_315 = arith.cmpi sgt, %sub3A_311, %sign3A_314 : i32
        %sign3A_316 = arith.extui %sign3A_315 : i1 to i32
        %sign3A_317 = arith.constant 0 : i32
        %sign3A_318 = arith.cmpi slt, %sub3A_311, %sign3A_317 : i32
        %sign3A_319 = arith.extui %sign3A_318 : i1 to i32
        %sign3A_320 = arith.subi %sign3A_316, %sign3A_319 : i32
        %sign3A_321 = arith.constant 0 : i32
        %sign3A_322 = arith.cmpi sgt, %jit3A_312, %sign3A_321 : i32
        %sign3A_323 = arith.extui %sign3A_322 : i1 to i32
        %sign3A_324 = arith.constant 0 : i32
        %sign3A_325 = arith.cmpi slt, %jit3A_312, %sign3A_324 : i32
        %sign3A_326 = arith.extui %sign3A_325 : i1 to i32
        %sign3A_327 = arith.subi %sign3A_323, %sign3A_326 : i32
        %ne3A_328 = arith.cmpi ne, %sign3A_320, %sign3A_327 : i32
        %rem3A_329 = arith.remsi %sub3A_311, %jit3A_312 : i32
        %ne3A_330 = arith.constant 0 : i32
        %ne3A_331 = arith.cmpi ne, %rem3A_329, %ne3A_330 : i32
        %and3A_332 = arith.andi %ne3A_328, %ne3A_331 : i1
        %sub3A_333 = arith.constant 1 : i32
        %sub3A_334 = arith.subi %div3A_313, %sub3A_333 : i32
        %select_n3A_335 = arith.select %and3A_332, %sub3A_334, %div3A_313 : i32
        %mul3A_336 = arith.constant 50 : i32
        %mul3A_337 = arith.muli %select_n3A_335, %mul3A_336 : i32
        %sub3A_338 = arith.subi %sub3A_311, %mul3A_337 : i32
        %add3A_339 = arith.addi %mul3A_2, %select_n3A_335 : i32
        %mul3A_340 = arith.constant 128 : i32
        %mul3A_341 = arith.muli %add3A_339, %mul3A_340 : i32
        %dma_wait3A_342 = arith.constant 0 : i32
        %dma_wait3A_343 = tpu.memref_slice %arg4[%sub3A_338, %dma_wait3A_342, %mul3A_341] : memref<50x64x16384xf32, #tpu.memory_space<hbm>> -> memref<1x64x128xf32, #tpu.memory_space<hbm>>
        %dma_wait3A_344 = arith.constant 0 : i32
        %dma_wait3A_345 = tpu.memref_slice %arg4[%sub3A_338, %dma_wait3A_344, %mul3A_341] : memref<50x64x16384xf32, #tpu.memory_space<hbm>> -> memref<1x64x128xf32, #tpu.memory_space<hbm>>
        tpu.wait_dma2 semaphore(%arg15 : memref<!tpu.dma_semaphore, #tpu.memory_space<semaphore_mem>>) src(%arg11 : memref<1x64x128xf32, #tpu.memory_space<vmem>>) dst(%dma_wait3A_345 : memref<1x64x128xf32, #tpu.memory_space<hbm>>)
      } else {
      }
      %get3A_239 = arith.index_cast %add3A_227 : i32 to index
      %get3A_240 = arith.constant 0 : index
      %get3A_241 = tpu.vector_load %arg7[%get3A_239, %get3A_240] {strides = array<i32>} : memref<200x128xi32, #tpu.memory_space<vmem>>, vector<16xi32>,
      %get3A_242 = arith.index_cast %add3A_227 : i32 to index
      %get3A_243 = arith.constant 16 : index
      %get3A_244 = tpu.vector_load %arg7[%get3A_242, %get3A_243] {strides = array<i32>} : memref<200x128xi32, #tpu.memory_space<vmem>>, vector<16xi32>,
      %get3A_245 = arith.index_cast %add3A_227 : i32 to index
      %get3A_246 = arith.constant 32 : index
      %get3A_247 = tpu.vector_load %arg7[%get3A_245, %get3A_246] {strides = array<i32>} : memref<200x128xi32, #tpu.memory_space<vmem>>, vector<16xi32>,
      %get3A_248 = arith.index_cast %add3A_227 : i32 to index
      %get3A_249 = arith.constant 48 : index
      %get3A_250 = tpu.vector_load %arg7[%get3A_248, %get3A_249] {strides = array<i32>} : memref<200x128xi32, #tpu.memory_space<vmem>>, vector<16xi32>,
      %get3A_251 = arith.index_cast %add3A_227 : i32 to index
      %get3A_252 = arith.constant 64 : index
      %get3A_253 = tpu.vector_load %arg7[%get3A_251, %get3A_252] {strides = array<i32>} : memref<200x128xi32, #tpu.memory_space<vmem>>, vector<16xi32>,
      %get3A_254 = arith.index_cast %add3A_227 : i32 to index
      %get3A_255 = arith.constant 80 : index
      %get3A_256 = tpu.vector_load %arg7[%get3A_254, %get3A_255] {strides = array<i32>} : memref<200x128xi32, #tpu.memory_space<vmem>>, vector<16xi32>,
      %get3A_257 = arith.index_cast %add3A_227 : i32 to index
      %get3A_258 = arith.constant 96 : index
      %get3A_259 = tpu.vector_load %arg7[%get3A_257, %get3A_258] {strides = array<i32>} : memref<200x128xi32, #tpu.memory_space<vmem>>, vector<16xi32>,
      %get3A_260 = arith.index_cast %add3A_227 : i32 to index
      %get3A_261 = arith.constant 112 : index
      %get3A_262 = tpu.vector_load %arg7[%get3A_260, %get3A_261] {strides = array<i32>} : memref<200x128xi32, #tpu.memory_space<vmem>>, vector<16xi32>,
      %broadcast_in_dim3A_263 = arith.constant 0 : i32
      %broadcast_in_dim3A_264 = vector.broadcast %broadcast_in_dim3A_263 : i32 to vector<16xi32>
      %scan3A_265 = arith.constant 0 : i32
      %scan3A_266 = arith.constant 0 : i32
      %scan3A_267 = arith.constant 8 : i32
      %scan3A_268 = arith.addi %scan3A_266, %scan3A_267 : i32
      %scan3A_269 = arith.constant 1 : i32
      scf.for %scan3A_310 = %scan3A_266 to %scan3A_268 step %scan3A_269  : i32 {
        %iota3A_311 = tpu.iota {dimensions = array<i32: 0>} : vector<16xi32>
        %mul3A_312 = arith.constant 8 : i32
        %mul3A_313 = arith.muli %scan3A_310, %mul3A_312 : i32
        %add3A_314 = arith.constant 0 : i32
        %add3A_315 = arith.addi %mul3A_313, %add3A_314 : i32
        %add3A_316 = vector.broadcast %add3A_315 : i32 to vector<16xi32>
        %add3A_317 = arith.addi %iota3A_311, %add3A_316 : vector<16xi32>
        %and3A_318 = arith.constant 63 : i32
        %and3A_319 = vector.broadcast %and3A_318 : i32 to vector<16xi32>
        %and3A_320 = arith.andi %add3A_317, %and3A_319 : vector<16xi32>
        %add3A_321 = arith.addi %get3A_241, %and3A_320 : vector<16xi32>
        %gather3A = tpu.vector_load_idx %arg9[%add3A_5, %add3A_321] : memref<128x128xf32, #tpu.memory_space<vmem>>[vector<16xi32>, vector<16xi32>], vector<16xf32>,
        %add3A_322 = arith.addi %get3A_244, %and3A_320 : vector<16xi32>
        %gather3A_323 = tpu.vector_load_idx %arg9[%add3A_9, %add3A_322] : memref<128x128xf32, #tpu.memory_space<vmem>>[vector<16xi32>, vector<16xi32>], vector<16xf32>,
        %add3A_324 = arith.addi %get3A_247, %and3A_320 : vector<16xi32>
        %gather3A_325 = tpu.vector_load_idx %arg9[%add3A_13, %add3A_324] : memref<128x128xf32, #tpu.memory_space<vmem>>[vector<16xi32>, vector<16xi32>], vector<16xf32>,
        %add3A_326 = arith.addi %get3A_250, %and3A_320 : vector<16xi32>
        %gather3A_327 = tpu.vector_load_idx %arg9[%add3A_17, %add3A_326] : memref<128x128xf32, #tpu.memory_space<vmem>>[vector<16xi32>, vector<16xi32>], vector<16xf32>,
        %add3A_328 = arith.addi %get3A_253, %and3A_320 : vector<16xi32>
        %gather3A_329 = tpu.vector_load_idx %arg9[%add3A_21, %add3A_328] : memref<128x128xf32, #tpu.memory_space<vmem>>[vector<16xi32>, vector<16xi32>], vector<16xf32>,
        %add3A_330 = arith.addi %get3A_256, %and3A_320 : vector<16xi32>
        %gather3A_331 = tpu.vector_load_idx %arg9[%add3A_25, %add3A_330] : memref<128x128xf32, #tpu.memory_space<vmem>>[vector<16xi32>, vector<16xi32>], vector<16xf32>,
        %add3A_332 = arith.addi %get3A_259, %and3A_320 : vector<16xi32>
        %gather3A_333 = tpu.vector_load_idx %arg9[%add3A_29, %add3A_332] : memref<128x128xf32, #tpu.memory_space<vmem>>[vector<16xi32>, vector<16xi32>], vector<16xf32>,
        %add3A_334 = arith.addi %get3A_262, %and3A_320 : vector<16xi32>
        %gather3A_335 = tpu.vector_load_idx %arg9[%add3A_33, %add3A_334] : memref<128x128xf32, #tpu.memory_space<vmem>>[vector<16xi32>, vector<16xi32>], vector<16xf32>,
        tpu.vector_store_idx %arg11[%broadcast_in_dim3A_264, %and3A_320, %add3A_5], %gather3A : memref<1x64x128xf32, #tpu.memory_space<vmem>>[vector<16xi32>, vector<16xi32>, vector<16xi32>], vector<16xf32>,
        tpu.vector_store_idx %arg11[%broadcast_in_dim3A_264, %and3A_320, %add3A_9], %gather3A_323 : memref<1x64x128xf32, #tpu.memory_space<vmem>>[vector<16xi32>, vector<16xi32>, vector<16xi32>], vector<16xf32>,
        tpu.vector_store_idx %arg11[%broadcast_in_dim3A_264, %and3A_320, %add3A_13], %gather3A_325 : memref<1x64x128xf32, #tpu.memory_space<vmem>>[vector<16xi32>, vector<16xi32>, vector<16xi32>], vector<16xf32>,
        tpu.vector_store_idx %arg11[%broadcast_in_dim3A_264, %and3A_320, %add3A_17], %gather3A_327 : memref<1x64x128xf32, #tpu.memory_space<vmem>>[vector<16xi32>, vector<16xi32>, vector<16xi32>], vector<16xf32>,
        tpu.vector_store_idx %arg11[%broadcast_in_dim3A_264, %and3A_320, %add3A_21], %gather3A_329 : memref<1x64x128xf32, #tpu.memory_space<vmem>>[vector<16xi32>, vector<16xi32>, vector<16xi32>], vector<16xf32>,
        tpu.vector_store_idx %arg11[%broadcast_in_dim3A_264, %and3A_320, %add3A_25], %gather3A_331 : memref<1x64x128xf32, #tpu.memory_space<vmem>>[vector<16xi32>, vector<16xi32>, vector<16xi32>], vector<16xf32>,
        tpu.vector_store_idx %arg11[%broadcast_in_dim3A_264, %and3A_320, %add3A_29], %gather3A_333 : memref<1x64x128xf32, #tpu.memory_space<vmem>>[vector<16xi32>, vector<16xi32>, vector<16xi32>], vector<16xf32>,
        tpu.vector_store_idx %arg11[%broadcast_in_dim3A_264, %and3A_320, %add3A_33], %gather3A_335 : memref<1x64x128xf32, #tpu.memory_space<vmem>>[vector<16xi32>, vector<16xi32>, vector<16xi32>], vector<16xf32>,
        %iota3A_336 = tpu.iota {dimensions = array<i32: 0>} : vector<16xi32>
        %mul3A_337 = arith.constant 8 : i32
        %mul3A_338 = arith.muli %scan3A_310, %mul3A_337 : i32
        %add3A_339 = arith.constant 1 : i32
        %add3A_340 = arith.addi %mul3A_338, %add3A_339 : i32
        %add3A_341 = vector.broadcast %add3A_340 : i32 to vector<16xi32>
        %add3A_342 = arith.addi %iota3A_336, %add3A_341 : vector<16xi32>
        %and3A_343 = arith.constant 63 : i32
        %and3A_344 = vector.broadcast %and3A_343 : i32 to vector<16xi32>
        %and3A_345 = arith.andi %add3A_342, %and3A_344 : vector<16xi32>
        %add3A_346 = arith.addi %get3A_241, %and3A_345 : vector<16xi32>
        %gather3A_347 = tpu.vector_load_idx %arg9[%add3A_5, %add3A_346] : memref<128x128xf32, #tpu.memory_space<vmem>>[vector<16xi32>, vector<16xi32>], vector<16xf32>,
        %add3A_348 = arith.addi %get3A_244, %and3A_345 : vector<16xi32>
        %gather3A_349 = tpu.vector_load_idx %arg9[%add3A_9, %add3A_348] : memref<128x128xf32, #tpu.memory_space<vmem>>[vector<16xi32>, vector<16xi32>], vector<16xf32>,
        %add3A_350 = arith.addi %get3A_247, %and3A_345 : vector<16xi32>
        %gather3A_351 = tpu.vector_load_idx %arg9[%add3A_13, %add3A_350] : memref<128x128xf32, #tpu.memory_space<vmem>>[vector<16xi32>, vector<16xi32>], vector<16xf32>,
        %add3A_352 = arith.addi %get3A_250, %and3A_345 : vector<16xi32>
        %gather3A_353 = tpu.vector_load_idx %arg9[%add3A_17, %add3A_352] : memref<128x128xf32, #tpu.memory_space<vmem>>[vector<16xi32>, vector<16xi32>], vector<16xf32>,
        %add3A_354 = arith.addi %get3A_253, %and3A_345 : vector<16xi32>
        %gather3A_355 = tpu.vector_load_idx %arg9[%add3A_21, %add3A_354] : memref<128x128xf32, #tpu.memory_space<vmem>>[vector<16xi32>, vector<16xi32>], vector<16xf32>,
        %add3A_356 = arith.addi %get3A_256, %and3A_345 : vector<16xi32>
        %gather3A_357 = tpu.vector_load_idx %arg9[%add3A_25, %add3A_356] : memref<128x128xf32, #tpu.memory_space<vmem>>[vector<16xi32>, vector<16xi32>], vector<16xf32>,
        %add3A_358 = arith.addi %get3A_259, %and3A_345 : vector<16xi32>
        %gather3A_359 = tpu.vector_load_idx %arg9[%add3A_29, %add3A_358] : memref<128x128xf32, #tpu.memory_space<vmem>>[vector<16xi32>, vector<16xi32>], vector<16xf32>,
        %add3A_360 = arith.addi %get3A_262, %and3A_345 : vector<16xi32>
        %gather3A_361 = tpu.vector_load_idx %arg9[%add3A_33, %add3A_360] : memref<128x128xf32, #tpu.memory_space<vmem>>[vector<16xi32>, vector<16xi32>], vector<16xf32>,
        tpu.vector_store_idx %arg11[%broadcast_in_dim3A_264, %and3A_345, %add3A_5], %gather3A_347 : memref<1x64x128xf32, #tpu.memory_space<vmem>>[vector<16xi32>, vector<16xi32>, vector<16xi32>], vector<16xf32>,
        tpu.vector_store_idx %arg11[%broadcast_in_dim3A_264, %and3A_345, %add3A_9], %gather3A_349 : memref<1x64x128xf32, #tpu.memory_space<vmem>>[vector<16xi32>, vector<16xi32>, vector<16xi32>], vector<16xf32>,
        tpu.vector_store_idx %arg11[%broadcast_in_dim3A_264, %and3A_345, %add3A_13], %gather3A_351 : memref<1x64x128xf32, #tpu.memory_space<vmem>>[vector<16xi32>, vector<16xi32>, vector<16xi32>], vector<16xf32>,
        tpu.vector_store_idx %arg11[%broadcast_in_dim3A_264, %and3A_345, %add3A_17], %gather3A_353 : memref<1x64x128xf32, #tpu.memory_space<vmem>>[vector<16xi32>, vector<16xi32>, vector<16xi32>], vector<16xf32>,
        tpu.vector_store_idx %arg11[%broadcast_in_dim3A_264, %and3A_345, %add3A_21], %gather3A_355 : memref<1x64x128xf32, #tpu.memory_space<vmem>>[vector<16xi32>, vector<16xi32>, vector<16xi32>], vector<16xf32>,
        tpu.vector_store_idx %arg11[%broadcast_in_dim3A_264, %and3A_345, %add3A_25], %gather3A_357 : memref<1x64x128xf32, #tpu.memory_space<vmem>>[vector<16xi32>, vector<16xi32>, vector<16xi32>], vector<16xf32>,
        tpu.vector_store_idx %arg11[%broadcast_in_dim3A_264, %and3A_345, %add3A_29], %gather3A_359 : memref<1x64x128xf32, #tpu.memory_space<vmem>>[vector<16xi32>, vector<16xi32>, vector<16xi32>], vector<16xf32>,
        tpu.vector_store_idx %arg11[%broadcast_in_dim3A_264, %and3A_345, %add3A_33], %gather3A_361 : memref<1x64x128xf32, #tpu.memory_space<vmem>>[vector<16xi32>, vector<16xi32>, vector<16xi32>], vector<16xf32>,
        %iota3A_362 = tpu.iota {dimensions = array<i32: 0>} : vector<16xi32>
        %mul3A_363 = arith.constant 8 : i32
        %mul3A_364 = arith.muli %scan3A_310, %mul3A_363 : i32
        %add3A_365 = arith.constant 2 : i32
        %add3A_366 = arith.addi %mul3A_364, %add3A_365 : i32
        %add3A_367 = vector.broadcast %add3A_366 : i32 to vector<16xi32>
        %add3A_368 = arith.addi %iota3A_362, %add3A_367 : vector<16xi32>
        %and3A_369 = arith.constant 63 : i32
        %and3A_370 = vector.broadcast %and3A_369 : i32 to vector<16xi32>
        %and3A_371 = arith.andi %add3A_368, %and3A_370 : vector<16xi32>
        %add3A_372 = arith.addi %get3A_241, %and3A_371 : vector<16xi32>
        %gather3A_373 = tpu.vector_load_idx %arg9[%add3A_5, %add3A_372] : memref<128x128xf32, #tpu.memory_space<vmem>>[vector<16xi32>, vector<16xi32>], vector<16xf32>,
        %add3A_374 = arith.addi %get3A_244, %and3A_371 : vector<16xi32>
        %gather3A_375 = tpu.vector_load_idx %arg9[%add3A_9, %add3A_374] : memref<128x128xf32, #tpu.memory_space<vmem>>[vector<16xi32>, vector<16xi32>], vector<16xf32>,
        %add3A_376 = arith.addi %get3A_247, %and3A_371 : vector<16xi32>
        %gather3A_377 = tpu.vector_load_idx %arg9[%add3A_13, %add3A_376] : memref<128x128xf32, #tpu.memory_space<vmem>>[vector<16xi32>, vector<16xi32>], vector<16xf32>,
        %add3A_378 = arith.addi %get3A_250, %and3A_371 : vector<16xi32>
        %gather3A_379 = tpu.vector_load_idx %arg9[%add3A_17, %add3A_378] : memref<128x128xf32, #tpu.memory_space<vmem>>[vector<16xi32>, vector<16xi32>], vector<16xf32>,
        %add3A_380 = arith.addi %get3A_253, %and3A_371 : vector<16xi32>
        %gather3A_381 = tpu.vector_load_idx %arg9[%add3A_21, %add3A_380] : memref<128x128xf32, #tpu.memory_space<vmem>>[vector<16xi32>, vector<16xi32>], vector<16xf32>,
        %add3A_382 = arith.addi %get3A_256, %and3A_371 : vector<16xi32>
        %gather3A_383 = tpu.vector_load_idx %arg9[%add3A_25, %add3A_382] : memref<128x128xf32, #tpu.memory_space<vmem>>[vector<16xi32>, vector<16xi32>], vector<16xf32>,
        %add3A_384 = arith.addi %get3A_259, %and3A_371 : vector<16xi32>
        %gather3A_385 = tpu.vector_load_idx %arg9[%add3A_29, %add3A_384] : memref<128x128xf32, #tpu.memory_space<vmem>>[vector<16xi32>, vector<16xi32>], vector<16xf32>,
        %add3A_386 = arith.addi %get3A_262, %and3A_371 : vector<16xi32>
        %gather3A_387 = tpu.vector_load_idx %arg9[%add3A_33, %add3A_386] : memref<128x128xf32, #tpu.memory_space<vmem>>[vector<16xi32>, vector<16xi32>], vector<16xf32>,
        tpu.vector_store_idx %arg11[%broadcast_in_dim3A_264, %and3A_371, %add3A_5], %gather3A_373 : memref<1x64x128xf32, #tpu.memory_space<vmem>>[vector<16xi32>, vector<16xi32>, vector<16xi32>], vector<16xf32>,
        tpu.vector_store_idx %arg11[%broadcast_in_dim3A_264, %and3A_371, %add3A_9], %gather3A_375 : memref<1x64x128xf32, #tpu.memory_space<vmem>>[vector<16xi32>, vector<16xi32>, vector<16xi32>], vector<16xf32>,
        tpu.vector_store_idx %arg11[%broadcast_in_dim3A_264, %and3A_371, %add3A_13], %gather3A_377 : memref<1x64x128xf32, #tpu.memory_space<vmem>>[vector<16xi32>, vector<16xi32>, vector<16xi32>], vector<16xf32>,
        tpu.vector_store_idx %arg11[%broadcast_in_dim3A_264, %and3A_371, %add3A_17], %gather3A_379 : memref<1x64x128xf32, #tpu.memory_space<vmem>>[vector<16xi32>, vector<16xi32>, vector<16xi32>], vector<16xf32>,
        tpu.vector_store_idx %arg11[%broadcast_in_dim3A_264, %and3A_371, %add3A_21], %gather3A_381 : memref<1x64x128xf32, #tpu.memory_space<vmem>>[vector<16xi32>, vector<16xi32>, vector<16xi32>], vector<16xf32>,
        tpu.vector_store_idx %arg11[%broadcast_in_dim3A_264, %and3A_371, %add3A_25], %gather3A_383 : memref<1x64x128xf32, #tpu.memory_space<vmem>>[vector<16xi32>, vector<16xi32>, vector<16xi32>], vector<16xf32>,
        tpu.vector_store_idx %arg11[%broadcast_in_dim3A_264, %and3A_371, %add3A_29], %gather3A_385 : memref<1x64x128xf32, #tpu.memory_space<vmem>>[vector<16xi32>, vector<16xi32>, vector<16xi32>], vector<16xf32>,
        tpu.vector_store_idx %arg11[%broadcast_in_dim3A_264, %and3A_371, %add3A_33], %gather3A_387 : memref<1x64x128xf32, #tpu.memory_space<vmem>>[vector<16xi32>, vector<16xi32>, vector<16xi32>], vector<16xf32>,
        %iota3A_388 = tpu.iota {dimensions = array<i32: 0>} : vector<16xi32>
        %mul3A_389 = arith.constant 8 : i32
        %mul3A_390 = arith.muli %scan3A_310, %mul3A_389 : i32
        %add3A_391 = arith.constant 3 : i32
        %add3A_392 = arith.addi %mul3A_390, %add3A_391 : i32
        %add3A_393 = vector.broadcast %add3A_392 : i32 to vector<16xi32>
        %add3A_394 = arith.addi %iota3A_388, %add3A_393 : vector<16xi32>
        %and3A_395 = arith.constant 63 : i32
        %and3A_396 = vector.broadcast %and3A_395 : i32 to vector<16xi32>
        %and3A_397 = arith.andi %add3A_394, %and3A_396 : vector<16xi32>
        %add3A_398 = arith.addi %get3A_241, %and3A_397 : vector<16xi32>
        %gather3A_399 = tpu.vector_load_idx %arg9[%add3A_5, %add3A_398] : memref<128x128xf32, #tpu.memory_space<vmem>>[vector<16xi32>, vector<16xi32>], vector<16xf32>,
        %add3A_400 = arith.addi %get3A_244, %and3A_397 : vector<16xi32>
        %gather3A_401 = tpu.vector_load_idx %arg9[%add3A_9, %add3A_400] : memref<128x128xf32, #tpu.memory_space<vmem>>[vector<16xi32>, vector<16xi32>], vector<16xf32>,
        %add3A_402 = arith.addi %get3A_247, %and3A_397 : vector<16xi32>
        %gather3A_403 = tpu.vector_load_idx %arg9[%add3A_13, %add3A_402] : memref<128x128xf32, #tpu.memory_space<vmem>>[vector<16xi32>, vector<16xi32>], vector<16xf32>,
        %add3A_404 = arith.addi %get3A_250, %and3A_397 : vector<16xi32>
        %gather3A_405 = tpu.vector_load_idx %arg9[%add3A_17, %add3A_404] : memref<128x128xf32, #tpu.memory_space<vmem>>[vector<16xi32>, vector<16xi32>], vector<16xf32>,
        %add3A_406 = arith.addi %get3A_253, %and3A_397 : vector<16xi32>
        %gather3A_407 = tpu.vector_load_idx %arg9[%add3A_21, %add3A_406] : memref<128x128xf32, #tpu.memory_space<vmem>>[vector<16xi32>, vector<16xi32>], vector<16xf32>,
        %add3A_408 = arith.addi %get3A_256, %and3A_397 : vector<16xi32>
        %gather3A_409 = tpu.vector_load_idx %arg9[%add3A_25, %add3A_408] : memref<128x128xf32, #tpu.memory_space<vmem>>[vector<16xi32>, vector<16xi32>], vector<16xf32>,
        %add3A_410 = arith.addi %get3A_259, %and3A_397 : vector<16xi32>
        %gather3A_411 = tpu.vector_load_idx %arg9[%add3A_29, %add3A_410] : memref<128x128xf32, #tpu.memory_space<vmem>>[vector<16xi32>, vector<16xi32>], vector<16xf32>,
        %add3A_412 = arith.addi %get3A_262, %and3A_397 : vector<16xi32>
        %gather3A_413 = tpu.vector_load_idx %arg9[%add3A_33, %add3A_412] : memref<128x128xf32, #tpu.memory_space<vmem>>[vector<16xi32>, vector<16xi32>], vector<16xf32>,
        tpu.vector_store_idx %arg11[%broadcast_in_dim3A_264, %and3A_397, %add3A_5], %gather3A_399 : memref<1x64x128xf32, #tpu.memory_space<vmem>>[vector<16xi32>, vector<16xi32>, vector<16xi32>], vector<16xf32>,
        tpu.vector_store_idx %arg11[%broadcast_in_dim3A_264, %and3A_397, %add3A_9], %gather3A_401 : memref<1x64x128xf32, #tpu.memory_space<vmem>>[vector<16xi32>, vector<16xi32>, vector<16xi32>], vector<16xf32>,
        tpu.vector_store_idx %arg11[%broadcast_in_dim3A_264, %and3A_397, %add3A_13], %gather3A_403 : memref<1x64x128xf32, #tpu.memory_space<vmem>>[vector<16xi32>, vector<16xi32>, vector<16xi32>], vector<16xf32>,
        tpu.vector_store_idx %arg11[%broadcast_in_dim3A_264, %and3A_397, %add3A_17], %gather3A_405 : memref<1x64x128xf32, #tpu.memory_space<vmem>>[vector<16xi32>, vector<16xi32>, vector<16xi32>], vector<16xf32>,
        tpu.vector_store_idx %arg11[%broadcast_in_dim3A_264, %and3A_397, %add3A_21], %gather3A_407 : memref<1x64x128xf32, #tpu.memory_space<vmem>>[vector<16xi32>, vector<16xi32>, vector<16xi32>], vector<16xf32>,
        tpu.vector_store_idx %arg11[%broadcast_in_dim3A_264, %and3A_397, %add3A_25], %gather3A_409 : memref<1x64x128xf32, #tpu.memory_space<vmem>>[vector<16xi32>, vector<16xi32>, vector<16xi32>], vector<16xf32>,
        tpu.vector_store_idx %arg11[%broadcast_in_dim3A_264, %and3A_397, %add3A_29], %gather3A_411 : memref<1x64x128xf32, #tpu.memory_space<vmem>>[vector<16xi32>, vector<16xi32>, vector<16xi32>], vector<16xf32>,
        tpu.vector_store_idx %arg11[%broadcast_in_dim3A_264, %and3A_397, %add3A_33], %gather3A_413 : memref<1x64x128xf32, #tpu.memory_space<vmem>>[vector<16xi32>, vector<16xi32>, vector<16xi32>], vector<16xf32>,
        %iota3A_414 = tpu.iota {dimensions = array<i32: 0>} : vector<16xi32>
        %mul3A_415 = arith.constant 8 : i32
        %mul3A_416 = arith.muli %scan3A_310, %mul3A_415 : i32
        %add3A_417 = arith.constant 4 : i32
        %add3A_418 = arith.addi %mul3A_416, %add3A_417 : i32
        %add3A_419 = vector.broadcast %add3A_418 : i32 to vector<16xi32>
        %add3A_420 = arith.addi %iota3A_414, %add3A_419 : vector<16xi32>
        %and3A_421 = arith.constant 63 : i32
        %and3A_422 = vector.broadcast %and3A_421 : i32 to vector<16xi32>
        %and3A_423 = arith.andi %add3A_420, %and3A_422 : vector<16xi32>
        %add3A_424 = arith.addi %get3A_241, %and3A_423 : vector<16xi32>
        %gather3A_425 = tpu.vector_load_idx %arg9[%add3A_5, %add3A_424] : memref<128x128xf32, #tpu.memory_space<vmem>>[vector<16xi32>, vector<16xi32>], vector<16xf32>,
        %add3A_426 = arith.addi %get3A_244, %and3A_423 : vector<16xi32>
        %gather3A_427 = tpu.vector_load_idx %arg9[%add3A_9, %add3A_426] : memref<128x128xf32, #tpu.memory_space<vmem>>[vector<16xi32>, vector<16xi32>], vector<16xf32>,
        %add3A_428 = arith.addi %get3A_247, %and3A_423 : vector<16xi32>
        %gather3A_429 = tpu.vector_load_idx %arg9[%add3A_13, %add3A_428] : memref<128x128xf32, #tpu.memory_space<vmem>>[vector<16xi32>, vector<16xi32>], vector<16xf32>,
        %add3A_430 = arith.addi %get3A_250, %and3A_423 : vector<16xi32>
        %gather3A_431 = tpu.vector_load_idx %arg9[%add3A_17, %add3A_430] : memref<128x128xf32, #tpu.memory_space<vmem>>[vector<16xi32>, vector<16xi32>], vector<16xf32>,
        %add3A_432 = arith.addi %get3A_253, %and3A_423 : vector<16xi32>
        %gather3A_433 = tpu.vector_load_idx %arg9[%add3A_21, %add3A_432] : memref<128x128xf32, #tpu.memory_space<vmem>>[vector<16xi32>, vector<16xi32>], vector<16xf32>,
        %add3A_434 = arith.addi %get3A_256, %and3A_423 : vector<16xi32>
        %gather3A_435 = tpu.vector_load_idx %arg9[%add3A_25, %add3A_434] : memref<128x128xf32, #tpu.memory_space<vmem>>[vector<16xi32>, vector<16xi32>], vector<16xf32>,
        %add3A_436 = arith.addi %get3A_259, %and3A_423 : vector<16xi32>
        %gather3A_437 = tpu.vector_load_idx %arg9[%add3A_29, %add3A_436] : memref<128x128xf32, #tpu.memory_space<vmem>>[vector<16xi32>, vector<16xi32>], vector<16xf32>,
        %add3A_438 = arith.addi %get3A_262, %and3A_423 : vector<16xi32>
        %gather3A_439 = tpu.vector_load_idx %arg9[%add3A_33, %add3A_438] : memref<128x128xf32, #tpu.memory_space<vmem>>[vector<16xi32>, vector<16xi32>], vector<16xf32>,
        tpu.vector_store_idx %arg11[%broadcast_in_dim3A_264, %and3A_423, %add3A_5], %gather3A_425 : memref<1x64x128xf32, #tpu.memory_space<vmem>>[vector<16xi32>, vector<16xi32>, vector<16xi32>], vector<16xf32>,
        tpu.vector_store_idx %arg11[%broadcast_in_dim3A_264, %and3A_423, %add3A_9], %gather3A_427 : memref<1x64x128xf32, #tpu.memory_space<vmem>>[vector<16xi32>, vector<16xi32>, vector<16xi32>], vector<16xf32>,
        tpu.vector_store_idx %arg11[%broadcast_in_dim3A_264, %and3A_423, %add3A_13], %gather3A_429 : memref<1x64x128xf32, #tpu.memory_space<vmem>>[vector<16xi32>, vector<16xi32>, vector<16xi32>], vector<16xf32>,
        tpu.vector_store_idx %arg11[%broadcast_in_dim3A_264, %and3A_423, %add3A_17], %gather3A_431 : memref<1x64x128xf32, #tpu.memory_space<vmem>>[vector<16xi32>, vector<16xi32>, vector<16xi32>], vector<16xf32>,
        tpu.vector_store_idx %arg11[%broadcast_in_dim3A_264, %and3A_423, %add3A_21], %gather3A_433 : memref<1x64x128xf32, #tpu.memory_space<vmem>>[vector<16xi32>, vector<16xi32>, vector<16xi32>], vector<16xf32>,
        tpu.vector_store_idx %arg11[%broadcast_in_dim3A_264, %and3A_423, %add3A_25], %gather3A_435 : memref<1x64x128xf32, #tpu.memory_space<vmem>>[vector<16xi32>, vector<16xi32>, vector<16xi32>], vector<16xf32>,
        tpu.vector_store_idx %arg11[%broadcast_in_dim3A_264, %and3A_423, %add3A_29], %gather3A_437 : memref<1x64x128xf32, #tpu.memory_space<vmem>>[vector<16xi32>, vector<16xi32>, vector<16xi32>], vector<16xf32>,
        tpu.vector_store_idx %arg11[%broadcast_in_dim3A_264, %and3A_423, %add3A_33], %gather3A_439 : memref<1x64x128xf32, #tpu.memory_space<vmem>>[vector<16xi32>, vector<16xi32>, vector<16xi32>], vector<16xf32>,
        %iota3A_440 = tpu.iota {dimensions = array<i32: 0>} : vector<16xi32>
        %mul3A_441 = arith.constant 8 : i32
        %mul3A_442 = arith.muli %scan3A_310, %mul3A_441 : i32
        %add3A_443 = arith.constant 5 : i32
        %add3A_444 = arith.addi %mul3A_442, %add3A_443 : i32
        %add3A_445 = vector.broadcast %add3A_444 : i32 to vector<16xi32>
        %add3A_446 = arith.addi %iota3A_440, %add3A_445 : vector<16xi32>
        %and3A_447 = arith.constant 63 : i32
        %and3A_448 = vector.broadcast %and3A_447 : i32 to vector<16xi32>
        %and3A_449 = arith.andi %add3A_446, %and3A_448 : vector<16xi32>
        %add3A_450 = arith.addi %get3A_241, %and3A_449 : vector<16xi32>
        %gather3A_451 = tpu.vector_load_idx %arg9[%add3A_5, %add3A_450] : memref<128x128xf32, #tpu.memory_space<vmem>>[vector<16xi32>, vector<16xi32>], vector<16xf32>,
        %add3A_452 = arith.addi %get3A_244, %and3A_449 : vector<16xi32>
        %gather3A_453 = tpu.vector_load_idx %arg9[%add3A_9, %add3A_452] : memref<128x128xf32, #tpu.memory_space<vmem>>[vector<16xi32>, vector<16xi32>], vector<16xf32>,
        %add3A_454 = arith.addi %get3A_247, %and3A_449 : vector<16xi32>
        %gather3A_455 = tpu.vector_load_idx %arg9[%add3A_13, %add3A_454] : memref<128x128xf32, #tpu.memory_space<vmem>>[vector<16xi32>, vector<16xi32>], vector<16xf32>,
        %add3A_456 = arith.addi %get3A_250, %and3A_449 : vector<16xi32>
        %gather3A_457 = tpu.vector_load_idx %arg9[%add3A_17, %add3A_456] : memref<128x128xf32, #tpu.memory_space<vmem>>[vector<16xi32>, vector<16xi32>], vector<16xf32>,
        %add3A_458 = arith.addi %get3A_253, %and3A_449 : vector<16xi32>
        %gather3A_459 = tpu.vector_load_idx %arg9[%add3A_21, %add3A_458] : memref<128x128xf32, #tpu.memory_space<vmem>>[vector<16xi32>, vector<16xi32>], vector<16xf32>,
        %add3A_460 = arith.addi %get3A_256, %and3A_449 : vector<16xi32>
        %gather3A_461 = tpu.vector_load_idx %arg9[%add3A_25, %add3A_460] : memref<128x128xf32, #tpu.memory_space<vmem>>[vector<16xi32>, vector<16xi32>], vector<16xf32>,
        %add3A_462 = arith.addi %get3A_259, %and3A_449 : vector<16xi32>
        %gather3A_463 = tpu.vector_load_idx %arg9[%add3A_29, %add3A_462] : memref<128x128xf32, #tpu.memory_space<vmem>>[vector<16xi32>, vector<16xi32>], vector<16xf32>,
        %add3A_464 = arith.addi %get3A_262, %and3A_449 : vector<16xi32>
        %gather3A_465 = tpu.vector_load_idx %arg9[%add3A_33, %add3A_464] : memref<128x128xf32, #tpu.memory_space<vmem>>[vector<16xi32>, vector<16xi32>], vector<16xf32>,
        tpu.vector_store_idx %arg11[%broadcast_in_dim3A_264, %and3A_449, %add3A_5], %gather3A_451 : memref<1x64x128xf32, #tpu.memory_space<vmem>>[vector<16xi32>, vector<16xi32>, vector<16xi32>], vector<16xf32>,
        tpu.vector_store_idx %arg11[%broadcast_in_dim3A_264, %and3A_449, %add3A_9], %gather3A_453 : memref<1x64x128xf32, #tpu.memory_space<vmem>>[vector<16xi32>, vector<16xi32>, vector<16xi32>], vector<16xf32>,
        tpu.vector_store_idx %arg11[%broadcast_in_dim3A_264, %and3A_449, %add3A_13], %gather3A_455 : memref<1x64x128xf32, #tpu.memory_space<vmem>>[vector<16xi32>, vector<16xi32>, vector<16xi32>], vector<16xf32>,
        tpu.vector_store_idx %arg11[%broadcast_in_dim3A_264, %and3A_449, %add3A_17], %gather3A_457 : memref<1x64x128xf32, #tpu.memory_space<vmem>>[vector<16xi32>, vector<16xi32>, vector<16xi32>], vector<16xf32>,
        tpu.vector_store_idx %arg11[%broadcast_in_dim3A_264, %and3A_449, %add3A_21], %gather3A_459 : memref<1x64x128xf32, #tpu.memory_space<vmem>>[vector<16xi32>, vector<16xi32>, vector<16xi32>], vector<16xf32>,
        tpu.vector_store_idx %arg11[%broadcast_in_dim3A_264, %and3A_449, %add3A_25], %gather3A_461 : memref<1x64x128xf32, #tpu.memory_space<vmem>>[vector<16xi32>, vector<16xi32>, vector<16xi32>], vector<16xf32>,
        tpu.vector_store_idx %arg11[%broadcast_in_dim3A_264, %and3A_449, %add3A_29], %gather3A_463 : memref<1x64x128xf32, #tpu.memory_space<vmem>>[vector<16xi32>, vector<16xi32>, vector<16xi32>], vector<16xf32>,
        tpu.vector_store_idx %arg11[%broadcast_in_dim3A_264, %and3A_449, %add3A_33], %gather3A_465 : memref<1x64x128xf32, #tpu.memory_space<vmem>>[vector<16xi32>, vector<16xi32>, vector<16xi32>], vector<16xf32>,
        %iota3A_466 = tpu.iota {dimensions = array<i32: 0>} : vector<16xi32>
        %mul3A_467 = arith.constant 8 : i32
        %mul3A_468 = arith.muli %scan3A_310, %mul3A_467 : i32
        %add3A_469 = arith.constant 6 : i32
        %add3A_470 = arith.addi %mul3A_468, %add3A_469 : i32
        %add3A_471 = vector.broadcast %add3A_470 : i32 to vector<16xi32>
        %add3A_472 = arith.addi %iota3A_466, %add3A_471 : vector<16xi32>
        %and3A_473 = arith.constant 63 : i32
        %and3A_474 = vector.broadcast %and3A_473 : i32 to vector<16xi32>
        %and3A_475 = arith.andi %add3A_472, %and3A_474 : vector<16xi32>
        %add3A_476 = arith.addi %get3A_241, %and3A_475 : vector<16xi32>
        %gather3A_477 = tpu.vector_load_idx %arg9[%add3A_5, %add3A_476] : memref<128x128xf32, #tpu.memory_space<vmem>>[vector<16xi32>, vector<16xi32>], vector<16xf32>,
        %add3A_478 = arith.addi %get3A_244, %and3A_475 : vector<16xi32>
        %gather3A_479 = tpu.vector_load_idx %arg9[%add3A_9, %add3A_478] : memref<128x128xf32, #tpu.memory_space<vmem>>[vector<16xi32>, vector<16xi32>], vector<16xf32>,
        %add3A_480 = arith.addi %get3A_247, %and3A_475 : vector<16xi32>
        %gather3A_481 = tpu.vector_load_idx %arg9[%add3A_13, %add3A_480] : memref<128x128xf32, #tpu.memory_space<vmem>>[vector<16xi32>, vector<16xi32>], vector<16xf32>,
        %add3A_482 = arith.addi %get3A_250, %and3A_475 : vector<16xi32>
        %gather3A_483 = tpu.vector_load_idx %arg9[%add3A_17, %add3A_482] : memref<128x128xf32, #tpu.memory_space<vmem>>[vector<16xi32>, vector<16xi32>], vector<16xf32>,
        %add3A_484 = arith.addi %get3A_253, %and3A_475 : vector<16xi32>
        %gather3A_485 = tpu.vector_load_idx %arg9[%add3A_21, %add3A_484] : memref<128x128xf32, #tpu.memory_space<vmem>>[vector<16xi32>, vector<16xi32>], vector<16xf32>,
        %add3A_486 = arith.addi %get3A_256, %and3A_475 : vector<16xi32>
        %gather3A_487 = tpu.vector_load_idx %arg9[%add3A_25, %add3A_486] : memref<128x128xf32, #tpu.memory_space<vmem>>[vector<16xi32>, vector<16xi32>], vector<16xf32>,
        %add3A_488 = arith.addi %get3A_259, %and3A_475 : vector<16xi32>
        %gather3A_489 = tpu.vector_load_idx %arg9[%add3A_29, %add3A_488] : memref<128x128xf32, #tpu.memory_space<vmem>>[vector<16xi32>, vector<16xi32>], vector<16xf32>,
        %add3A_490 = arith.addi %get3A_262, %and3A_475 : vector<16xi32>
        %gather3A_491 = tpu.vector_load_idx %arg9[%add3A_33, %add3A_490] : memref<128x128xf32, #tpu.memory_space<vmem>>[vector<16xi32>, vector<16xi32>], vector<16xf32>,
        tpu.vector_store_idx %arg11[%broadcast_in_dim3A_264, %and3A_475, %add3A_5], %gather3A_477 : memref<1x64x128xf32, #tpu.memory_space<vmem>>[vector<16xi32>, vector<16xi32>, vector<16xi32>], vector<16xf32>,
        tpu.vector_store_idx %arg11[%broadcast_in_dim3A_264, %and3A_475, %add3A_9], %gather3A_479 : memref<1x64x128xf32, #tpu.memory_space<vmem>>[vector<16xi32>, vector<16xi32>, vector<16xi32>], vector<16xf32>,
        tpu.vector_store_idx %arg11[%broadcast_in_dim3A_264, %and3A_475, %add3A_13], %gather3A_481 : memref<1x64x128xf32, #tpu.memory_space<vmem>>[vector<16xi32>, vector<16xi32>, vector<16xi32>], vector<16xf32>,
        tpu.vector_store_idx %arg11[%broadcast_in_dim3A_264, %and3A_475, %add3A_17], %gather3A_483 : memref<1x64x128xf32, #tpu.memory_space<vmem>>[vector<16xi32>, vector<16xi32>, vector<16xi32>], vector<16xf32>,
        tpu.vector_store_idx %arg11[%broadcast_in_dim3A_264, %and3A_475, %add3A_21], %gather3A_485 : memref<1x64x128xf32, #tpu.memory_space<vmem>>[vector<16xi32>, vector<16xi32>, vector<16xi32>], vector<16xf32>,
        tpu.vector_store_idx %arg11[%broadcast_in_dim3A_264, %and3A_475, %add3A_25], %gather3A_487 : memref<1x64x128xf32, #tpu.memory_space<vmem>>[vector<16xi32>, vector<16xi32>, vector<16xi32>], vector<16xf32>,
        tpu.vector_store_idx %arg11[%broadcast_in_dim3A_264, %and3A_475, %add3A_29], %gather3A_489 : memref<1x64x128xf32, #tpu.memory_space<vmem>>[vector<16xi32>, vector<16xi32>, vector<16xi32>], vector<16xf32>,
        tpu.vector_store_idx %arg11[%broadcast_in_dim3A_264, %and3A_475, %add3A_33], %gather3A_491 : memref<1x64x128xf32, #tpu.memory_space<vmem>>[vector<16xi32>, vector<16xi32>, vector<16xi32>], vector<16xf32>,
        %iota3A_492 = tpu.iota {dimensions = array<i32: 0>} : vector<16xi32>
        %mul3A_493 = arith.constant 8 : i32
        %mul3A_494 = arith.muli %scan3A_310, %mul3A_493 : i32
        %add3A_495 = arith.constant 7 : i32
        %add3A_496 = arith.addi %mul3A_494, %add3A_495 : i32
        %add3A_497 = vector.broadcast %add3A_496 : i32 to vector<16xi32>
        %add3A_498 = arith.addi %iota3A_492, %add3A_497 : vector<16xi32>
        %and3A_499 = arith.constant 63 : i32
        %and3A_500 = vector.broadcast %and3A_499 : i32 to vector<16xi32>
        %and3A_501 = arith.andi %add3A_498, %and3A_500 : vector<16xi32>
        %add3A_502 = arith.addi %get3A_241, %and3A_501 : vector<16xi32>
        %gather3A_503 = tpu.vector_load_idx %arg9[%add3A_5, %add3A_502] : memref<128x128xf32, #tpu.memory_space<vmem>>[vector<16xi32>, vector<16xi32>], vector<16xf32>,
        %add3A_504 = arith.addi %get3A_244, %and3A_501 : vector<16xi32>
        %gather3A_505 = tpu.vector_load_idx %arg9[%add3A_9, %add3A_504] : memref<128x128xf32, #tpu.memory_space<vmem>>[vector<16xi32>, vector<16xi32>], vector<16xf32>,
        %add3A_506 = arith.addi %get3A_247, %and3A_501 : vector<16xi32>
        %gather3A_507 = tpu.vector_load_idx %arg9[%add3A_13, %add3A_506] : memref<128x128xf32, #tpu.memory_space<vmem>>[vector<16xi32>, vector<16xi32>], vector<16xf32>,
        %add3A_508 = arith.addi %get3A_250, %and3A_501 : vector<16xi32>
        %gather3A_509 = tpu.vector_load_idx %arg9[%add3A_17, %add3A_508] : memref<128x128xf32, #tpu.memory_space<vmem>>[vector<16xi32>, vector<16xi32>], vector<16xf32>,
        %add3A_510 = arith.addi %get3A_253, %and3A_501 : vector<16xi32>
        %gather3A_511 = tpu.vector_load_idx %arg9[%add3A_21, %add3A_510] : memref<128x128xf32, #tpu.memory_space<vmem>>[vector<16xi32>, vector<16xi32>], vector<16xf32>,
        %add3A_512 = arith.addi %get3A_256, %and3A_501 : vector<16xi32>
        %gather3A_513 = tpu.vector_load_idx %arg9[%add3A_25, %add3A_512] : memref<128x128xf32, #tpu.memory_space<vmem>>[vector<16xi32>, vector<16xi32>], vector<16xf32>,
        %add3A_514 = arith.addi %get3A_259, %and3A_501 : vector<16xi32>
        %gather3A_515 = tpu.vector_load_idx %arg9[%add3A_29, %add3A_514] : memref<128x128xf32, #tpu.memory_space<vmem>>[vector<16xi32>, vector<16xi32>], vector<16xf32>,
        %add3A_516 = arith.addi %get3A_262, %and3A_501 : vector<16xi32>
        %gather3A_517 = tpu.vector_load_idx %arg9[%add3A_33, %add3A_516] : memref<128x128xf32, #tpu.memory_space<vmem>>[vector<16xi32>, vector<16xi32>], vector<16xf32>,
        tpu.vector_store_idx %arg11[%broadcast_in_dim3A_264, %and3A_501, %add3A_5], %gather3A_503 : memref<1x64x128xf32, #tpu.memory_space<vmem>>[vector<16xi32>, vector<16xi32>, vector<16xi32>], vector<16xf32>,
        tpu.vector_store_idx %arg11[%broadcast_in_dim3A_264, %and3A_501, %add3A_9], %gather3A_505 : memref<1x64x128xf32, #tpu.memory_space<vmem>>[vector<16xi32>, vector<16xi32>, vector<16xi32>], vector<16xf32>,
        tpu.vector_store_idx %arg11[%broadcast_in_dim3A_264, %and3A_501, %add3A_13], %gather3A_507 : memref<1x64x128xf32, #tpu.memory_space<vmem>>[vector<16xi32>, vector<16xi32>, vector<16xi32>], vector<16xf32>,
        tpu.vector_store_idx %arg11[%broadcast_in_dim3A_264, %and3A_501, %add3A_17], %gather3A_509 : memref<1x64x128xf32, #tpu.memory_space<vmem>>[vector<16xi32>, vector<16xi32>, vector<16xi32>], vector<16xf32>,
        tpu.vector_store_idx %arg11[%broadcast_in_dim3A_264, %and3A_501, %add3A_21], %gather3A_511 : memref<1x64x128xf32, #tpu.memory_space<vmem>>[vector<16xi32>, vector<16xi32>, vector<16xi32>], vector<16xf32>,
        tpu.vector_store_idx %arg11[%broadcast_in_dim3A_264, %and3A_501, %add3A_25], %gather3A_513 : memref<1x64x128xf32, #tpu.memory_space<vmem>>[vector<16xi32>, vector<16xi32>, vector<16xi32>], vector<16xf32>,
        tpu.vector_store_idx %arg11[%broadcast_in_dim3A_264, %and3A_501, %add3A_29], %gather3A_515 : memref<1x64x128xf32, #tpu.memory_space<vmem>>[vector<16xi32>, vector<16xi32>, vector<16xi32>], vector<16xf32>,
        tpu.vector_store_idx %arg11[%broadcast_in_dim3A_264, %and3A_501, %add3A_33], %gather3A_517 : memref<1x64x128xf32, #tpu.memory_space<vmem>>[vector<16xi32>, vector<16xi32>, vector<16xi32>], vector<16xf32>,
      }
      %scan3A_270 = arith.constant 8 : i32
      %jit3A_271 = arith.constant 50 : i32
      %div3A_272 = arith.divsi %add3A_227, %jit3A_271 : i32
      %sign3A_273 = arith.constant 0 : i32
      %sign3A_274 = arith.cmpi sgt, %add3A_227, %sign3A_273 : i32
      %sign3A_275 = arith.extui %sign3A_274 : i1 to i32
      %sign3A_276 = arith.constant 0 : i32
      %sign3A_277 = arith.cmpi slt, %add3A_227, %sign3A_276 : i32
      %sign3A_278 = arith.extui %sign3A_277 : i1 to i32
      %sign3A_279 = arith.subi %sign3A_275, %sign3A_278 : i32
      %sign3A_280 = arith.constant 0 : i32
      %sign3A_281 = arith.cmpi sgt, %jit3A_271, %sign3A_280 : i32
      %sign3A_282 = arith.extui %sign3A_281 : i1 to i32
      %sign3A_283 = arith.constant 0 : i32
      %sign3A_284 = arith.cmpi slt, %jit3A_271, %sign3A_283 : i32
      %sign3A_285 = arith.extui %sign3A_284 : i1 to i32
      %sign3A_286 = arith.subi %sign3A_282, %sign3A_285 : i32
      %ne3A_287 = arith.cmpi ne, %sign3A_279, %sign3A_286 : i32
      %rem3A_288 = arith.remsi %add3A_227, %jit3A_271 : i32
      %ne3A_289 = arith.constant 0 : i32
      %ne3A_290 = arith.cmpi ne, %rem3A_288, %ne3A_289 : i32
      %and3A_291 = arith.andi %ne3A_287, %ne3A_290 : i1
      %sub3A_292 = arith.constant 1 : i32
      %sub3A_293 = arith.subi %div3A_272, %sub3A_292 : i32
      %select_n3A_294 = arith.select %and3A_291, %sub3A_293, %div3A_272 : i32
      %mul3A_295 = arith.constant 50 : i32
      %mul3A_296 = arith.muli %select_n3A_294, %mul3A_295 : i32
      %sub3A_297 = arith.subi %add3A_227, %mul3A_296 : i32
      %add3A_298 = arith.addi %mul3A_2, %select_n3A_294 : i32
      %mul3A_299 = arith.constant 128 : i32
      %mul3A_300 = arith.muli %add3A_298, %mul3A_299 : i32
      %dma_start3A_301 = arith.constant 0 : i32
      %dma_start3A_302 = tpu.memref_slice %arg4[%sub3A_297, %dma_start3A_301, %mul3A_300] : memref<50x64x16384xf32, #tpu.memory_space<hbm>> -> memref<1x64x128xf32, #tpu.memory_space<hbm>>
      %dma_start3A_303 = arith.constant 0 : i32
      %dma_start3A_304 = tpu.memref_slice %arg4[%sub3A_297, %dma_start3A_303, %mul3A_300] : memref<50x64x16384xf32, #tpu.memory_space<hbm>> -> memref<1x64x128xf32, #tpu.memory_space<hbm>>
      tpu.enqueue_dma source(%arg11 : memref<1x64x128xf32, #tpu.memory_space<vmem>>) target(%dma_start3A_304 : memref<1x64x128xf32, #tpu.memory_space<hbm>>) target_semaphore(%arg15 : memref<!tpu.dma_semaphore, #tpu.memory_space<semaphore_mem>>)
      %lt3A_305 = arith.constant 99 : i32
      %lt3A_306 = arith.cmpi slt, %scan3A_151, %lt3A_305 : i32
      %convert_element_type3A_307 = arith.extui %lt3A_306 : i1 to i32
      %cond3A_308 = arith.constant 0 : i32
      %cond3A_309 = arith.cmpi ne, %convert_element_type3A_307, %cond3A_308 : i32
      scf.if %cond3A_309 {
        %add3A_310 = arith.constant 2 : i32
        %add3A_311 = arith.addi %add3A_227, %add3A_310 : i32
        %dma_start3A_312 = arith.constant 0 : i32
        %dma_start3A_313 = tpu.memref_slice %arg6[%add3A_311, %dma_start3A_312] : memref<200x128xi32, #tpu.memory_space<vmem>> -> memref<1x128xi32, #tpu.memory_space<vmem>>
        %dma_start3A_314 = tpu.memref_squeeze %dma_start3A_313 : memref<1x128xi32, #tpu.memory_space<vmem>> -> memref<128xi32, #tpu.memory_space<vmem>>
        %dma_start3A_315 = arith.constant 0 : i32
        %dma_start3A_316 = arith.constant 0 : i32
        %dma_start3A_317 = tpu.memref_slice %arg3[%dma_start3A_315, %dma_start3A_316] : memref<5000x128xf32, #tpu.memory_space<hbm>> -> memref<5000x128xf32, #tpu.memory_space<hbm>>
        tpu.enqueue_indirect_dma source(%dma_start3A_317 : memref<5000x128xf32, #tpu.memory_space<hbm>>) target(%arg9 : memref<128x128xf32, #tpu.memory_space<vmem>>) offsets(%dma_start3A_314 : memref<128xi32, #tpu.memory_space<vmem>>) semaphore(%arg13 : memref<!tpu.dma_semaphore, #tpu.memory_space<semaphore_mem>>)
      } else {
      }
    }
    %scan3A_131 = arith.constant 100 : i32
    %add3A_132 = arith.constant 3 : i32
    %add3A_133 = arith.addi %mul3A_2, %add3A_132 : i32
    %mul3A_134 = arith.constant 128 : i32
    %mul3A_135 = arith.muli %add3A_133, %mul3A_134 : i32
    %dma_wait3A = arith.constant 48 : i32
    %dma_wait3A_136 = arith.constant 0 : i32
    %dma_wait3A_137 = tpu.memref_slice %arg4[%dma_wait3A, %dma_wait3A_136, %mul3A_135] : memref<50x64x16384xf32, #tpu.memory_space<hbm>> -> memref<1x64x128xf32, #tpu.memory_space<hbm>>
    %dma_wait3A_138 = arith.constant 48 : i32
    %dma_wait3A_139 = arith.constant 0 : i32
    %dma_wait3A_140 = tpu.memref_slice %arg4[%dma_wait3A_138, %dma_wait3A_139, %mul3A_135] : memref<50x64x16384xf32, #tpu.memory_space<hbm>> -> memref<1x64x128xf32, #tpu.memory_space<hbm>>
    tpu.wait_dma2 semaphore(%arg14 : memref<!tpu.dma_semaphore, #tpu.memory_space<semaphore_mem>>) src(%arg10 : memref<1x64x128xf32, #tpu.memory_space<vmem>>) dst(%dma_wait3A_140 : memref<1x64x128xf32, #tpu.memory_space<hbm>>)
    %add3A_141 = arith.constant 3 : i32
    %add3A_142 = arith.addi %mul3A_2, %add3A_141 : i32
    %mul3A_143 = arith.constant 128 : i32
    %mul3A_144 = arith.muli %add3A_142, %mul3A_143 : i32
    %dma_wait3A_145 = arith.constant 49 : i32
    %dma_wait3A_146 = arith.constant 0 : i32
    %dma_wait3A_147 = tpu.memref_slice %arg4[%dma_wait3A_145, %dma_wait3A_146, %mul3A_144] : memref<50x64x16384xf32, #tpu.memory_space<hbm>> -> memref<1x64x128xf32, #tpu.memory_space<hbm>>
    %dma_wait3A_148 = arith.constant 49 : i32
    %dma_wait3A_149 = arith.constant 0 : i32
    %dma_wait3A_150 = tpu.memref_slice %arg4[%dma_wait3A_148, %dma_wait3A_149, %mul3A_144] : memref<50x64x16384xf32, #tpu.memory_space<hbm>> -> memref<1x64x128xf32, #tpu.memory_space<hbm>>
    tpu.wait_dma2 semaphore(%arg15 : memref<!tpu.dma_semaphore, #tpu.memory_space<semaphore_mem>>) src(%arg11 : memref<1x64x128xf32, #tpu.memory_space<vmem>>) dst(%dma_wait3A_150 : memref<1x64x128xf32, #tpu.memory_space<hbm>>)
    return
  }
}

</mosaic_0001>

<sc_bundles>
// kernel: kernel.3.cloned.1.call-start
scs
__scs_entry_jumppad:
0x0: {  	(pc) =	sbr.rel $0x88, $3  }
0x1: {  	(tag) =	ssettag $0x0;
	lr =	simm.s32 $0x1  }
0x2: {  	[smem:$0x3F9F] =	sst lr;
	_ =	strace $0xD0000000  }
0x3: {  	_ = 	snop  }
0x4: {  	_ = 	snop  }
0x5: {  	_ = 	snop  }
0x6: {  	_ = 	snop  }
0x7: {  	_ = 	snop  }
__scs_overlays_trampoline_lowered:
0x8: {  	[smem:$0x3FAE] =	sst s0  }
0x9: {  	[smem:$0x3FAF] =	sst s1  }
0xa: {  	[smem:$0x3FB0] =	sst s2  }
0xb: {  	[smem:$0x3FB1] =	sst s3  }
0xc: {  	[smem:$0x3FB2] =	sst s4  }
0xd: {  	[smem:$0x3FB3] =	sst s5  }
0xe: {  	[smem:$0x3FB4] =	sst s6  }
0xf: {  	[smem:$0x3FB5] =	sst s7  }
0x10: {  	[smem:$0x3FB6] =	sst s8  }
0x11: {  	[smem:$0x3FB7] =	sst s9;
	s0 =	simm.s32 @!p0 $0x0  }
0x12: {  	s1 =	sld [smem:$0x3F9D];
	s0 =	simm.s32 @p0 $0x1  }
0x13: {  	[smem:$0x3FB8] =	sst s0;
	s0 =	simm.s32 @!p1 $0x0  }
0x14: {  	s2 =	sld [smem:$0x3F9C];
	s0 =	simm.s32 @p1 $0x1  }
0x15: {  	[smem:$0x3FB9] =	sst s0;
	s0 =	simm.s32 @!p2 $0x0  }
0x16: {  	s3 =	sld [smem:$0x3FDB];
	s0 =	simm.s32 @p2 $0x1  }
0x17: {  	s4 =	simm.s32 $0x1BF5;
	[smem:$0x3FBB] =	sst s0  }
0x18: {  	s0 =	sld [smem:$0x3F9E];
	_ =	swait.ge [sflag:s4], $0x0  }
0x19: {  	s7 =	sld [smem:$0x3F9F]  }
0x1a: {  	s8 =	sadd.s32 $0xFFFFE003, lr  }
0x1b: {  	s9 =	sadd.s32 $0xFFFFFEF7, lr;
	s5 =	simm.s32 $0xFFFFFFFF;
	p2 =	slt.u32 s8, $0xFFFFF086  }
0x1c: {  	p1 =	slt.u32 s9, $0xF7A;
	s5 =	simm.s32 @!p2 $0x0  }
0x1d: {  	s5 =	simm.s32 @p1 $0x1;
	p0 =	seq.s32 s7, s2  }
0x1e: {  	s7 =	smul.u32 @!p0 $0xF7A, s2;
	p2 =	seq.s32 @!p0 s5, $0x0  }
0x1f: {  	s9 =	smul.u32 $0xF7A, s1;
	s8 =	simm.s32 @!p0 $0x1BF5;
	p2 =	por !p2, p0  }
0x20: {  	[sflag:s8] =	ssyncset.s32 @!p0 $0xFFFFF086;
	s6 =	sadd.s32 @!p0 s3, s7;
	s7 =	simm.s32 @!p0 $0x108  }
0x21: {  	s3 =	sadd.s32 s3, s9;
	s6 =	sadd.s32 @!p0 $0x88, s6;
	s7 =	simm.s32 @p2 $0x1082  }
0x22: {  	[simem:s7], [sflag:s8] =	dma.local @!p0 [hbm:s6], $0xF7A  }
0x23: {  	s9 =	sor.u32 $0xD0000000, s2;
	s6 =	simm.s32 $0x108;
	_ =	swait.ge @!p0 [sflag:s8], $0x0  }
0x24: {  	s3 =	sadd.s32 $0x88, s3;
	s6 =	simm.s32 @!p1 $0x1082;
	[sflag:s4] =	ssyncset.s32 $0xFFFFF086  }
0x25: {  	[simem:s6], [sflag:s4] =	dma.local [hbm:s3], $0xF7A  }
0x26: {  	[smem:$0x3F9F] =	sst s1;
	(tag) =	ssettag s2;
	_ =	strace s9  }
0x27: {  	s1 =	sld [smem:$0x3FAF]  }
0x28: {  	s2 =	sld [smem:$0x3FB0]  }
0x29: {  	s4 =	sld [smem:$0x3FB2]  }
0x2a: {  	p0 =	seq.s32 s5, $0x0;
	s5 =	sld [smem:$0x3FB3]  }
0x2b: {  	s6 =	sld [smem:$0x3FB4]  }
0x2c: {  	s7 =	sld [smem:$0x3FB5]  }
0x2d: {  	s3 =	simm.s32 $0x108;
	s8 =	sld [smem:$0x3FB6]  }
0x2e: {  	s3 =	simm.s32 @!p0 $0x1082;
	s9 =	sld [smem:$0x3FB7]  }
0x2f: {  	lr =	sadd.s32 s0, s3;
	s0 =	sld [smem:$0x3FAE]  }
0x30: {  	s3 =	sld [smem:$0x3FB1]  }
0x31: {  	[smem:$0x3FBA] =	sst s10  }
0x32: {  	s10 =	sld [smem:$0x3FB8];
	_ =	sdelay $0x3  }
0x33: {  	p0 =	seq.s32 s10, $0x1;
	s10 =	sld [smem:$0x3FBA];
	_ =	sdelay $0x3  }
0x34: {  	[smem:$0x3FBA] =	sst s10  }
0x35: {  	s10 =	sld [smem:$0x3FB9];
	_ =	sdelay $0x3  }
0x36: {  	p1 =	seq.s32 s10, $0x1;
	s10 =	sld [smem:$0x3FBA];
	_ =	sdelay $0x3  }
0x37: {  	[smem:$0x3FBA] =	sst s10  }
0x38: {  	s10 =	sld [smem:$0x3FBB]  }
0x39: {  	_ = 	snop;
	(pc) =	sbr.ind lr, $3  }
0x3a: {  	_ = 	snop  }
0x3b: {  	_ = 	snop  }
0x3c: {  	p2 =	seq.s32 s10, $0x1;
	s10 =	sld [smem:$0x3FBA]  }
0x3d: {  	_ =	shalt  }
0x3e: {  	_ =	shalt  }
0x3f: {  	_ =	shalt  }
0x40: {  	_ =	shalt  }
0x41: {  	_ =	shalt  }
0x42: {  	_ =	shalt  }
0x43: {  	_ =	shalt  }
0x44: {  	_ =	shalt  }
0x45: {  	_ =	shalt  }
0x46: {  	_ =	shalt  }
0x47: {  	_ =	shalt  }
0x48: {  	_ =	shalt  }
0x49: {  	_ =	shalt  }
0x4a: {  	_ =	shalt  }
0x4b: {  	_ =	shalt  }
0x4c: {  	_ =	shalt  }
0x4d: {  	_ =	shalt  }
0x4e: {  	_ =	shalt  }
0x4f: {  	_ =	shalt  }
0x50: {  	_ =	shalt  }
0x51: {  	_ =	shalt  }
0x52: {  	_ =	shalt  }
0x53: {  	_ =	shalt  }
0x54: {  	_ =	shalt  }
0x55: {  	_ =	shalt  }
0x56: {  	_ =	shalt  }
0x57: {  	_ =	shalt  }
0x58: {  	_ =	shalt  }
0x59: {  	_ =	shalt  }
0x5a: {  	_ =	shalt  }
0x5b: {  	_ =	shalt  }
0x5c: {  	_ =	shalt  }
0x5d: {  	_ =	shalt  }
0x5e: {  	_ =	shalt  }
0x5f: {  	_ =	shalt  }
0x60: {  	_ =	shalt  }
0x61: {  	_ =	shalt  }
0x62: {  	_ =	shalt  }
0x63: {  	_ =	shalt  }
0x64: {  	_ =	shalt  }
0x65: {  	_ =	shalt  }
0x66: {  	_ =	shalt  }
0x67: {  	_ =	shalt  }
0x68: {  	_ =	shalt  }
0x69: {  	_ =	shalt  }
0x6a: {  	_ =	shalt  }
0x6b: {  	_ =	shalt  }
0x6c: {  	_ =	shalt  }
0x6d: {  	_ =	shalt  }
0x6e: {  	_ =	shalt  }
0x6f: {  	_ =	shalt  }
0x70: {  	_ =	shalt  }
0x71: {  	_ =	shalt  }
0x72: {  	_ =	shalt  }
0x73: {  	_ =	shalt  }
0x74: {  	_ =	shalt  }
0x75: {  	_ =	shalt  }
0x76: {  	_ =	shalt  }
0x77: {  	_ =	shalt  }
0x78: {  	_ =	shalt  }
0x79: {  	_ =	shalt  }
0x7a: {  	_ =	shalt  }
0x7b: {  	_ =	shalt  }
0x7c: {  	_ =	shalt  }
0x7d: {  	_ =	shalt  }
0x7e: {  	_ =	shalt  }
0x7f: {  	_ =	shalt  }
0x80: {  	_ =	shalt  }
0x81: {  	_ =	shalt  }
0x82: {  	_ =	shalt  }
0x83: {  	_ =	shalt  }
0x84: {  	_ =	shalt  }
0x85: {  	_ =	shalt  }
0x86: {  	_ =	shalt  }
0x87: {  	_ =	shalt  }
.Lfunc_end0:
.L_simem_size_0:
called_computation_lowered:
.L_overlay_start_0:
0x88: {  	s2 =	sld [smem:$0x3FD9]  }
0x89: {  	s3 =	sld [smem:$0x3FFE];
	_ =	sdelay $0x1  }
0x8a: {  	s1 =	srdreg.scid  }
0x8b: {  	s0 =	sand.u32 $0x1, s1  }
0x8c: {  	s17 =	sshll.u32 s0, $0xA;
	s2 =	sadd.s32 s3, s2  }
0x8d: {  	s2 =	sadd.s32 s2, s17  }
0x8e: {  	[smem:$0x3FC6] =	sst s2  }
0x8f: {  	_ = 	snop  }
0x90: {  	s2 =	sld [smem:$0x3FD0];
	(tm) =	ssettm $0x1  }
0x91: {  	s18 =	sld [smem:$0x3FFB];
	_ =	sdelay $0x3  }
0x92: {  	_ =	strace s18  }
0x93: {  	s3 =	sld [smem:$0x3FFC];
	_ =	sdelay $0x3  }
0x94: {  	_ =	strace s3  }
0x95: {  	s3 =	sld [smem:$0x3FFD];
	_ =	sdelay $0x3  }
0x96: {  	_ =	strace s3  }
0x97: {  	_ =	strace $0x8FFFFFFF  }
0x98: {  	s19 =	sld [smem:$0x3FDB];
	_ =	sdelay $0x1  }
0x99: {  	s4 =	simm.s32 $_scs_section_size  }
0x9a: {  	s5 =	simm.s32 $_size__tile_overlayer_lowered;
	s6 =	simm.s32 $_tile_overlayer_lowered  }
0x9b: {  	s22 =	simm.s32 $0x1BFF;
	s21 =	sshll.u32 s6, $0x1;
	s3 =	sadd.s32 s4, s19  }
0x9c: {  	s7 =	simm.s32 $0x0;
	s20 =	sshll.u32 s5, $0x1;
	s5 =	sadd.s32 s21, s3  }
0x9d: {  	[timem:s7], [sflag:s22] =	dma.local [hbm:s5], s20  }
0x9e: {  	_ =	swait.ge [sflag:s22], s20  }
0x9f: {  	s4 =	ssub.s32 $0x0, s20;
	[sflag:s22] =	ssyncset.done $0x0  }
0xa0: {  	[sflag:s22] =	ssyncadd.s32 s4;
	_ =	sdelay $0x1  }
0xa1: {  	s23 =	simm.s32 $0x1B8B  }
0xa2: {  	_ =	swait.ge [sflag:s23], $0x1  }
0xa3: {  	[sflag:s23] =	ssyncset.done $0x0  }
0xa4: {  	s25 =	simm.s32 $0x1B8E;
	s24 =	sld [smem:$0x3FFE];
	[sflag:s23] =	ssyncadd.s32 $0xFFFFFFFF  }
0xa5: {  	s26 =	simm.s32 $execute0_lowered;
	[smem:$0x3FD2] =	sst s25  }
0xa6: {  	s5 =	sshll.u32 s26, $0x1;
	_ =	strace $0x80000046;
	[dreg:$0x1] =	wrdreg $0xFFFFFFFF  }
0xa7: {  	s28 =	simm.s32 $_size_execute0_lowered;
	s3 =	sadd.s32 s3, s5;
	[dreg:$0x0] =	wrdreg $0x0  }
0xa8: {  	s5 =	sshll.u32 s28, $0x1;
	[dreg:$0x2] =	wrdreg s3  }
0xa9: {  	[dreg:$0x3] =	wrdreg s5  }
0xaa: {  	[dreg:$0x4] =	wrdreg $0xC0  }
0xab: {  	_ =	task [dreg:s7], $0x5FFFF  }
0xac: {  	[dreg:$0x1] =	wrdreg $0xFFFFFFFF  }
0xad: {  	[dreg:$0x0] =	wrdreg $0x60  }
0xae: {  	[dreg:$0x2] =	wrdreg s24  }
0xaf: {  	[dreg:$0x3] =	wrdreg s2  }
0xb0: {  	[dreg:$0x4] =	wrdreg $0x9  }
0xb1: {  	_ =	task.clear_ibuf [dreg:s7], $0x5FFFF;
	_ =	strace $0x90000046  }
0xb2: {  	s29 =	simm.s32 $0x9;
	_ =	strace $0x80000048  }
0xb3: {  	_ =	swait.ge [sflag:s29], $0x1  }
0xb4: {  	[sflag:s29] =	ssyncadd.s32 $0xFFFFFFFF  }
0xb5: {  	_ =	strace $0x90000048  }
0xb6: {  	_ =	sfence  }
0xb7: {  	s30 =	sld [smem:$0x0];
	_ =	sdelay $0x2  }
0xb8: {  	s31 =	sshll.u32 s1, $0xD;
	s1 =	sshrl.u32 s1, $0x2  }
0xb9: {  	s3 =	sand.u32 $0x4000, s31;
	s1 =	sadd.s32 s1, s30  }
0xba: {  	s0 =	sor.u32 s3, s0;
	s1 =	sshll.u32 s1, $0x11  }
0xbb: {  	s0 =	sor.u32 s1, s0  }
0xbc: {  	s0 =	sadd.s32 $0x8F2B, s0  }
0xbd: {  	[sflag:s0] =	ssyncadd.remote.s32 $0x1  }
0xbe: {  	_ =	sfence.sel $0xFFFF  }
0xbf: {  	[dreg:$0x0] =	wrdreg $0xFFFFFFFF;
	(pc) =	sbr.abs _section_cstart, $3  }
0xc0: {  	[dreg:$0x1] =	wrdreg $0xFFFFFFFF  }
0xc1: {  	_ =	task.clear_ibuf [dreg:s7], $0x2FFFF;
	_ =	strace $0x9FFFFFFF  }
0xc2: {  	(tm) =	ssettm $0x7FFFFFFF  }
0xc3: {  	_ =	shalt  }
tec
execute0_lowered:
.L_overlay_start_1:
0x0: {  	(tag) =	ssettag $0x1  }
0x1: {  	s0 =	rddreg [dreg:$0x0];
	s1 =	srdreg.scid  }
0x2: {  	s3 =	stileid.u32;
	s2 =	rddreg [dreg:$0x1]  }
0x3: {  	s15 =	simm.s32 $0x5;
	s16 =	simm.s32 $0x80;
	s18 =	simm.s32 $0xE800  }
0x4: {  	s20 =	simm.s32 $0x12800;
	s21 =	simm.s32 $0x1;
	s22 =	simm.s32 $0x16800  }
0x5: {  	s23 =	simm.s32 $0x400;
	s28 =	simm.s32 $0x3;
	s29 =	simm.s32 $0x4  }
0x6: {  	s1 =	sand.u32 $0x1, s1;
	s4 =	sshll.u32 s3, $0x1;
	s3 =	simm.s32 $0x0  }
0x7: {  	s30 =	simm.s32 $0x0;
	s5 =	sor.u32 s1, s4;
	[smem:$0x7FF] =	sst s3  }
0x8: {  	s1 =	ssub.s32 $0x2, s1;
	s4 =	sshll.u32 s5, $0xD;
	_ =	strace $0x80000047  }
0x9: {  	s6 =	sshrl.u32 s1, $0x1;
	s13 =	sshll.u32 s5, $0xC;
	s12 =	sadd.s32 s4, s0  }
0xa: {  	v0 =	vlaneseq.u32;
	s4 =	sadd.s32 $0x600, s0;
	s24 =	ssub.s32 s1, s6;
	s25 =	sadd.s32 $0x14000, s12  }
.Ltmp0:
0xb: {  	v1 =	vmul.u32 $0x80, v0;
	v9 =	vor.u32 $0x10, v0;
	v10 =	vor.u32 $0x20, v0;
	s26 =	sadd.s32 $0x14400, s12;
	s31 =	sadd.s32 $0x14800, s12;
	(pc) =	sbr.rel .LBB2_1-.Ltmp0, $4  }
0xc: {  	v11 =	vor.u32 $0x30, v0;
	v12 =	vor.u32 $0x40, v0;
	v13 =	vor.u32 $0x50, v0;
	s8 =	sadd.s32 $0x14C00, s12;
	s9 =	sadd.s32 $0x15000, s12;
	s10 =	sadd.s32 $0x15400, s12  }
0xd: {  	v14 =	vor.u32 $0x60, v0;
	v15 =	vor.u32 $0x70, v0;
	v2 =	vor.u32 $0x800, v1;
	s11 =	sadd.s32 $0x15800, s12;
	s12 =	sadd.s32 $0x15C00, s12;
	[dreg:$0x3] =	wrdreg s25  }
0xe: {  	v3 =	vor.u32 $0x1000, v1;
	v4 =	vor.u32 $0x1800, v1;
	v5 =	vor.u32 $0x2000, v1;
	s14 =	smax.u32 s24, $0x1;
	s24 =	simm.s32 $0x20000;
	[dreg:$0x4] =	wrdreg s26  }
0xf: {  	v6 =	vor.u32 $0x2800, v1;
	v7 =	vor.u32 $0x3000, v1;
	v8 =	vor.u32 $0x3800, v1;
	[dreg:$0x5] =	wrdreg s31;
	s25 =	simm.s32 $0x2;
	s26 =	simm.s32 $0x18800  }
.LBB2_24:
0x10: {  	s30 =	sadd.s32 $0x1, s30  }
0x11: {  	_ =	swait.ge [sflag:s28], $0x2000;
	p0 =	sne.s32 s30, s14  }
.Ltmp1:
0x12: {  	[sflag:s28] =	ssyncset.done $0x0;
	(pc) =	sbr.rel @!p0 .LBB2_25-.Ltmp1, $4  }
0x13: {  	[sflag:s28] =	ssyncadd.s32 $0xFFFFE000  }
0x14: {  	_ =	swait.ge [sflag:s29], $0x2000  }
0x15: {  	[sflag:s29] =	ssyncset.done $0x0  }
0x16: {  	[sflag:s29] =	ssyncadd.s32 $0xFFFFE000  }
.LBB2_1:
0x17: {  	v16 =	vmov s3  }
0x18: {  	v16 =	vand.u32 $0x7F, v16  }
0x19: {  	v16 =	vbroadcast v16, $0x0;
	_ =	sdelay $0x1  }
0x1a: {  	s0 =	rddreg [dreg:$0x3];
	v17 =	vor.u32 v1, v16  }
0x1b: {  	[tilespmem:s3], [sflag:$0x5] =	stream.linear.gather [hbm4b:s0+s3], $0x2000, $0x38;
	[tilespmem:$0x1A800] =	vst v63  }
0x1c: {  	_ =	swait.ge [sflag:s15], $0x2000  }
0x1d: {  	[sflag:s15] =	ssyncset.done $0x0  }
0x1e: {  	[sflag:s15] =	ssyncadd.s32 $0xFFFFE000  }
0x1f: {  	v17 =	vld.idx.msk [tilespmem:v17+s3+$0x0], $0xffff;
	_ =	sdelay $0x2  }
0x20: {  	v18 =	vor.u32 v2, v16;
	_ =	sdelay $0x1  }
0x21: {  	s1 =	simm.s32 $0x2020;
	v19 =	vshra.s32 v17, $0x1;
	v17 =	vshll.u32 v17, $0x6  }
0x22: {  	s0 =	simm.s32 $0x8420;
	[tilespmem:s1+$0xFFFFFFE0] =	vst v19;
	v17 =	vand.u32 $0x40, v17  }
0x23: {  	[tilespmem:s0+$0xFFFFFFE0] =	vst v17  }
0x24: {  	v17 =	vld.idx.msk [tilespmem:v18+s3+$0x0], $0xffff;
	_ =	sdelay $0x2  }
0x25: {  	v18 =	vor.u32 v3, v16;
	_ =	sdelay $0x1  }
0x26: {  	v19 =	vshra.s32 v17, $0x1;
	v17 =	vshll.u32 v17, $0x6  }
0x27: {  	[tilespmem:s1+$0xFFFFFFF0] =	vst v19;
	v17 =	vand.u32 $0x40, v17  }
0x28: {  	[tilespmem:s0+$0xFFFFFFF0] =	vst v17  }
0x29: {  	v17 =	vld.idx.msk [tilespmem:v18+s3+$0x0], $0xffff;
	_ =	sdelay $0x2  }
0x2a: {  	v16 =	vor.u32 v4, v16;
	_ =	sdelay $0x1  }
0x2b: {  	v18 =	vshra.s32 v17, $0x1;
	v17 =	vshll.u32 v17, $0x6  }
0x2c: {  	[tilespmem:s1+$0x0] =	vst v18;
	v17 =	vand.u32 $0x40, v17  }
0x2d: {  	[tilespmem:s0+$0x0] =	vst v17  }
0x2e: {  	s5 =	simm.s32 $0x1;
	v17 =	vld.idx.msk [tilespmem:v16+s3+$0x0], $0xffff  }
0x2f: {  	v16 =	vmov s5  }
0x30: {  	v16 =	vand.u32 $0x7F, v16  }
0x31: {  	v16 =	vbroadcast v16, $0x0;
	_ =	sdelay $0x1  }
0x32: {  	v18 =	vshra.s32 v17, $0x1;
	v19 =	vshll.u32 v17, $0x6;
	v17 =	vor.u32 v1, v16;
	_ =	sdelay $0x1  }
0x33: {  	s17 =	simm.s32 $0x2;
	[tilespmem:s1+$0x10] =	vst v18;
	v18 =	vand.u32 $0x40, v19  }
.LBB2_2:
0x34: {  	[tilespmem:s0+$0x10] =	vst v18;
	s0 =	sadd.s32 $0x80, s0  }
0x35: {  	s1 =	sadd.s32 $0x80, s1;
	s19 =	smov.u32 s17;
	s5 =	sadd.s32 $0x1, s17  }
0x36: {  	p0 =	sne.s32 s17, $0x31;
	v17 =	vld.idx.msk [tilespmem:v17+s3+$0x0], $0xffff;
	_ =	sdelay $0x3  }
0x37: {  	v18 =	vor.u32 v2, v16;
	_ =	sdelay $0x1  }
0x38: {  	v19 =	vshra.s32 v17, $0x1;
	v17 =	vshll.u32 v17, $0x6  }
0x39: {  	v17 =	vand.u32 $0x40, v17;
	[tilespmem:s1+$0xFFFFFFE0] =	vst v19  }
0x3a: {  	[tilespmem:s0+$0xFFFFFFE0] =	vst v17  }
0x3b: {  	v17 =	vld.idx.msk [tilespmem:v18+s3+$0x0], $0xffff;
	_ =	sdelay $0x3  }
0x3c: {  	v18 =	vor.u32 v3, v16;
	_ =	sdelay $0x1  }
0x3d: {  	v19 =	vshra.s32 v17, $0x1;
	v17 =	vshll.u32 v17, $0x6  }
0x3e: {  	v17 =	vand.u32 $0x40, v17;
	[tilespmem:s1+$0xFFFFFFF0] =	vst v19  }
0x3f: {  	[tilespmem:s0+$0xFFFFFFF0] =	vst v17  }
0x40: {  	v17 =	vld.idx.msk [tilespmem:v18+s3+$0x0], $0xffff;
	_ =	sdelay $0x3  }
0x41: {  	v16 =	vor.u32 v4, v16;
	_ =	sdelay $0x1  }
0x42: {  	v18 =	vshra.s32 v17, $0x1;
	v17 =	vshll.u32 v17, $0x6  }
0x43: {  	v17 =	vand.u32 $0x40, v17;
	[tilespmem:s1+$0x0] =	vst v18  }
0x44: {  	[tilespmem:s0+$0x0] =	vst v17  }
0x45: {  	v17 =	vmov s19;
	v18 =	vld.idx.msk [tilespmem:v16+s3+$0x0], $0xffff  }
0x46: {  	v16 =	vand.u32 $0x7F, v17  }
0x47: {  	v16 =	vbroadcast v16, $0x0  }
.Ltmp2:
0x48: {  	(pc) =	sbr.rel @p0 .LBB2_2-.Ltmp2, $3  }
0x49: {  	v17 =	vor.u32 v1, v16;
	_ =	sdelay $0x1  }
0x4a: {  	v19 =	vshra.s32 v18, $0x1;
	v18 =	vshll.u32 v18, $0x6  }
0x4b: {  	s17 =	smov.u32 s5;
	v18 =	vand.u32 $0x40, v18;
	[tilespmem:s1+$0x10] =	vst v19  }
0x4c: {  	_ =	sdelay $0x2  }
0x4d: {  	[tilespmem:s0+$0x10] =	vst v18  }
0x4e: {  	v17 =	vld.idx.msk [tilespmem:v17+s3+$0x0], $0xffff;
	_ =	sdelay $0x2  }
0x4f: {  	v18 =	vor.u32 v2, v16;
	_ =	sdelay $0x1  }
0x50: {  	s1 =	sadd.s32 $0x80, s1;
	v19 =	vshra.s32 v17, $0x1;
	v17 =	vshll.u32 v17, $0x6  }
0x51: {  	s17 =	sadd.s32 $0x80, s0;
	[tilespmem:s1+$0xFFFFFFE0] =	vst v19;
	v17 =	vand.u32 $0x40, v17  }
0x52: {  	[tilespmem:s17+$0xFFFFFFE0] =	vst v17  }
0x53: {  	v17 =	vld.idx.msk [tilespmem:v18+s3+$0x0], $0xffff;
	_ =	sdelay $0x2  }
0x54: {  	v18 =	vor.u32 v3, v16;
	_ =	sdelay $0x1  }
0x55: {  	v19 =	vshra.s32 v17, $0x1;
	v17 =	vshll.u32 v17, $0x6  }
0x56: {  	[tilespmem:s1+$0xFFFFFFF0] =	vst v19;
	v17 =	vand.u32 $0x40, v17  }
0x57: {  	[tilespmem:s17+$0xFFFFFFF0] =	vst v17  }
0x58: {  	v17 =	vld.idx.msk [tilespmem:v18+s3+$0x0], $0xffff;
	_ =	sdelay $0x2  }
0x59: {  	v16 =	vor.u32 v4, v16;
	_ =	sdelay $0x1  }
0x5a: {  	v18 =	vshra.s32 v17, $0x1;
	v17 =	vshll.u32 v17, $0x6  }
0x5b: {  	[tilespmem:s1+$0x0] =	vst v18;
	v17 =	vand.u32 $0x40, v17  }
0x5c: {  	[tilespmem:s17+$0x0] =	vst v17  }
0x5d: {  	v16 =	vld.idx.msk [tilespmem:v16+s3+$0x0], $0xffff;
	_ =	sdelay $0x1  }
0x5e: {  	s5 =	simm.s32 $0x0  }
0x5f: {  	v17 =	vmov s5  }
0x60: {  	v17 =	vand.u32 $0x7F, v17  }
0x61: {  	v17 =	vbroadcast v17, $0x0;
	v18 =	vshra.s32 v16, $0x1;
	v16 =	vshll.u32 v16, $0x6  }
0x62: {  	[tilespmem:s1+$0x10] =	vst v18;
	v16 =	vand.u32 $0x40, v16  }
0x63: {  	s19 =	rddreg [dreg:$0x4];
	[tilespmem:s17+$0x10] =	vst v16;
	v16 =	vor.u32 v1, v17  }
0x64: {  	[tilespmem:s5], [sflag:$0x5] =	stream.linear.gather [hbm4b:s19+s5], $0x2000, $0x38;
	[tilespmem:$0x1A800] =	vst v63  }
0x65: {  	_ =	swait.ge [sflag:s15], $0x2000  }
0x66: {  	[sflag:s15] =	ssyncset.done $0x0  }
0x67: {  	[sflag:s15] =	ssyncadd.s32 $0xFFFFE000  }
0x68: {  	v16 =	vld.idx.msk [tilespmem:v16+s3+$0x0], $0xffff;
	_ =	sdelay $0x2  }
0x69: {  	v18 =	vor.u32 v2, v17;
	_ =	sdelay $0x1  }
0x6a: {  	s1 =	simm.s32 $0x2070;
	v19 =	vshra.s32 v16, $0x1;
	v16 =	vshll.u32 v16, $0x6  }
0x6b: {  	s0 =	simm.s32 $0x8470;
	[tilespmem:s1+$0xFFFFFFD0] =	vst v19;
	v16 =	vand.u32 $0x40, v16  }
0x6c: {  	[tilespmem:s0+$0xFFFFFFD0] =	vst v16  }
0x6d: {  	v16 =	vld.idx.msk [tilespmem:v18+s3+$0x0], $0xffff;
	_ =	sdelay $0x2  }
0x6e: {  	v18 =	vor.u32 v3, v17;
	_ =	sdelay $0x1  }
0x6f: {  	v19 =	vshra.s32 v16, $0x1;
	v16 =	vshll.u32 v16, $0x6  }
0x70: {  	[tilespmem:s1+$0xFFFFFFE0] =	vst v19;
	v16 =	vand.u32 $0x40, v16  }
0x71: {  	[tilespmem:s0+$0xFFFFFFE0] =	vst v16  }
0x72: {  	v16 =	vld.idx.msk [tilespmem:v18+s3+$0x0], $0xffff;
	_ =	sdelay $0x2  }
0x73: {  	v17 =	vor.u32 v4, v17;
	_ =	sdelay $0x1  }
0x74: {  	v18 =	vshra.s32 v16, $0x1;
	v16 =	vshll.u32 v16, $0x6  }
0x75: {  	[tilespmem:s1+$0xFFFFFFF0] =	vst v18;
	v16 =	vand.u32 $0x40, v16  }
0x76: {  	[tilespmem:s0+$0xFFFFFFF0] =	vst v16  }
0x77: {  	s31 =	simm.s32 $0x1;
	v17 =	vld.idx.msk [tilespmem:v17+s3+$0x0], $0xffff  }
0x78: {  	v16 =	vmov s31  }
0x79: {  	v16 =	vand.u32 $0x7F, v16  }
0x7a: {  	v16 =	vbroadcast v16, $0x0;
	_ =	sdelay $0x1  }
0x7b: {  	v18 =	vshra.s32 v17, $0x1;
	v19 =	vshll.u32 v17, $0x6;
	v17 =	vor.u32 v1, v16;
	_ =	sdelay $0x1  }
0x7c: {  	s17 =	simm.s32 $0x2;
	[tilespmem:s1+$0x0] =	vst v18;
	v18 =	vand.u32 $0x40, v19  }
.LBB2_4:
0x7d: {  	[tilespmem:s0+$0x0] =	vst v18;
	s0 =	sadd.s32 $0x80, s0  }
0x7e: {  	s1 =	sadd.s32 $0x80, s1;
	s19 =	smov.u32 s17;
	s5 =	sadd.s32 $0x1, s17  }
0x7f: {  	p0 =	sne.s32 s17, $0x31;
	v17 =	vld.idx.msk [tilespmem:v17+s3+$0x0], $0xffff;
	_ =	sdelay $0x3  }
0x80: {  	v18 =	vor.u32 v2, v16;
	_ =	sdelay $0x1  }
0x81: {  	v19 =	vshra.s32 v17, $0x1;
	v17 =	vshll.u32 v17, $0x6  }
0x82: {  	v17 =	vand.u32 $0x40, v17;
	[tilespmem:s1+$0xFFFFFFD0] =	vst v19  }
0x83: {  	[tilespmem:s0+$0xFFFFFFD0] =	vst v17  }
0x84: {  	v17 =	vld.idx.msk [tilespmem:v18+s3+$0x0], $0xffff;
	_ =	sdelay $0x3  }
0x85: {  	v18 =	vor.u32 v3, v16;
	_ =	sdelay $0x1  }
0x86: {  	v19 =	vshra.s32 v17, $0x1;
	v17 =	vshll.u32 v17, $0x6  }
0x87: {  	v17 =	vand.u32 $0x40, v17;
	[tilespmem:s1+$0xFFFFFFE0] =	vst v19  }
0x88: {  	[tilespmem:s0+$0xFFFFFFE0] =	vst v17  }
0x89: {  	v17 =	vld.idx.msk [tilespmem:v18+s3+$0x0], $0xffff;
	_ =	sdelay $0x3  }
0x8a: {  	v16 =	vor.u32 v4, v16;
	_ =	sdelay $0x1  }
0x8b: {  	v18 =	vshra.s32 v17, $0x1;
	v17 =	vshll.u32 v17, $0x6  }
0x8c: {  	v17 =	vand.u32 $0x40, v17;
	[tilespmem:s1+$0xFFFFFFF0] =	vst v18  }
0x8d: {  	[tilespmem:s0+$0xFFFFFFF0] =	vst v17  }
0x8e: {  	v17 =	vmov s19;
	v18 =	vld.idx.msk [tilespmem:v16+s3+$0x0], $0xffff  }
0x8f: {  	v16 =	vand.u32 $0x7F, v17  }
0x90: {  	v16 =	vbroadcast v16, $0x0  }
.Ltmp3:
0x91: {  	(pc) =	sbr.rel @p0 .LBB2_4-.Ltmp3, $3  }
0x92: {  	v17 =	vor.u32 v1, v16;
	_ =	sdelay $0x1  }
0x93: {  	v19 =	vshra.s32 v18, $0x1;
	v18 =	vshll.u32 v18, $0x6  }
0x94: {  	s17 =	smov.u32 s5;
	v18 =	vand.u32 $0x40, v18;
	[tilespmem:s1+$0x0] =	vst v19  }
0x95: {  	_ =	sdelay $0x2  }
0x96: {  	[tilespmem:s0+$0x0] =	vst v18  }
0x97: {  	v17 =	vld.idx.msk [tilespmem:v17+s3+$0x0], $0xffff;
	_ =	sdelay $0x2  }
0x98: {  	v18 =	vor.u32 v2, v16;
	_ =	sdelay $0x1  }
0x99: {  	s1 =	sadd.s32 $0x80, s1;
	v19 =	vshra.s32 v17, $0x1;
	v17 =	vshll.u32 v17, $0x6  }
0x9a: {  	s17 =	sadd.s32 $0x80, s0;
	[tilespmem:s1+$0xFFFFFFD0] =	vst v19;
	v17 =	vand.u32 $0x40, v17  }
0x9b: {  	[tilespmem:s17+$0xFFFFFFD0] =	vst v17  }
0x9c: {  	v17 =	vld.idx.msk [tilespmem:v18+s3+$0x0], $0xffff;
	_ =	sdelay $0x2  }
0x9d: {  	v18 =	vor.u32 v3, v16;
	_ =	sdelay $0x1  }
0x9e: {  	v19 =	vshra.s32 v17, $0x1;
	v17 =	vshll.u32 v17, $0x6  }
0x9f: {  	[tilespmem:s1+$0xFFFFFFE0] =	vst v19;
	v17 =	vand.u32 $0x40, v17  }
0xa0: {  	[tilespmem:s17+$0xFFFFFFE0] =	vst v17  }
0xa1: {  	v17 =	vld.idx.msk [tilespmem:v18+s3+$0x0], $0xffff;
	_ =	sdelay $0x2  }
0xa2: {  	v16 =	vor.u32 v4, v16;
	_ =	sdelay $0x1  }
0xa3: {  	v18 =	vshra.s32 v17, $0x1;
	v17 =	vshll.u32 v17, $0x6  }
0xa4: {  	[tilespmem:s1+$0xFFFFFFF0] =	vst v18;
	v17 =	vand.u32 $0x40, v17  }
0xa5: {  	[tilespmem:s17+$0xFFFFFFF0] =	vst v17  }
0xa6: {  	v16 =	vld.idx.msk [tilespmem:v16+s3+$0x0], $0xffff;
	_ =	sdelay $0x1  }
0xa7: {  	s5 =	simm.s32 $0x0  }
0xa8: {  	v17 =	vmov s5  }
0xa9: {  	v17 =	vand.u32 $0x7F, v17  }
0xaa: {  	v17 =	vbroadcast v17, $0x0;
	v18 =	vshra.s32 v16, $0x1;
	v16 =	vshll.u32 v16, $0x6  }
0xab: {  	[tilespmem:s1+$0x0] =	vst v18;
	v16 =	vand.u32 $0x40, v16  }
0xac: {  	s19 =	rddreg [dreg:$0x5];
	[tilespmem:s17+$0x0] =	vst v16;
	v16 =	vor.u32 v1, v17  }
0xad: {  	[tilespmem:s5], [sflag:$0x5] =	stream.linear.gather [hbm4b:s19+s5], $0x2000, $0x38;
	[tilespmem:$0x1A800] =	vst v63  }
0xae: {  	_ =	swait.ge [sflag:s15], $0x2000  }
0xaf: {  	[sflag:s15] =	ssyncset.done $0x0  }
0xb0: {  	[sflag:s15] =	ssyncadd.s32 $0xFFFFE000  }
0xb1: {  	v16 =	vld.idx.msk [tilespmem:v16+s3+$0x0], $0xffff;
	_ =	sdelay $0x2  }
0xb2: {  	v18 =	vor.u32 v2, v17;
	_ =	sdelay $0x1  }
0xb3: {  	s1 =	simm.s32 $0x3930;
	v19 =	vshra.s32 v16, $0x1;
	v16 =	vshll.u32 v16, $0x6  }
0xb4: {  	s0 =	simm.s32 $0x9D30;
	[tilespmem:s1+$0xFFFFFFD0] =	vst v19;
	v16 =	vand.u32 $0x40, v16  }
0xb5: {  	[tilespmem:s0+$0xFFFFFFD0] =	vst v16  }
0xb6: {  	v16 =	vld.idx.msk [tilespmem:v18+s3+$0x0], $0xffff;
	_ =	sdelay $0x2  }
0xb7: {  	v18 =	vor.u32 v3, v17;
	_ =	sdelay $0x1  }
0xb8: {  	v19 =	vshra.s32 v16, $0x1;
	v16 =	vshll.u32 v16, $0x6  }
0xb9: {  	[tilespmem:s1+$0xFFFFFFE0] =	vst v19;
	v16 =	vand.u32 $0x40, v16  }
0xba: {  	[tilespmem:s0+$0xFFFFFFE0] =	vst v16  }
0xbb: {  	v16 =	vld.idx.msk [tilespmem:v18+s3+$0x0], $0xffff;
	_ =	sdelay $0x2  }
0xbc: {  	v17 =	vor.u32 v4, v17;
	_ =	sdelay $0x1  }
0xbd: {  	v18 =	vshra.s32 v16, $0x1;
	v16 =	vshll.u32 v16, $0x6  }
0xbe: {  	[tilespmem:s1+$0xFFFFFFF0] =	vst v18;
	v16 =	vand.u32 $0x40, v16  }
0xbf: {  	[tilespmem:s0+$0xFFFFFFF0] =	vst v16  }
0xc0: {  	s31 =	simm.s32 $0x1;
	v17 =	vld.idx.msk [tilespmem:v17+s3+$0x0], $0xffff  }
0xc1: {  	v16 =	vmov s31  }
0xc2: {  	v16 =	vand.u32 $0x7F, v16  }
0xc3: {  	v16 =	vbroadcast v16, $0x0;
	_ =	sdelay $0x1  }
0xc4: {  	v18 =	vshra.s32 v17, $0x1;
	v19 =	vshll.u32 v17, $0x6;
	v17 =	vor.u32 v1, v16;
	_ =	sdelay $0x1  }
0xc5: {  	s17 =	simm.s32 $0x2;
	[tilespmem:s1+$0x0] =	vst v18;
	v18 =	vand.u32 $0x40, v19  }
.LBB2_6:
0xc6: {  	s1 =	sadd.s32 $0x80, s1  }
0xc7: {  	[tilespmem:s0+$0x0] =	vst v18;
	s0 =	sadd.s32 $0x80, s0;
	s19 =	smov.u32 s17;
	s5 =	sadd.s32 $0x1, s17  }
0xc8: {  	p0 =	sne.s32 s17, $0x31;
	v17 =	vld.idx.msk [tilespmem:v17+s3+$0x0], $0xffff;
	_ =	sdelay $0x3  }
0xc9: {  	v18 =	vor.u32 v2, v16;
	_ =	sdelay $0x1  }
0xca: {  	v19 =	vshra.s32 v17, $0x1;
	v17 =	vshll.u32 v17, $0x6  }
0xcb: {  	v17 =	vand.u32 $0x40, v17;
	[tilespmem:s1+$0xFFFFFFD0] =	vst v19  }
0xcc: {  	[tilespmem:s0+$0xFFFFFFD0] =	vst v17  }
0xcd: {  	v17 =	vld.idx.msk [tilespmem:v18+s3+$0x0], $0xffff;
	_ =	sdelay $0x3  }
0xce: {  	v18 =	vor.u32 v3, v16;
	_ =	sdelay $0x1  }
0xcf: {  	v19 =	vshra.s32 v17, $0x1;
	v17 =	vshll.u32 v17, $0x6  }
0xd0: {  	v17 =	vand.u32 $0x40, v17;
	[tilespmem:s1+$0xFFFFFFE0] =	vst v19  }
0xd1: {  	[tilespmem:s0+$0xFFFFFFE0] =	vst v17  }
0xd2: {  	v17 =	vld.idx.msk [tilespmem:v18+s3+$0x0], $0xffff;
	_ =	sdelay $0x3  }
0xd3: {  	v16 =	vor.u32 v4, v16;
	_ =	sdelay $0x1  }
0xd4: {  	v18 =	vshra.s32 v17, $0x1;
	v17 =	vshll.u32 v17, $0x6  }
0xd5: {  	v17 =	vand.u32 $0x40, v17;
	[tilespmem:s1+$0xFFFFFFF0] =	vst v18  }
0xd6: {  	[tilespmem:s0+$0xFFFFFFF0] =	vst v17  }
0xd7: {  	v17 =	vmov s19;
	v18 =	vld.idx.msk [tilespmem:v16+s3+$0x0], $0xffff  }
0xd8: {  	v16 =	vand.u32 $0x7F, v17  }
0xd9: {  	v16 =	vbroadcast v16, $0x0  }
.Ltmp4:
0xda: {  	(pc) =	sbr.rel @p0 .LBB2_6-.Ltmp4, $3  }
0xdb: {  	v17 =	vor.u32 v1, v16;
	_ =	sdelay $0x1  }
0xdc: {  	v19 =	vshra.s32 v18, $0x1;
	v18 =	vshll.u32 v18, $0x6  }
0xdd: {  	s17 =	smov.u32 s5;
	v18 =	vand.u32 $0x40, v18;
	[tilespmem:s1+$0x0] =	vst v19  }
0xde: {  	_ =	sdelay $0x2  }
0xdf: {  	[tilespmem:s0+$0x0] =	vst v18  }
0xe0: {  	v17 =	vld.idx.msk [tilespmem:v17+s3+$0x0], $0xffff;
	_ =	sdelay $0x2  }
0xe1: {  	v18 =	vor.u32 v2, v16;
	_ =	sdelay $0x1  }
0xe2: {  	s1 =	sadd.s32 $0x80, s1;
	v19 =	vshra.s32 v17, $0x1;
	v17 =	vshll.u32 v17, $0x6  }
0xe3: {  	s19 =	sadd.s32 $0x80, s0;
	[tilespmem:s1+$0xFFFFFFD0] =	vst v19;
	v17 =	vand.u32 $0x40, v17  }
0xe4: {  	[tilespmem:s19+$0xFFFFFFD0] =	vst v17  }
0xe5: {  	v17 =	vld.idx.msk [tilespmem:v18+s3+$0x0], $0xffff;
	_ =	sdelay $0x2  }
0xe6: {  	v18 =	vor.u32 v3, v16;
	_ =	sdelay $0x1  }
0xe7: {  	v19 =	vshra.s32 v17, $0x1;
	v17 =	vshll.u32 v17, $0x6  }
0xe8: {  	[tilespmem:s1+$0xFFFFFFE0] =	vst v19;
	v17 =	vand.u32 $0x40, v17  }
0xe9: {  	[tilespmem:s19+$0xFFFFFFE0] =	vst v17  }
0xea: {  	v17 =	vld.idx.msk [tilespmem:v18+s3+$0x0], $0xffff;
	_ =	sdelay $0x2  }
0xeb: {  	v16 =	vor.u32 v4, v16;
	_ =	sdelay $0x1  }
0xec: {  	v18 =	vshra.s32 v17, $0x1;
	v17 =	vshll.u32 v17, $0x6  }
0xed: {  	[tilespmem:s1+$0xFFFFFFF0] =	vst v18;
	v17 =	vand.u32 $0x40, v17  }
0xee: {  	[tilespmem:s19+$0xFFFFFFF0] =	vst v17  }
0xef: {  	v16 =	vld.idx.msk [tilespmem:v16+s3+$0x0], $0xffff;
	_ =	sdelay $0x1  }
0xf0: {  	s5 =	simm.s32 $0x0  }
0xf1: {  	v17 =	vmov s5  }
0xf2: {  	v17 =	vand.u32 $0x7F, v17  }
0xf3: {  	v17 =	vbroadcast v17, $0x0;
	v18 =	vshra.s32 v16, $0x1;
	v16 =	vshll.u32 v16, $0x6  }
0xf4: {  	[tilespmem:s1+$0x0] =	vst v18;
	v16 =	vand.u32 $0x40, v16  }
0xf5: {  	[tilespmem:s19+$0x0] =	vst v16;
	v16 =	vor.u32 v1, v17  }
0xf6: {  	[tilespmem:s5], [sflag:$0x5] =	stream.linear.gather [hbm4b:s8+s5], $0x2000, $0x38;
	[tilespmem:$0x1A800] =	vst v63  }
0xf7: {  	_ =	swait.ge [sflag:s15], $0x2000  }
0xf8: {  	[sflag:s15] =	ssyncset.done $0x0  }
0xf9: {  	[sflag:s15] =	ssyncadd.s32 $0xFFFFE000  }
0xfa: {  	v16 =	vld.idx.msk [tilespmem:v16+s3+$0x0], $0xffff;
	_ =	sdelay $0x2  }
0xfb: {  	v18 =	vor.u32 v2, v17;
	_ =	sdelay $0x1  }
0xfc: {  	s1 =	simm.s32 $0x3970;
	v19 =	vshra.s32 v16, $0x1;
	v16 =	vshll.u32 v16, $0x6  }
0xfd: {  	s0 =	simm.s32 $0x9D70;
	[tilespmem:s1+$0xFFFFFFD0] =	vst v19;
	v16 =	vand.u32 $0x40, v16  }
0xfe: {  	[tilespmem:s0+$0xFFFFFFD0] =	vst v16  }
0xff: {  	v16 =	vld.idx.msk [tilespmem:v18+s3+$0x0], $0xffff;
	_ =	sdelay $0x2  }
0x100: {  	v18 =	vor.u32 v3, v17;
	_ =	sdelay $0x1  }
0x101: {  	v19 =	vshra.s32 v16, $0x1;
	v16 =	vshll.u32 v16, $0x6  }
0x102: {  	[tilespmem:s1+$0xFFFFFFE0] =	vst v19;
	v16 =	vand.u32 $0x40, v16  }
0x103: {  	[tilespmem:s0+$0xFFFFFFE0] =	vst v16  }
0x104: {  	v16 =	vld.idx.msk [tilespmem:v18+s3+$0x0], $0xffff;
	_ =	sdelay $0x2  }
0x105: {  	v17 =	vor.u32 v4, v17;
	_ =	sdelay $0x1  }
0x106: {  	v18 =	vshra.s32 v16, $0x1;
	v16 =	vshll.u32 v16, $0x6  }
0x107: {  	[tilespmem:s1+$0xFFFFFFF0] =	vst v18;
	v16 =	vand.u32 $0x40, v16  }
0x108: {  	[tilespmem:s0+$0xFFFFFFF0] =	vst v16  }
0x109: {  	s31 =	simm.s32 $0x1;
	v17 =	vld.idx.msk [tilespmem:v17+s3+$0x0], $0xffff  }
0x10a: {  	v16 =	vmov s31  }
0x10b: {  	v16 =	vand.u32 $0x7F, v16  }
0x10c: {  	v16 =	vbroadcast v16, $0x0;
	_ =	sdelay $0x1  }
0x10d: {  	v18 =	vshra.s32 v17, $0x1;
	v19 =	vshll.u32 v17, $0x6;
	v17 =	vor.u32 v1, v16;
	_ =	sdelay $0x1  }
0x10e: {  	s17 =	simm.s32 $0x2;
	[tilespmem:s1+$0x0] =	vst v18;
	v18 =	vand.u32 $0x40, v19  }
.LBB2_8:
0x10f: {  	s1 =	sadd.s32 $0x80, s1  }
0x110: {  	[tilespmem:s0+$0x0] =	vst v18;
	s0 =	sadd.s32 $0x80, s0;
	s19 =	smov.u32 s17;
	s5 =	sadd.s32 $0x1, s17  }
0x111: {  	p0 =	sne.s32 s17, $0x31;
	v17 =	vld.idx.msk [tilespmem:v17+s3+$0x0], $0xffff;
	_ =	sdelay $0x3  }
0x112: {  	v18 =	vor.u32 v2, v16;
	_ =	sdelay $0x1  }
0x113: {  	v19 =	vshra.s32 v17, $0x1;
	v17 =	vshll.u32 v17, $0x6  }
0x114: {  	v17 =	vand.u32 $0x40, v17;
	[tilespmem:s1+$0xFFFFFFD0] =	vst v19  }
0x115: {  	[tilespmem:s0+$0xFFFFFFD0] =	vst v17  }
0x116: {  	v17 =	vld.idx.msk [tilespmem:v18+s3+$0x0], $0xffff;
	_ =	sdelay $0x3  }
0x117: {  	v18 =	vor.u32 v3, v16;
	_ =	sdelay $0x1  }
0x118: {  	v19 =	vshra.s32 v17, $0x1;
	v17 =	vshll.u32 v17, $0x6  }
0x119: {  	v17 =	vand.u32 $0x40, v17;
	[tilespmem:s1+$0xFFFFFFE0] =	vst v19  }
0x11a: {  	[tilespmem:s0+$0xFFFFFFE0] =	vst v17  }
0x11b: {  	v17 =	vld.idx.msk [tilespmem:v18+s3+$0x0], $0xffff;
	_ =	sdelay $0x3  }
0x11c: {  	v16 =	vor.u32 v4, v16;
	_ =	sdelay $0x1  }
0x11d: {  	v18 =	vshra.s32 v17, $0x1;
	v17 =	vshll.u32 v17, $0x6  }
0x11e: {  	v17 =	vand.u32 $0x40, v17;
	[tilespmem:s1+$0xFFFFFFF0] =	vst v18  }
0x11f: {  	[tilespmem:s0+$0xFFFFFFF0] =	vst v17  }
0x120: {  	v17 =	vmov s19;
	v18 =	vld.idx.msk [tilespmem:v16+s3+$0x0], $0xffff  }
0x121: {  	v16 =	vand.u32 $0x7F, v17  }
0x122: {  	v16 =	vbroadcast v16, $0x0  }
.Ltmp5:
0x123: {  	(pc) =	sbr.rel @p0 .LBB2_8-.Ltmp5, $3  }
0x124: {  	v17 =	vor.u32 v1, v16;
	_ =	sdelay $0x1  }
0x125: {  	v19 =	vshra.s32 v18, $0x1;
	v18 =	vshll.u32 v18, $0x6  }
0x126: {  	s17 =	smov.u32 s5;
	v18 =	vand.u32 $0x40, v18;
	[tilespmem:s1+$0x0] =	vst v19  }
0x127: {  	_ =	sdelay $0x2  }
0x128: {  	[tilespmem:s0+$0x0] =	vst v18  }
0x129: {  	v17 =	vld.idx.msk [tilespmem:v17+s3+$0x0], $0xffff;
	_ =	sdelay $0x2  }
0x12a: {  	v18 =	vor.u32 v2, v16;
	_ =	sdelay $0x1  }
0x12b: {  	s1 =	sadd.s32 $0x80, s1;
	v19 =	vshra.s32 v17, $0x1;
	v17 =	vshll.u32 v17, $0x6  }
0x12c: {  	s19 =	sadd.s32 $0x80, s0;
	[tilespmem:s1+$0xFFFFFFD0] =	vst v19;
	v17 =	vand.u32 $0x40, v17  }
0x12d: {  	[tilespmem:s19+$0xFFFFFFD0] =	vst v17  }
0x12e: {  	v17 =	vld.idx.msk [tilespmem:v18+s3+$0x0], $0xffff;
	_ =	sdelay $0x2  }
0x12f: {  	v18 =	vor.u32 v3, v16;
	_ =	sdelay $0x1  }
0x130: {  	v19 =	vshra.s32 v17, $0x1;
	v17 =	vshll.u32 v17, $0x6  }
0x131: {  	[tilespmem:s1+$0xFFFFFFE0] =	vst v19;
	v17 =	vand.u32 $0x40, v17  }
0x132: {  	[tilespmem:s19+$0xFFFFFFE0] =	vst v17  }
0x133: {  	v17 =	vld.idx.msk [tilespmem:v18+s3+$0x0], $0xffff;
	_ =	sdelay $0x2  }
0x134: {  	v16 =	vor.u32 v4, v16;
	_ =	sdelay $0x1  }
0x135: {  	v18 =	vshra.s32 v17, $0x1;
	v17 =	vshll.u32 v17, $0x6  }
0x136: {  	[tilespmem:s1+$0xFFFFFFF0] =	vst v18;
	v17 =	vand.u32 $0x40, v17  }
0x137: {  	[tilespmem:s19+$0xFFFFFFF0] =	vst v17  }
0x138: {  	v16 =	vld.idx.msk [tilespmem:v16+s3+$0x0], $0xffff;
	_ =	sdelay $0x1  }
0x139: {  	s5 =	simm.s32 $0x0  }
0x13a: {  	v17 =	vmov s5  }
0x13b: {  	v17 =	vand.u32 $0x7F, v17  }
0x13c: {  	v17 =	vbroadcast v17, $0x0;
	v18 =	vshra.s32 v16, $0x1;
	v16 =	vshll.u32 v16, $0x6  }
0x13d: {  	[tilespmem:s1+$0x0] =	vst v18;
	v16 =	vand.u32 $0x40, v16  }
0x13e: {  	[tilespmem:s19+$0x0] =	vst v16;
	v16 =	vor.u32 v1, v17  }
0x13f: {  	[tilespmem:s5], [sflag:$0x5] =	stream.linear.gather [hbm4b:s9+s5], $0x2000, $0x38;
	[tilespmem:$0x1A800] =	vst v63  }
0x140: {  	_ =	swait.ge [sflag:s15], $0x2000  }
0x141: {  	[sflag:s15] =	ssyncset.done $0x0  }
0x142: {  	[sflag:s15] =	ssyncadd.s32 $0xFFFFE000  }
0x143: {  	v16 =	vld.idx.msk [tilespmem:v16+s3+$0x0], $0xffff;
	_ =	sdelay $0x2  }
0x144: {  	v18 =	vor.u32 v2, v17;
	_ =	sdelay $0x1  }
0x145: {  	s1 =	simm.s32 $0x5230;
	v19 =	vshra.s32 v16, $0x1;
	v16 =	vshll.u32 v16, $0x6  }
0x146: {  	s0 =	simm.s32 $0xB630;
	[tilespmem:s1+$0xFFFFFFD0] =	vst v19;
	v16 =	vand.u32 $0x40, v16  }
0x147: {  	[tilespmem:s0+$0xFFFFFFD0] =	vst v16  }
0x148: {  	v16 =	vld.idx.msk [tilespmem:v18+s3+$0x0], $0xffff;
	_ =	sdelay $0x2  }
0x149: {  	v18 =	vor.u32 v3, v17;
	_ =	sdelay $0x1  }
0x14a: {  	v19 =	vshra.s32 v16, $0x1;
	v16 =	vshll.u32 v16, $0x6  }
0x14b: {  	[tilespmem:s1+$0xFFFFFFE0] =	vst v19;
	v16 =	vand.u32 $0x40, v16  }
0x14c: {  	[tilespmem:s0+$0xFFFFFFE0] =	vst v16  }
0x14d: {  	v16 =	vld.idx.msk [tilespmem:v18+s3+$0x0], $0xffff;
	_ =	sdelay $0x2  }
0x14e: {  	v17 =	vor.u32 v4, v17;
	_ =	sdelay $0x1  }
0x14f: {  	v18 =	vshra.s32 v16, $0x1;
	v16 =	vshll.u32 v16, $0x6  }
0x150: {  	[tilespmem:s1+$0xFFFFFFF0] =	vst v18;
	v16 =	vand.u32 $0x40, v16  }
0x151: {  	[tilespmem:s0+$0xFFFFFFF0] =	vst v16  }
0x152: {  	s31 =	simm.s32 $0x1;
	v17 =	vld.idx.msk [tilespmem:v17+s3+$0x0], $0xffff  }
0x153: {  	v16 =	vmov s31  }
0x154: {  	v16 =	vand.u32 $0x7F, v16  }
0x155: {  	v16 =	vbroadcast v16, $0x0;
	_ =	sdelay $0x1  }
0x156: {  	v18 =	vshra.s32 v17, $0x1;
	v19 =	vshll.u32 v17, $0x6;
	v17 =	vor.u32 v1, v16;
	_ =	sdelay $0x1  }
0x157: {  	s17 =	simm.s32 $0x2;
	[tilespmem:s1+$0x0] =	vst v18;
	v18 =	vand.u32 $0x40, v19  }
.LBB2_10:
0x158: {  	s1 =	sadd.s32 $0x80, s1  }
0x159: {  	[tilespmem:s0+$0x0] =	vst v18;
	s0 =	sadd.s32 $0x80, s0;
	s19 =	smov.u32 s17;
	s5 =	sadd.s32 $0x1, s17  }
0x15a: {  	p0 =	sne.s32 s17, $0x31;
	v17 =	vld.idx.msk [tilespmem:v17+s3+$0x0], $0xffff;
	_ =	sdelay $0x3  }
0x15b: {  	v18 =	vor.u32 v2, v16;
	_ =	sdelay $0x1  }
0x15c: {  	v19 =	vshra.s32 v17, $0x1;
	v17 =	vshll.u32 v17, $0x6  }
0x15d: {  	v17 =	vand.u32 $0x40, v17;
	[tilespmem:s1+$0xFFFFFFD0] =	vst v19  }
0x15e: {  	[tilespmem:s0+$0xFFFFFFD0] =	vst v17  }
0x15f: {  	v17 =	vld.idx.msk [tilespmem:v18+s3+$0x0], $0xffff;
	_ =	sdelay $0x3  }
0x160: {  	v18 =	vor.u32 v3, v16;
	_ =	sdelay $0x1  }
0x161: {  	v19 =	vshra.s32 v17, $0x1;
	v17 =	vshll.u32 v17, $0x6  }
0x162: {  	v17 =	vand.u32 $0x40, v17;
	[tilespmem:s1+$0xFFFFFFE0] =	vst v19  }
0x163: {  	[tilespmem:s0+$0xFFFFFFE0] =	vst v17  }
0x164: {  	v17 =	vld.idx.msk [tilespmem:v18+s3+$0x0], $0xffff;
	_ =	sdelay $0x3  }
0x165: {  	v16 =	vor.u32 v4, v16;
	_ =	sdelay $0x1  }
0x166: {  	v18 =	vshra.s32 v17, $0x1;
	v17 =	vshll.u32 v17, $0x6  }
0x167: {  	v17 =	vand.u32 $0x40, v17;
	[tilespmem:s1+$0xFFFFFFF0] =	vst v18  }
0x168: {  	[tilespmem:s0+$0xFFFFFFF0] =	vst v17  }
0x169: {  	v17 =	vmov s19;
	v18 =	vld.idx.msk [tilespmem:v16+s3+$0x0], $0xffff  }
0x16a: {  	v16 =	vand.u32 $0x7F, v17  }
0x16b: {  	v16 =	vbroadcast v16, $0x0  }
.Ltmp6:
0x16c: {  	(pc) =	sbr.rel @p0 .LBB2_10-.Ltmp6, $3  }
0x16d: {  	v17 =	vor.u32 v1, v16;
	_ =	sdelay $0x1  }
0x16e: {  	v19 =	vshra.s32 v18, $0x1;
	v18 =	vshll.u32 v18, $0x6  }
0x16f: {  	s17 =	smov.u32 s5;
	v18 =	vand.u32 $0x40, v18;
	[tilespmem:s1+$0x0] =	vst v19  }
0x170: {  	_ =	sdelay $0x2  }
0x171: {  	[tilespmem:s0+$0x0] =	vst v18  }
0x172: {  	v17 =	vld.idx.msk [tilespmem:v17+s3+$0x0], $0xffff;
	_ =	sdelay $0x2  }
0x173: {  	v18 =	vor.u32 v2, v16;
	_ =	sdelay $0x1  }
0x174: {  	s1 =	sadd.s32 $0x80, s1;
	v19 =	vshra.s32 v17, $0x1;
	v17 =	vshll.u32 v17, $0x6  }
0x175: {  	s19 =	sadd.s32 $0x80, s0;
	[tilespmem:s1+$0xFFFFFFD0] =	vst v19;
	v17 =	vand.u32 $0x40, v17  }
0x176: {  	[tilespmem:s19+$0xFFFFFFD0] =	vst v17  }
0x177: {  	v17 =	vld.idx.msk [tilespmem:v18+s3+$0x0], $0xffff;
	_ =	sdelay $0x2  }
0x178: {  	v18 =	vor.u32 v3, v16;
	_ =	sdelay $0x1  }
0x179: {  	v19 =	vshra.s32 v17, $0x1;
	v17 =	vshll.u32 v17, $0x6  }
0x17a: {  	[tilespmem:s1+$0xFFFFFFE0] =	vst v19;
	v17 =	vand.u32 $0x40, v17  }
0x17b: {  	[tilespmem:s19+$0xFFFFFFE0] =	vst v17  }
0x17c: {  	v17 =	vld.idx.msk [tilespmem:v18+s3+$0x0], $0xffff;
	_ =	sdelay $0x2  }
0x17d: {  	v16 =	vor.u32 v4, v16;
	_ =	sdelay $0x1  }
0x17e: {  	v18 =	vshra.s32 v17, $0x1;
	v17 =	vshll.u32 v17, $0x6  }
0x17f: {  	[tilespmem:s1+$0xFFFFFFF0] =	vst v18;
	v17 =	vand.u32 $0x40, v17  }
0x180: {  	[tilespmem:s19+$0xFFFFFFF0] =	vst v17  }
0x181: {  	v16 =	vld.idx.msk [tilespmem:v16+s3+$0x0], $0xffff;
	_ =	sdelay $0x1  }
0x182: {  	s5 =	simm.s32 $0x0  }
0x183: {  	v17 =	vmov s5  }
0x184: {  	v17 =	vand.u32 $0x7F, v17  }
0x185: {  	v17 =	vbroadcast v17, $0x0;
	v18 =	vshra.s32 v16, $0x1;
	v16 =	vshll.u32 v16, $0x6  }
0x186: {  	[tilespmem:s1+$0x0] =	vst v18;
	v16 =	vand.u32 $0x40, v16  }
0x187: {  	[tilespmem:s19+$0x0] =	vst v16;
	v16 =	vor.u32 v1, v17  }
0x188: {  	[tilespmem:s5], [sflag:$0x5] =	stream.linear.gather [hbm4b:s10+s5], $0x2000, $0x38;
	[tilespmem:$0x1A800] =	vst v63  }
0x189: {  	_ =	swait.ge [sflag:s15], $0x2000  }
0x18a: {  	[sflag:s15] =	ssyncset.done $0x0  }
0x18b: {  	[sflag:s15] =	ssyncadd.s32 $0xFFFFE000  }
0x18c: {  	v16 =	vld.idx.msk [tilespmem:v16+s3+$0x0], $0xffff;
	_ =	sdelay $0x2  }
0x18d: {  	v18 =	vor.u32 v2, v17;
	_ =	sdelay $0x1  }
0x18e: {  	s1 =	simm.s32 $0x5270;
	v19 =	vshra.s32 v16, $0x1;
	v16 =	vshll.u32 v16, $0x6  }
0x18f: {  	s0 =	simm.s32 $0xB670;
	[tilespmem:s1+$0xFFFFFFD0] =	vst v19;
	v16 =	vand.u32 $0x40, v16  }
0x190: {  	[tilespmem:s0+$0xFFFFFFD0] =	vst v16  }
0x191: {  	v16 =	vld.idx.msk [tilespmem:v18+s3+$0x0], $0xffff;
	_ =	sdelay $0x2  }
0x192: {  	v18 =	vor.u32 v3, v17;
	_ =	sdelay $0x1  }
0x193: {  	v19 =	vshra.s32 v16, $0x1;
	v16 =	vshll.u32 v16, $0x6  }
0x194: {  	[tilespmem:s1+$0xFFFFFFE0] =	vst v19;
	v16 =	vand.u32 $0x40, v16  }
0x195: {  	[tilespmem:s0+$0xFFFFFFE0] =	vst v16  }
0x196: {  	v16 =	vld.idx.msk [tilespmem:v18+s3+$0x0], $0xffff;
	_ =	sdelay $0x2  }
0x197: {  	v17 =	vor.u32 v4, v17;
	_ =	sdelay $0x1  }
0x198: {  	v18 =	vshra.s32 v16, $0x1;
	v16 =	vshll.u32 v16, $0x6  }
0x199: {  	[tilespmem:s1+$0xFFFFFFF0] =	vst v18;
	v16 =	vand.u32 $0x40, v16  }
0x19a: {  	[tilespmem:s0+$0xFFFFFFF0] =	vst v16  }
0x19b: {  	s31 =	simm.s32 $0x1;
	v17 =	vld.idx.msk [tilespmem:v17+s3+$0x0], $0xffff  }
0x19c: {  	v16 =	vmov s31  }
0x19d: {  	v16 =	vand.u32 $0x7F, v16  }
0x19e: {  	v16 =	vbroadcast v16, $0x0;
	_ =	sdelay $0x1  }
0x19f: {  	v18 =	vshra.s32 v17, $0x1;
	v19 =	vshll.u32 v17, $0x6;
	v17 =	vor.u32 v1, v16;
	_ =	sdelay $0x1  }
0x1a0: {  	s17 =	simm.s32 $0x2;
	[tilespmem:s1+$0x0] =	vst v18;
	v18 =	vand.u32 $0x40, v19  }
.LBB2_12:
0x1a1: {  	s1 =	sadd.s32 $0x80, s1  }
0x1a2: {  	[tilespmem:s0+$0x0] =	vst v18;
	s0 =	sadd.s32 $0x80, s0;
	s19 =	smov.u32 s17;
	s5 =	sadd.s32 $0x1, s17  }
0x1a3: {  	p0 =	sne.s32 s17, $0x31;
	v17 =	vld.idx.msk [tilespmem:v17+s3+$0x0], $0xffff;
	_ =	sdelay $0x3  }
0x1a4: {  	v18 =	vor.u32 v2, v16;
	_ =	sdelay $0x1  }
0x1a5: {  	v19 =	vshra.s32 v17, $0x1;
	v17 =	vshll.u32 v17, $0x6  }
0x1a6: {  	v17 =	vand.u32 $0x40, v17;
	[tilespmem:s1+$0xFFFFFFD0] =	vst v19  }
0x1a7: {  	[tilespmem:s0+$0xFFFFFFD0] =	vst v17  }
0x1a8: {  	v17 =	vld.idx.msk [tilespmem:v18+s3+$0x0], $0xffff;
	_ =	sdelay $0x3  }
0x1a9: {  	v18 =	vor.u32 v3, v16;
	_ =	sdelay $0x1  }
0x1aa: {  	v19 =	vshra.s32 v17, $0x1;
	v17 =	vshll.u32 v17, $0x6  }
0x1ab: {  	v17 =	vand.u32 $0x40, v17;
	[tilespmem:s1+$0xFFFFFFE0] =	vst v19  }
0x1ac: {  	[tilespmem:s0+$0xFFFFFFE0] =	vst v17  }
0x1ad: {  	v17 =	vld.idx.msk [tilespmem:v18+s3+$0x0], $0xffff;
	_ =	sdelay $0x3  }
0x1ae: {  	v16 =	vor.u32 v4, v16;
	_ =	sdelay $0x1  }
0x1af: {  	v18 =	vshra.s32 v17, $0x1;
	v17 =	vshll.u32 v17, $0x6  }
0x1b0: {  	v17 =	vand.u32 $0x40, v17;
	[tilespmem:s1+$0xFFFFFFF0] =	vst v18  }
0x1b1: {  	[tilespmem:s0+$0xFFFFFFF0] =	vst v17  }
0x1b2: {  	v17 =	vmov s19;
	v18 =	vld.idx.msk [tilespmem:v16+s3+$0x0], $0xffff  }
0x1b3: {  	v16 =	vand.u32 $0x7F, v17  }
0x1b4: {  	v16 =	vbroadcast v16, $0x0  }
.Ltmp7:
0x1b5: {  	(pc) =	sbr.rel @p0 .LBB2_12-.Ltmp7, $3  }
0x1b6: {  	v17 =	vor.u32 v1, v16;
	_ =	sdelay $0x1  }
0x1b7: {  	v19 =	vshra.s32 v18, $0x1;
	v18 =	vshll.u32 v18, $0x6  }
0x1b8: {  	s17 =	smov.u32 s5;
	v18 =	vand.u32 $0x40, v18;
	[tilespmem:s1+$0x0] =	vst v19  }
0x1b9: {  	_ =	sdelay $0x2  }
0x1ba: {  	[tilespmem:s0+$0x0] =	vst v18  }
0x1bb: {  	v17 =	vld.idx.msk [tilespmem:v17+s3+$0x0], $0xffff;
	_ =	sdelay $0x2  }
0x1bc: {  	v18 =	vor.u32 v2, v16;
	_ =	sdelay $0x1  }
0x1bd: {  	s1 =	sadd.s32 $0x80, s1;
	v19 =	vshra.s32 v17, $0x1;
	v17 =	vshll.u32 v17, $0x6  }
0x1be: {  	s31 =	sadd.s32 $0x80, s0;
	[tilespmem:s1+$0xFFFFFFD0] =	vst v19;
	v17 =	vand.u32 $0x40, v17  }
0x1bf: {  	[tilespmem:s31+$0xFFFFFFD0] =	vst v17  }
0x1c0: {  	v17 =	vld.idx.msk [tilespmem:v18+s3+$0x0], $0xffff;
	_ =	sdelay $0x2  }
0x1c1: {  	v18 =	vor.u32 v3, v16;
	_ =	sdelay $0x1  }
0x1c2: {  	v19 =	vshra.s32 v17, $0x1;
	v17 =	vshll.u32 v17, $0x6  }
0x1c3: {  	[tilespmem:s1+$0xFFFFFFE0] =	vst v19;
	v17 =	vand.u32 $0x40, v17  }
0x1c4: {  	[tilespmem:s31+$0xFFFFFFE0] =	vst v17  }
0x1c5: {  	v17 =	vld.idx.msk [tilespmem:v18+s3+$0x0], $0xffff;
	_ =	sdelay $0x2  }
0x1c6: {  	v16 =	vor.u32 v4, v16;
	_ =	sdelay $0x1  }
0x1c7: {  	v18 =	vshra.s32 v17, $0x1;
	v17 =	vshll.u32 v17, $0x6  }
0x1c8: {  	[tilespmem:s1+$0xFFFFFFF0] =	vst v18;
	v17 =	vand.u32 $0x40, v17  }
0x1c9: {  	[tilespmem:s31+$0xFFFFFFF0] =	vst v17  }
0x1ca: {  	v16 =	vld.idx.msk [tilespmem:v16+s3+$0x0], $0xffff;
	_ =	sdelay $0x1  }
0x1cb: {  	s5 =	simm.s32 $0x0  }
0x1cc: {  	v17 =	vmov s5  }
0x1cd: {  	v17 =	vand.u32 $0x7F, v17  }
0x1ce: {  	v17 =	vbroadcast v17, $0x0;
	v18 =	vshra.s32 v16, $0x1;
	v16 =	vshll.u32 v16, $0x6  }
0x1cf: {  	[tilespmem:s1+$0x0] =	vst v18;
	v16 =	vand.u32 $0x40, v16  }
0x1d0: {  	[tilespmem:s31+$0x0] =	vst v16;
	v16 =	vor.u32 v1, v17  }
0x1d1: {  	[tilespmem:s5], [sflag:$0x5] =	stream.linear.gather [hbm4b:s11+s5], $0x2000, $0x38;
	[tilespmem:$0x1A800] =	vst v63  }
0x1d2: {  	_ =	swait.ge [sflag:s15], $0x2000  }
0x1d3: {  	[sflag:s15] =	ssyncset.done $0x0  }
0x1d4: {  	[sflag:s15] =	ssyncadd.s32 $0xFFFFE000  }
0x1d5: {  	v16 =	vld.idx.msk [tilespmem:v16+s3+$0x0], $0xffff;
	_ =	sdelay $0x2  }
0x1d6: {  	v18 =	vor.u32 v2, v17;
	_ =	sdelay $0x1  }
0x1d7: {  	s0 =	simm.s32 $0x0;
	v19 =	vshra.s32 v16, $0x1;
	v16 =	vshll.u32 v16, $0x6  }
0x1d8: {  	[tilespmem:s0+$0x6B00] =	vst v19;
	v16 =	vand.u32 $0x40, v16  }
0x1d9: {  	[tilespmem:s0+$0xCF00] =	vst v16  }
0x1da: {  	v16 =	vld.idx.msk [tilespmem:v18+s3+$0x0], $0xffff;
	_ =	sdelay $0x2  }
0x1db: {  	v18 =	vor.u32 v3, v17;
	_ =	sdelay $0x1  }
0x1dc: {  	v19 =	vshra.s32 v16, $0x1;
	v16 =	vshll.u32 v16, $0x6  }
0x1dd: {  	[tilespmem:s0+$0x6B10] =	vst v19;
	v16 =	vand.u32 $0x40, v16  }
0x1de: {  	[tilespmem:s0+$0xCF10] =	vst v16  }
0x1df: {  	v16 =	vld.idx.msk [tilespmem:v18+s3+$0x0], $0xffff;
	_ =	sdelay $0x2  }
0x1e0: {  	v17 =	vor.u32 v4, v17;
	_ =	sdelay $0x1  }
0x1e1: {  	v18 =	vshra.s32 v16, $0x1;
	v16 =	vshll.u32 v16, $0x6  }
0x1e2: {  	[tilespmem:s0+$0x6B20] =	vst v18;
	v16 =	vand.u32 $0x40, v16  }
0x1e3: {  	[tilespmem:s0+$0xCF20] =	vst v16  }
0x1e4: {  	s1 =	simm.s32 $0x1;
	v17 =	vld.idx.msk [tilespmem:v17+s3+$0x0], $0xffff  }
0x1e5: {  	v16 =	vmov s1  }
0x1e6: {  	v16 =	vand.u32 $0x7F, v16  }
0x1e7: {  	v16 =	vbroadcast v16, $0x0;
	_ =	sdelay $0x1  }
0x1e8: {  	v18 =	vshra.s32 v17, $0x1;
	v19 =	vshll.u32 v17, $0x6;
	v17 =	vor.u32 v1, v16;
	_ =	sdelay $0x2  }
0x1e9: {  	s17 =	simm.s32 $0x400;
	s5 =	simm.s32 $0x200;
	[tilespmem:s0+$0x6B30] =	vst v18;
	v18 =	vand.u32 $0x40, v19  }
.LBB2_14:
0x1ea: {  	p0 =	sne.s32 s17, $0x6200;
	[tilespmem:s0+$0xCF30] =	vst v18;
	s19 =	smov.u32 s17;
	s17 =	sadd.s32 $0x200, s17  }
0x1eb: {  	v17 =	vld.idx.msk [tilespmem:v17+s3+$0x0], $0xffff;
	_ =	sdelay $0x3  }
0x1ec: {  	v18 =	vor.u32 v2, v16;
	_ =	sdelay $0x1  }
0x1ed: {  	s0 =	sshra.s32 s5, $0x2;
	s5 =	smov.u32 s19;
	v19 =	vshra.s32 v17, $0x1;
	v17 =	vshll.u32 v17, $0x6  }
0x1ee: {  	v17 =	vand.u32 $0x40, v17;
	[tilespmem:s0+$0x6B00] =	vst v19  }
0x1ef: {  	[tilespmem:s0+$0xCF00] =	vst v17  }
0x1f0: {  	v17 =	vld.idx.msk [tilespmem:v18+s3+$0x0], $0xffff;
	_ =	sdelay $0x3  }
0x1f1: {  	v18 =	vor.u32 v3, v16;
	_ =	sdelay $0x1  }
0x1f2: {  	v19 =	vshra.s32 v17, $0x1;
	v17 =	vshll.u32 v17, $0x6  }
0x1f3: {  	v17 =	vand.u32 $0x40, v17;
	[tilespmem:s0+$0x6B10] =	vst v19  }
0x1f4: {  	[tilespmem:s0+$0xCF10] =	vst v17  }
0x1f5: {  	v17 =	vld.idx.msk [tilespmem:v18+s3+$0x0], $0xffff;
	_ =	sdelay $0x3  }
0x1f6: {  	v16 =	vor.u32 v4, v16;
	_ =	sdelay $0x1  }
0x1f7: {  	v18 =	vshra.s32 v17, $0x1;
	v17 =	vshll.u32 v17, $0x6  }
0x1f8: {  	v17 =	vand.u32 $0x40, v17;
	[tilespmem:s0+$0x6B20] =	vst v18  }
0x1f9: {  	s1 =	sadd.s32 $0x1, s1;
	[tilespmem:s0+$0xCF20] =	vst v17  }
0x1fa: {  	v17 =	vmov s1;
	v18 =	vld.idx.msk [tilespmem:v16+s3+$0x0], $0xffff  }
0x1fb: {  	v16 =	vand.u32 $0x7F, v17  }
0x1fc: {  	v16 =	vbroadcast v16, $0x0  }
.Ltmp8:
0x1fd: {  	(pc) =	sbr.rel @p0 .LBB2_14-.Ltmp8, $3  }
0x1fe: {  	v17 =	vor.u32 v1, v16;
	_ =	sdelay $0x1  }
0x1ff: {  	v19 =	vshra.s32 v18, $0x1;
	v18 =	vshll.u32 v18, $0x6  }
0x200: {  	v18 =	vand.u32 $0x40, v18;
	[tilespmem:s0+$0x6B30] =	vst v19  }
0x201: {  	_ =	sdelay $0x2  }
0x202: {  	[tilespmem:s0+$0xCF30] =	vst v18  }
0x203: {  	v17 =	vld.idx.msk [tilespmem:v17+s3+$0x0], $0xffff;
	_ =	sdelay $0x2  }
0x204: {  	v18 =	vor.u32 v2, v16;
	_ =	sdelay $0x1  }
0x205: {  	s31 =	sshra.s32 s5, $0x2;
	v19 =	vshra.s32 v17, $0x1;
	v17 =	vshll.u32 v17, $0x6  }
0x206: {  	[tilespmem:s31+$0x6B00] =	vst v19;
	v17 =	vand.u32 $0x40, v17  }
0x207: {  	[tilespmem:s31+$0xCF00] =	vst v17  }
0x208: {  	v17 =	vld.idx.msk [tilespmem:v18+s3+$0x0], $0xffff;
	_ =	sdelay $0x2  }
0x209: {  	v18 =	vor.u32 v3, v16;
	_ =	sdelay $0x1  }
0x20a: {  	v19 =	vshra.s32 v17, $0x1;
	v17 =	vshll.u32 v17, $0x6  }
0x20b: {  	[tilespmem:s31+$0x6B10] =	vst v19;
	v17 =	vand.u32 $0x40, v17  }
0x20c: {  	[tilespmem:s31+$0xCF10] =	vst v17  }
0x20d: {  	v17 =	vld.idx.msk [tilespmem:v18+s3+$0x0], $0xffff;
	_ =	sdelay $0x2  }
0x20e: {  	v16 =	vor.u32 v4, v16;
	_ =	sdelay $0x1  }
0x20f: {  	v18 =	vshra.s32 v17, $0x1;
	v17 =	vshll.u32 v17, $0x6  }
0x210: {  	[tilespmem:s31+$0x6B20] =	vst v18;
	v17 =	vand.u32 $0x40, v17  }
0x211: {  	[tilespmem:s31+$0xCF20] =	vst v17  }
0x212: {  	v16 =	vld.idx.msk [tilespmem:v16+s3+$0x0], $0xffff;
	_ =	sdelay $0x1  }
0x213: {  	s1 =	simm.s32 $0x0  }
0x214: {  	v17 =	vmov s1  }
0x215: {  	v17 =	vand.u32 $0x7F, v17  }
0x216: {  	v17 =	vbroadcast v17, $0x0;
	v18 =	vshra.s32 v16, $0x1;
	v16 =	vshll.u32 v16, $0x6  }
0x217: {  	[tilespmem:s31+$0x6B30] =	vst v18;
	v16 =	vand.u32 $0x40, v16  }
0x218: {  	[tilespmem:s31+$0xCF30] =	vst v16;
	v16 =	vor.u32 v1, v17  }
0x219: {  	[tilespmem:s1], [sflag:$0x5] =	stream.linear.gather [hbm4b:s12+s1], $0x2000, $0x38;
	[tilespmem:$0x1A800] =	vst v63  }
0x21a: {  	_ =	swait.ge [sflag:s15], $0x2000  }
0x21b: {  	[sflag:s15] =	ssyncset.done $0x0  }
0x21c: {  	[sflag:s15] =	ssyncadd.s32 $0xFFFFE000  }
0x21d: {  	v16 =	vld.idx.msk [tilespmem:v16+s3+$0x0], $0xffff;
	_ =	sdelay $0x2  }
0x21e: {  	v18 =	vor.u32 v2, v17;
	_ =	sdelay $0x1  }
0x21f: {  	s0 =	simm.s32 $0x0;
	v19 =	vshra.s32 v16, $0x1;
	v16 =	vshll.u32 v16, $0x6  }
0x220: {  	[tilespmem:s0+$0x6B40] =	vst v19;
	v16 =	vand.u32 $0x40, v16  }
0x221: {  	[tilespmem:s0+$0xCF40] =	vst v16  }
0x222: {  	v16 =	vld.idx.msk [tilespmem:v18+s3+$0x0], $0xffff;
	_ =	sdelay $0x2  }
0x223: {  	v18 =	vor.u32 v3, v17;
	_ =	sdelay $0x1  }
0x224: {  	v19 =	vshra.s32 v16, $0x1;
	v16 =	vshll.u32 v16, $0x6  }
0x225: {  	[tilespmem:s0+$0x6B50] =	vst v19;
	v16 =	vand.u32 $0x40, v16  }
0x226: {  	[tilespmem:s0+$0xCF50] =	vst v16  }
0x227: {  	v16 =	vld.idx.msk [tilespmem:v18+s3+$0x0], $0xffff;
	_ =	sdelay $0x2  }
0x228: {  	v17 =	vor.u32 v4, v17;
	_ =	sdelay $0x1  }
0x229: {  	v18 =	vshra.s32 v16, $0x1;
	v16 =	vshll.u32 v16, $0x6  }
0x22a: {  	[tilespmem:s0+$0x6B60] =	vst v18;
	v16 =	vand.u32 $0x40, v16  }
0x22b: {  	[tilespmem:s0+$0xCF60] =	vst v16  }
0x22c: {  	s1 =	simm.s32 $0x1;
	v17 =	vld.idx.msk [tilespmem:v17+s3+$0x0], $0xffff  }
0x22d: {  	v16 =	vmov s1  }
0x22e: {  	v16 =	vand.u32 $0x7F, v16  }
0x22f: {  	v16 =	vbroadcast v16, $0x0;
	_ =	sdelay $0x1  }
0x230: {  	v18 =	vshra.s32 v17, $0x1;
	v19 =	vshll.u32 v17, $0x6;
	v17 =	vor.u32 v1, v16;
	_ =	sdelay $0x2  }
0x231: {  	s5 =	simm.s32 $0x200;
	s17 =	simm.s32 $0x400;
	[tilespmem:s0+$0x6B70] =	vst v18;
	v18 =	vand.u32 $0x40, v19  }
.LBB2_16:
0x232: {  	p0 =	sne.s32 s17, $0x6200;
	[tilespmem:s0+$0xCF70] =	vst v18;
	s19 =	smov.u32 s17;
	s17 =	sadd.s32 $0x200, s17  }
0x233: {  	v17 =	vld.idx.msk [tilespmem:v17+s3+$0x0], $0xffff;
	_ =	sdelay $0x3  }
0x234: {  	v18 =	vor.u32 v2, v16;
	_ =	sdelay $0x1  }
0x235: {  	s0 =	sshra.s32 s5, $0x2;
	s5 =	smov.u32 s19;
	v19 =	vshra.s32 v17, $0x1;
	v17 =	vshll.u32 v17, $0x6  }
0x236: {  	v17 =	vand.u32 $0x40, v17;
	[tilespmem:s0+$0x6B40] =	vst v19  }
0x237: {  	[tilespmem:s0+$0xCF40] =	vst v17  }
0x238: {  	v17 =	vld.idx.msk [tilespmem:v18+s3+$0x0], $0xffff;
	_ =	sdelay $0x3  }
0x239: {  	v18 =	vor.u32 v3, v16;
	_ =	sdelay $0x1  }
0x23a: {  	v19 =	vshra.s32 v17, $0x1;
	v17 =	vshll.u32 v17, $0x6  }
0x23b: {  	v17 =	vand.u32 $0x40, v17;
	[tilespmem:s0+$0x6B50] =	vst v19  }
0x23c: {  	[tilespmem:s0+$0xCF50] =	vst v17  }
0x23d: {  	v17 =	vld.idx.msk [tilespmem:v18+s3+$0x0], $0xffff;
	_ =	sdelay $0x3  }
0x23e: {  	v16 =	vor.u32 v4, v16;
	_ =	sdelay $0x1  }
0x23f: {  	v18 =	vshra.s32 v17, $0x1;
	v17 =	vshll.u32 v17, $0x6  }
0x240: {  	v17 =	vand.u32 $0x40, v17;
	[tilespmem:s0+$0x6B60] =	vst v18  }
0x241: {  	s1 =	sadd.s32 $0x1, s1;
	[tilespmem:s0+$0xCF60] =	vst v17  }
0x242: {  	v17 =	vmov s1;
	v18 =	vld.idx.msk [tilespmem:v16+s3+$0x0], $0xffff  }
0x243: {  	v16 =	vand.u32 $0x7F, v17  }
0x244: {  	v16 =	vbroadcast v16, $0x0  }
.Ltmp9:
0x245: {  	(pc) =	sbr.rel @p0 .LBB2_16-.Ltmp9, $3  }
0x246: {  	v17 =	vor.u32 v1, v16;
	_ =	sdelay $0x1  }
0x247: {  	v19 =	vshra.s32 v18, $0x1;
	v18 =	vshll.u32 v18, $0x6  }
0x248: {  	v18 =	vand.u32 $0x40, v18;
	[tilespmem:s0+$0x6B70] =	vst v19  }
0x249: {  	_ =	sdelay $0x2  }
0x24a: {  	[tilespmem:s0+$0xCF70] =	vst v18  }
0x24b: {  	v17 =	vld.idx.msk [tilespmem:v17+s3+$0x0], $0xffff;
	_ =	sdelay $0x2  }
0x24c: {  	v61 =	vor.u32 v2, v16;
	_ =	sdelay $0x1  }
0x24d: {  	s7 =	sshra.s32 s5, $0x2;
	v19 =	vshra.s32 v17, $0x1;
	v17 =	vshll.u32 v17, $0x6  }
0x24e: {  	[tilespmem:s7+$0x6B40] =	vst v19;
	v17 =	vand.u32 $0x40, v17  }
0x24f: {  	[tilespmem:s7+$0xCF40] =	vst v17  }
0x250: {  	v17 =	vld.idx.msk [tilespmem:v61+s3+$0x0], $0xffff;
	_ =	sdelay $0x2  }
0x251: {  	v62 =	vor.u32 v3, v16;
	_ =	sdelay $0x1  }
0x252: {  	v63 =	vshra.s32 v17, $0x1;
	v17 =	vshll.u32 v17, $0x6  }
0x253: {  	[tilespmem:s7+$0x6B50] =	vst v63;
	v17 =	vand.u32 $0x40, v17  }
0x254: {  	[tilespmem:s7+$0xCF50] =	vst v17  }
0x255: {  	v17 =	vld.idx.msk [tilespmem:v62+s3+$0x0], $0xffff;
	_ =	sdelay $0x2  }
0x256: {  	v16 =	vor.u32 v4, v16;
	_ =	sdelay $0x1  }
0x257: {  	v18 =	vshra.s32 v17, $0x1;
	v17 =	vshll.u32 v17, $0x6  }
0x258: {  	[tilespmem:s7+$0x6B60] =	vst v18;
	v17 =	vand.u32 $0x40, v17  }
0x259: {  	[tilespmem:s7+$0xCF60] =	vst v17  }
0x25a: {  	v16 =	vld.idx.msk [tilespmem:v16+s3+$0x0], $0xffff;
	_ =	sdelay $0x4  }
0x25b: {  	v17 =	vshra.s32 v16, $0x1;
	v16 =	vshll.u32 v16, $0x6  }
0x25c: {  	[tilespmem:s7+$0x6B70] =	vst v17;
	v16 =	vand.u32 $0x40, v16  }
0x25d: {  	s17 =	simm.s32 $0x2000;
	[tilespmem:s7+$0xCF70] =	vst v16  }
0x25e: {  	[tilespmem:s18], [sflag:$0x1] =	stream.indirect.gather [hbm4b:s4+s16], $0x80, s17, s16, $0xb8;
	[tilespmem:$0x1A800] =	vst v63  }
0x25f: {  	s19 =	simm.s32 $0x2080;
	s31 =	simm.s32 $0x0  }
0x260: {  	[tilespmem:s20], [sflag:$0x2] =	stream.indirect.gather [hbm4b:s4+s16], $0x80, s19, s16, $0xb8;
	[tilespmem:$0x1A800] =	vst v63  }
.LBB2_18:
0x261: {  	_ =	swait.ge [sflag:s21], $0x4000  }
0x262: {  	p0 =	seq.s32 s31, $0x0;
	[sflag:s21] =	ssyncset.done $0x0  }
0x263: {  	s0 =	simm.s32 @!p0 $0x3;
	[sflag:s21] =	ssyncadd.s32 $0xFFFFC000  }
0x264: {  	_ =	swait.ge @!p0 [sflag:s0], $0x2000  }
0x265: {  	s19 =	sshll.u32 s31, $0xA;
	[sflag:s0] =	ssyncset.done @!p0 $0x0  }
0x266: {  	s1 =	sshrl.u32 s19, $0x2;
	[sflag:s0] =	ssyncadd.s32 @!p0 $0xFFFFE000  }
0x267: {  	v16 =	vld [tilespmem:s1+$0x8400]  }
0x268: {  	v17 =	vld [tilespmem:s1+$0x8410]  }
0x269: {  	v18 =	vld [tilespmem:s1+$0x8420]  }
0x26a: {  	v19 =	vld [tilespmem:s1+$0x8430]  }
0x26b: {  	v20 =	vld [tilespmem:s1+$0x8440]  }
0x26c: {  	v21 =	vld [tilespmem:s1+$0x8450]  }
0x26d: {  	v22 =	vld [tilespmem:s1+$0x8460]  }
0x26e: {  	s5 =	sshll.u32 s31, $0x1;
	s0 =	simm.s32 $0x7;
	v23 =	vld [tilespmem:s1+$0x8470]  }
.LBB2_19:
0x26f: {  	s17 =	sadd.s32 $0xFFFFFFF9, s0  }
0x270: {  	v24 =	vadd.s32 s17, v0  }
0x271: {  	v24 =	vand.u32 $0x3F, v24  }
0x272: {  	v25 =	vadd.s32 v16, v24  }
0x273: {  	v26 =	vadd.s32 v17, v24;
	v25 =	vadd.s32 v1, v25  }
0x274: {  	v27 =	vadd.s32 v18, v24;
	v26 =	vadd.s32 v2, v26  }
0x275: {  	v28 =	vadd.s32 v19, v24;
	v27 =	vadd.s32 v3, v27  }
0x276: {  	v29 =	vadd.s32 v20, v24;
	v28 =	vadd.s32 v4, v28  }
0x277: {  	v30 =	vadd.s32 v21, v24;
	v29 =	vadd.s32 v5, v29  }
0x278: {  	v31 =	vadd.s32 v22, v24;
	v30 =	vadd.s32 v6, v30;
	v25 =	vld.idx.msk [tilespmem:v25+s18+$0x0], $0xffff  }
0x279: {  	v32 =	vadd.s32 v23, v24;
	v24 =	vshll.u32 v24, $0x7;
	v31 =	vadd.s32 v7, v31;
	v26 =	vld.idx.msk [tilespmem:v26+s18+$0x0], $0xffff  }
0x27a: {  	v32 =	vadd.s32 v8, v32;
	v33 =	vor.u32 v0, v24;
	v27 =	vld.idx.msk [tilespmem:v27+s18+$0x0], $0xffff  }
0x27b: {  	v34 =	vor.u32 v9, v24;
	v28 =	vld.idx.msk [tilespmem:v28+s18+$0x0], $0xffff  }
0x27c: {  	v35 =	vor.u32 v10, v24;
	v29 =	vld.idx.msk [tilespmem:v29+s18+$0x0], $0xffff  }
0x27d: {  	v36 =	vor.u32 v11, v24;
	v30 =	vld.idx.msk [tilespmem:v30+s18+$0x0], $0xffff  }
0x27e: {  	s6 =	sadd.s32 $0xFFFFFFFA, s0;
	v37 =	vor.u32 v12, v24;
	v31 =	vld.idx.msk [tilespmem:v31+s18+$0x0], $0xffff  }
0x27f: {  	v40 =	vadd.s32 s6, v0;
	v39 =	vor.u32 v13, v24;
	v32 =	vld.idx.msk [tilespmem:v32+s18+$0x0], $0xffff;
	[tilespmem:v33+s22+$0x0] =	vst.idx.msk $0xffff, v25  }
0x280: {  	v41 =	vor.u32 v14, v24;
	v33 =	vand.u32 $0x3F, v40;
	[tilespmem:v34+s22+$0x0] =	vst.idx.msk $0xffff, v26  }
0x281: {  	v24 =	vor.u32 v15, v24;
	v42 =	vadd.s32 v16, v33;
	[tilespmem:v35+s22+$0x0] =	vst.idx.msk $0xffff, v27  }
0x282: {  	v43 =	vadd.s32 v17, v33;
	v27 =	vadd.s32 v1, v42;
	[tilespmem:v36+s22+$0x0] =	vst.idx.msk $0xffff, v28  }
0x283: {  	v44 =	vadd.s32 v18, v33;
	v28 =	vadd.s32 v2, v43;
	[tilespmem:v37+s22+$0x0] =	vst.idx.msk $0xffff, v29  }
0x284: {  	v46 =	vadd.s32 v19, v33;
	v45 =	vadd.s32 v3, v44;
	[tilespmem:v39+s22+$0x0] =	vst.idx.msk $0xffff, v30  }
0x285: {  	v48 =	vadd.s32 v20, v33;
	v47 =	vadd.s32 v4, v46;
	[tilespmem:v41+s22+$0x0] =	vst.idx.msk $0xffff, v31  }
0x286: {  	v50 =	vadd.s32 v21, v33;
	v49 =	vadd.s32 v5, v48;
	[tilespmem:v24+s22+$0x0] =	vst.idx.msk $0xffff, v32  }
0x287: {  	v51 =	vadd.s32 v22, v33;
	v29 =	vadd.s32 v6, v50;
	v27 =	vld.idx.msk [tilespmem:v27+s18+$0x0], $0xffff  }
0x288: {  	v52 =	vadd.s32 v23, v33;
	v53 =	vshll.u32 v33, $0x7;
	v30 =	vadd.s32 v7, v51;
	v28 =	vld.idx.msk [tilespmem:v28+s18+$0x0], $0xffff  }
0x289: {  	v33 =	vor.u32 v0, v53;
	v31 =	vadd.s32 v8, v52;
	v25 =	vld.idx.msk [tilespmem:v45+s18+$0x0], $0xffff  }
0x28a: {  	v54 =	vor.u32 v9, v53;
	v26 =	vld.idx.msk [tilespmem:v47+s18+$0x0], $0xffff  }
0x28b: {  	v55 =	vor.u32 v10, v53;
	v24 =	vld.idx.msk [tilespmem:v49+s18+$0x0], $0xffff  }
0x28c: {  	v56 =	vor.u32 v11, v53;
	v29 =	vld.idx.msk [tilespmem:v29+s18+$0x0], $0xffff  }
0x28d: {  	s7 =	sadd.s32 $0xFFFFFFFB, s0;
	v57 =	vor.u32 v12, v53;
	v30 =	vld.idx.msk [tilespmem:v30+s18+$0x0], $0xffff  }
0x28e: {  	v59 =	vadd.s32 s7, v0;
	v58 =	vor.u32 v13, v53;
	v31 =	vld.idx.msk [tilespmem:v31+s18+$0x0], $0xffff;
	[tilespmem:v33+s22+$0x0] =	vst.idx.msk $0xffff, v27  }
0x28f: {  	v60 =	vor.u32 v14, v53;
	v33 =	vand.u32 $0x3F, v59;
	[tilespmem:v54+s22+$0x0] =	vst.idx.msk $0xffff, v28  }
0x290: {  	v61 =	vor.u32 v15, v53;
	v62 =	vadd.s32 v16, v33;
	[tilespmem:v55+s22+$0x0] =	vst.idx.msk $0xffff, v25  }
0x291: {  	v36 =	vadd.s32 v17, v33;
	v63 =	vadd.s32 v1, v62;
	[tilespmem:v56+s22+$0x0] =	vst.idx.msk $0xffff, v26  }
0x292: {  	v38 =	vadd.s32 v18, v33;
	v37 =	vadd.s32 v2, v36;
	[tilespmem:v57+s22+$0x0] =	vst.idx.msk $0xffff, v24  }
0x293: {  	v40 =	vadd.s32 v19, v33;
	v39 =	vadd.s32 v3, v38;
	[tilespmem:v58+s22+$0x0] =	vst.idx.msk $0xffff, v29  }
0x294: {  	v42 =	vadd.s32 v20, v33;
	v41 =	vadd.s32 v4, v40;
	[tilespmem:v60+s22+$0x0] =	vst.idx.msk $0xffff, v30  }
0x295: {  	v44 =	vadd.s32 v21, v33;
	v43 =	vadd.s32 v5, v42;
	[tilespmem:v61+s22+$0x0] =	vst.idx.msk $0xffff, v31  }
0x296: {  	v45 =	vadd.s32 v22, v33;
	v29 =	vadd.s32 v6, v44;
	v26 =	vld.idx.msk [tilespmem:v63+s18+$0x0], $0xffff  }
0x297: {  	v46 =	vadd.s32 v23, v33;
	v47 =	vshll.u32 v33, $0x7;
	v30 =	vadd.s32 v7, v45;
	v24 =	vld.idx.msk [tilespmem:v37+s18+$0x0], $0xffff  }
0x298: {  	v33 =	vor.u32 v0, v47;
	v31 =	vadd.s32 v8, v46;
	v27 =	vld.idx.msk [tilespmem:v39+s18+$0x0], $0xffff  }
0x299: {  	v48 =	vor.u32 v9, v47;
	v28 =	vld.idx.msk [tilespmem:v41+s18+$0x0], $0xffff  }
0x29a: {  	v49 =	vor.u32 v10, v47;
	v25 =	vld.idx.msk [tilespmem:v43+s18+$0x0], $0xffff  }
0x29b: {  	v50 =	vor.u32 v11, v47;
	v29 =	vld.idx.msk [tilespmem:v29+s18+$0x0], $0xffff  }
0x29c: {  	s6 =	sadd.s32 $0xFFFFFFFC, s0;
	v51 =	vor.u32 v12, v47;
	v30 =	vld.idx.msk [tilespmem:v30+s18+$0x0], $0xffff  }
0x29d: {  	v53 =	vadd.s32 s6, v0;
	v52 =	vor.u32 v13, v47;
	v31 =	vld.idx.msk [tilespmem:v31+s18+$0x0], $0xffff;
	[tilespmem:v33+s22+$0x0] =	vst.idx.msk $0xffff, v26  }
0x29e: {  	v54 =	vor.u32 v14, v47;
	v33 =	vand.u32 $0x3F, v53;
	[tilespmem:v48+s22+$0x0] =	vst.idx.msk $0xffff, v24  }
0x29f: {  	v55 =	vor.u32 v15, v47;
	v56 =	vadd.s32 v16, v33;
	[tilespmem:v49+s22+$0x0] =	vst.idx.msk $0xffff, v27  }
0x2a0: {  	v58 =	vadd.s32 v17, v33;
	v57 =	vadd.s32 v1, v56;
	[tilespmem:v50+s22+$0x0] =	vst.idx.msk $0xffff, v28  }
0x2a1: {  	v60 =	vadd.s32 v18, v33;
	v59 =	vadd.s32 v2, v58;
	[tilespmem:v51+s22+$0x0] =	vst.idx.msk $0xffff, v25  }
0x2a2: {  	v62 =	vadd.s32 v19, v33;
	v61 =	vadd.s32 v3, v60;
	[tilespmem:v52+s22+$0x0] =	vst.idx.msk $0xffff, v29  }
0x2a3: {  	v36 =	vadd.s32 v20, v33;
	v63 =	vadd.s32 v4, v62;
	[tilespmem:v54+s22+$0x0] =	vst.idx.msk $0xffff, v30  }
0x2a4: {  	v38 =	vadd.s32 v21, v33;
	v37 =	vadd.s32 v5, v36;
	[tilespmem:v55+s22+$0x0] =	vst.idx.msk $0xffff, v31  }
0x2a5: {  	v39 =	vadd.s32 v22, v33;
	v29 =	vadd.s32 v6, v38;
	v28 =	vld.idx.msk [tilespmem:v57+s18+$0x0], $0xffff  }
0x2a6: {  	v40 =	vadd.s32 v23, v33;
	v41 =	vshll.u32 v33, $0x7;
	v30 =	vadd.s32 v7, v39;
	v25 =	vld.idx.msk [tilespmem:v59+s18+$0x0], $0xffff  }
0x2a7: {  	v33 =	vor.u32 v0, v41;
	v31 =	vadd.s32 v8, v40;
	v26 =	vld.idx.msk [tilespmem:v61+s18+$0x0], $0xffff  }
0x2a8: {  	v42 =	vor.u32 v9, v41;
	v24 =	vld.idx.msk [tilespmem:v63+s18+$0x0], $0xffff  }
0x2a9: {  	v43 =	vor.u32 v10, v41;
	v27 =	vld.idx.msk [tilespmem:v37+s18+$0x0], $0xffff  }
0x2aa: {  	v44 =	vor.u32 v11, v41;
	v29 =	vld.idx.msk [tilespmem:v29+s18+$0x0], $0xffff  }
0x2ab: {  	s7 =	sadd.s32 $0xFFFFFFFD, s0;
	v45 =	vor.u32 v12, v41;
	v30 =	vld.idx.msk [tilespmem:v30+s18+$0x0], $0xffff  }
0x2ac: {  	v47 =	vadd.s32 s7, v0;
	v46 =	vor.u32 v13, v41;
	v31 =	vld.idx.msk [tilespmem:v31+s18+$0x0], $0xffff;
	[tilespmem:v33+s22+$0x0] =	vst.idx.msk $0xffff, v28  }
0x2ad: {  	v48 =	vor.u32 v14, v41;
	v33 =	vand.u32 $0x3F, v47;
	[tilespmem:v42+s22+$0x0] =	vst.idx.msk $0xffff, v25  }
0x2ae: {  	v49 =	vor.u32 v15, v41;
	v50 =	vadd.s32 v16, v33;
	[tilespmem:v43+s22+$0x0] =	vst.idx.msk $0xffff, v26  }
0x2af: {  	v52 =	vadd.s32 v17, v33;
	v51 =	vadd.s32 v1, v50;
	[tilespmem:v44+s22+$0x0] =	vst.idx.msk $0xffff, v24  }
0x2b0: {  	v54 =	vadd.s32 v18, v33;
	v53 =	vadd.s32 v2, v52;
	[tilespmem:v45+s22+$0x0] =	vst.idx.msk $0xffff, v27  }
0x2b1: {  	v56 =	vadd.s32 v19, v33;
	v55 =	vadd.s32 v3, v54;
	[tilespmem:v46+s22+$0x0] =	vst.idx.msk $0xffff, v29  }
0x2b2: {  	v58 =	vadd.s32 v20, v33;
	v57 =	vadd.s32 v4, v56;
	[tilespmem:v48+s22+$0x0] =	vst.idx.msk $0xffff, v30  }
0x2b3: {  	v60 =	vadd.s32 v21, v33;
	v59 =	vadd.s32 v5, v58;
	[tilespmem:v49+s22+$0x0] =	vst.idx.msk $0xffff, v31  }
0x2b4: {  	v61 =	vadd.s32 v22, v33;
	v29 =	vadd.s32 v6, v60;
	v24 =	vld.idx.msk [tilespmem:v51+s18+$0x0], $0xffff  }
0x2b5: {  	v62 =	vadd.s32 v23, v33;
	v63 =	vshll.u32 v33, $0x7;
	v30 =	vadd.s32 v7, v61;
	v27 =	vld.idx.msk [tilespmem:v53+s18+$0x0], $0xffff  }
0x2b6: {  	v33 =	vor.u32 v0, v63;
	v31 =	vadd.s32 v8, v62;
	v28 =	vld.idx.msk [tilespmem:v55+s18+$0x0], $0xffff  }
0x2b7: {  	v40 =	vor.u32 v9, v63;
	v25 =	vld.idx.msk [tilespmem:v57+s18+$0x0], $0xffff  }
0x2b8: {  	v41 =	vor.u32 v10, v63;
	v26 =	vld.idx.msk [tilespmem:v59+s18+$0x0], $0xffff  }
0x2b9: {  	v42 =	vor.u32 v11, v63;
	v29 =	vld.idx.msk [tilespmem:v29+s18+$0x0], $0xffff  }
0x2ba: {  	s6 =	sadd.s32 $0xFFFFFFFE, s0;
	v43 =	vor.u32 v12, v63;
	v30 =	vld.idx.msk [tilespmem:v30+s18+$0x0], $0xffff  }
0x2bb: {  	v44 =	vor.u32 v13, v63;
	v45 =	vadd.s32 s6, v0;
	v31 =	vld.idx.msk [tilespmem:v31+s18+$0x0], $0xffff;
	[tilespmem:v33+s22+$0x0] =	vst.idx.msk $0xffff, v24  }
0x2bc: {  	v46 =	vor.u32 v14, v63;
	v33 =	vand.u32 $0x3F, v45;
	[tilespmem:v40+s22+$0x0] =	vst.idx.msk $0xffff, v27  }
0x2bd: {  	v47 =	vor.u32 v15, v63;
	v48 =	vadd.s32 v16, v33;
	[tilespmem:v41+s22+$0x0] =	vst.idx.msk $0xffff, v28  }
0x2be: {  	v50 =	vadd.s32 v17, v33;
	v49 =	vadd.s32 v1, v48;
	[tilespmem:v42+s22+$0x0] =	vst.idx.msk $0xffff, v25  }
0x2bf: {  	v52 =	vadd.s32 v18, v33;
	v51 =	vadd.s32 v2, v50;
	[tilespmem:v43+s22+$0x0] =	vst.idx.msk $0xffff, v26  }
0x2c0: {  	v54 =	vadd.s32 v19, v33;
	v53 =	vadd.s32 v3, v52;
	[tilespmem:v44+s22+$0x0] =	vst.idx.msk $0xffff, v29  }
0x2c1: {  	v56 =	vadd.s32 v20, v33;
	v55 =	vadd.s32 v4, v54;
	[tilespmem:v46+s22+$0x0] =	vst.idx.msk $0xffff, v30  }
0x2c2: {  	v58 =	vadd.s32 v21, v33;
	v57 =	vadd.s32 v5, v56;
	[tilespmem:v47+s22+$0x0] =	vst.idx.msk $0xffff, v31  }
0x2c3: {  	v59 =	vadd.s32 v22, v33;
	v29 =	vadd.s32 v6, v58;
	v25 =	vld.idx.msk [tilespmem:v49+s18+$0x0], $0xffff  }
0x2c4: {  	v60 =	vadd.s32 v23, v33;
	v61 =	vshll.u32 v33, $0x7;
	v30 =	vadd.s32 v7, v59;
	v26 =	vld.idx.msk [tilespmem:v51+s18+$0x0], $0xffff  }
0x2c5: {  	v33 =	vor.u32 v0, v61;
	v31 =	vadd.s32 v8, v60;
	v24 =	vld.idx.msk [tilespmem:v53+s18+$0x0], $0xffff  }
0x2c6: {  	v62 =	vor.u32 v9, v61;
	v27 =	vld.idx.msk [tilespmem:v55+s18+$0x0], $0xffff  }
0x2c7: {  	v63 =	vor.u32 v10, v61;
	v28 =	vld.idx.msk [tilespmem:v57+s18+$0x0], $0xffff  }
0x2c8: {  	v40 =	vor.u32 v11, v61;
	v29 =	vld.idx.msk [tilespmem:v29+s18+$0x0], $0xffff  }
0x2c9: {  	s7 =	sadd.s32 $0xFFFFFFFF, s0;
	v41 =	vor.u32 v12, v61;
	v30 =	vld.idx.msk [tilespmem:v30+s18+$0x0], $0xffff  }
0x2ca: {  	v42 =	vor.u32 v13, v61;
	v43 =	vadd.s32 s7, v0;
	v31 =	vld.idx.msk [tilespmem:v31+s18+$0x0], $0xffff;
	[tilespmem:v33+s22+$0x0] =	vst.idx.msk $0xffff, v25  }
0x2cb: {  	v44 =	vor.u32 v14, v61;
	v33 =	vand.u32 $0x3F, v43;
	[tilespmem:v62+s22+$0x0] =	vst.idx.msk $0xffff, v26  }
0x2cc: {  	v45 =	vor.u32 v15, v61;
	v46 =	vadd.s32 v16, v33;
	[tilespmem:v63+s22+$0x0] =	vst.idx.msk $0xffff, v24  }
0x2cd: {  	v48 =	vadd.s32 v17, v33;
	v47 =	vadd.s32 v1, v46;
	[tilespmem:v40+s22+$0x0] =	vst.idx.msk $0xffff, v27  }
0x2ce: {  	v50 =	vadd.s32 v18, v33;
	v49 =	vadd.s32 v2, v48;
	[tilespmem:v41+s22+$0x0] =	vst.idx.msk $0xffff, v28  }
0x2cf: {  	v52 =	vadd.s32 v19, v33;
	v51 =	vadd.s32 v3, v50;
	[tilespmem:v42+s22+$0x0] =	vst.idx.msk $0xffff, v29  }
0x2d0: {  	v54 =	vadd.s32 v20, v33;
	v53 =	vadd.s32 v4, v52;
	[tilespmem:v44+s22+$0x0] =	vst.idx.msk $0xffff, v30  }
0x2d1: {  	v56 =	vadd.s32 v21, v33;
	v55 =	vadd.s32 v5, v54;
	[tilespmem:v45+s22+$0x0] =	vst.idx.msk $0xffff, v31  }
0x2d2: {  	v57 =	vadd.s32 v22, v33;
	v29 =	vadd.s32 v6, v56;
	v27 =	vld.idx.msk [tilespmem:v47+s18+$0x0], $0xffff  }
0x2d3: {  	v58 =	vadd.s32 v23, v33;
	v59 =	vshll.u32 v33, $0x7;
	v30 =	vadd.s32 v7, v57;
	v28 =	vld.idx.msk [tilespmem:v49+s18+$0x0], $0xffff  }
0x2d4: {  	v33 =	vor.u32 v0, v59;
	v31 =	vadd.s32 v8, v58;
	v25 =	vld.idx.msk [tilespmem:v51+s18+$0x0], $0xffff  }
0x2d5: {  	v60 =	vor.u32 v9, v59;
	v26 =	vld.idx.msk [tilespmem:v53+s18+$0x0], $0xffff  }
0x2d6: {  	v61 =	vor.u32 v10, v59;
	v24 =	vld.idx.msk [tilespmem:v55+s18+$0x0], $0xffff  }
0x2d7: {  	v62 =	vor.u32 v11, v59;
	v29 =	vld.idx.msk [tilespmem:v29+s18+$0x0], $0xffff  }
0x2d8: {  	v63 =	vor.u32 v12, v59;
	v30 =	vld.idx.msk [tilespmem:v30+s18+$0x0], $0xffff  }
0x2d9: {  	v39 =	vor.u32 v13, v59;
	v40 =	vadd.s32 s0, v0;
	v31 =	vld.idx.msk [tilespmem:v31+s18+$0x0], $0xffff;
	[tilespmem:v33+s22+$0x0] =	vst.idx.msk $0xffff, v27  }
0x2da: {  	v41 =	vor.u32 v14, v59;
	v33 =	vand.u32 $0x3F, v40;
	[tilespmem:v60+s22+$0x0] =	vst.idx.msk $0xffff, v28  }
0x2db: {  	v42 =	vor.u32 v15, v59;
	v43 =	vadd.s32 v16, v33;
	[tilespmem:v61+s22+$0x0] =	vst.idx.msk $0xffff, v25  }
0x2dc: {  	v45 =	vadd.s32 v17, v33;
	v44 =	vadd.s32 v1, v43;
	[tilespmem:v62+s22+$0x0] =	vst.idx.msk $0xffff, v26  }
0x2dd: {  	v47 =	vadd.s32 v18, v33;
	v46 =	vadd.s32 v2, v45;
	[tilespmem:v63+s22+$0x0] =	vst.idx.msk $0xffff, v24  }
0x2de: {  	v49 =	vadd.s32 v19, v33;
	v48 =	vadd.s32 v3, v47;
	[tilespmem:v39+s22+$0x0] =	vst.idx.msk $0xffff, v29  }
0x2df: {  	v51 =	vadd.s32 v20, v33;
	v50 =	vadd.s32 v4, v49;
	[tilespmem:v41+s22+$0x0] =	vst.idx.msk $0xffff, v30  }
0x2e0: {  	v53 =	vadd.s32 v21, v33;
	v52 =	vadd.s32 v5, v51;
	[tilespmem:v42+s22+$0x0] =	vst.idx.msk $0xffff, v31  }
0x2e1: {  	v54 =	vadd.s32 v22, v33;
	v29 =	vadd.s32 v6, v53;
	v26 =	vld.idx.msk [tilespmem:v44+s18+$0x0], $0xffff  }
0x2e2: {  	v55 =	vadd.s32 v23, v33;
	v56 =	vshll.u32 v33, $0x7;
	v30 =	vadd.s32 v7, v54;
	v24 =	vld.idx.msk [tilespmem:v46+s18+$0x0], $0xffff  }
0x2e3: {  	v33 =	vor.u32 v0, v56;
	v31 =	vadd.s32 v8, v55;
	v27 =	vld.idx.msk [tilespmem:v48+s18+$0x0], $0xffff  }
0x2e4: {  	v57 =	vor.u32 v9, v56;
	v28 =	vld.idx.msk [tilespmem:v50+s18+$0x0], $0xffff  }
0x2e5: {  	v58 =	vor.u32 v10, v56;
	v25 =	vld.idx.msk [tilespmem:v52+s18+$0x0], $0xffff  }
0x2e6: {  	v59 =	vor.u32 v11, v56;
	v29 =	vld.idx.msk [tilespmem:v29+s18+$0x0], $0xffff  }
0x2e7: {  	v60 =	vor.u32 v12, v56;
	v30 =	vld.idx.msk [tilespmem:v30+s18+$0x0], $0xffff  }
0x2e8: {  	v61 =	vor.u32 v13, v56;
	v31 =	vld.idx.msk [tilespmem:v31+s18+$0x0], $0xffff;
	[tilespmem:v33+s22+$0x0] =	vst.idx.msk $0xffff, v26  }
0x2e9: {  	v62 =	vor.u32 v14, v56;
	[tilespmem:v57+s22+$0x0] =	vst.idx.msk $0xffff, v24  }
0x2ea: {  	p1 =	sne.s32 s0, $0x3F;
	v63 =	vor.u32 v15, v56;
	[tilespmem:v58+s22+$0x0] =	vst.idx.msk $0xffff, v27  }
.Ltmp10:
0x2eb: {  	[tilespmem:v59+s22+$0x0] =	vst.idx.msk $0xffff, v28;
	(pc) =	sbr.rel @p1 .LBB2_19-.Ltmp10, $4  }
0x2ec: {  	[tilespmem:v60+s22+$0x0] =	vst.idx.msk $0xffff, v25  }
0x2ed: {  	[tilespmem:v61+s22+$0x0] =	vst.idx.msk $0xffff, v29  }
0x2ee: {  	[tilespmem:v62+s22+$0x0] =	vst.idx.msk $0xffff, v30  }
0x2ef: {  	s0 =	sadd.s32 $0x8, s0;
	[tilespmem:v63+s22+$0x0] =	vst.idx.msk $0xffff, v31  }
0x2f0: {  	s0 =	smulhi.u32 $0x51EB851F, s31;
	_ =	sdelay $0x1  }
0x2f1: {  	s17 =	sshrl.u32 s0, $0x3  }
0x2f2: {  	s0 =	smul.u32 $0xFFFFFFCE, s17;
	_ =	sdelay $0x1  }
0x2f3: {  	s17 =	sshll.u32 s17, $0xA;
	s6 =	sadd.s32 s5, s0  }
0x2f4: {  	s17 =	sadd.s32 s13, s17;
	s6 =	sshll.u32 s6, $0x14  }
0x2f5: {  	s6 =	sadd.s32 s17, s6  }
0x2f6: {  	s6 =	sshrl.u32 s6, $0x3  }
0x2f7: {  	p1 =	seq.s32 s31, $0x63;
	s6 =	sadd.s32 s2, s6  }
0x2f8: {  	[hbm4b:s6+s23] =	stream.strided.scatter [tilespmem:s22], [sflag:$0x3], $0x2000, s24, s23, $0x38;
	[tilespmem:$0x1A800] =	vst v63  }
0x2f9: {  	s6 =	sshrl.u32 @!p1 s19, $0x2  }
0x2fa: {  	s7 =	simm.s32 @!p1 $0xE800;
	s19 =	simm.s32 @!p1 $0x80;
	s6 =	sadd.s32 @!p1 $0x2100, s6  }
0x2fb: {  	[tilespmem:s7], [sflag:$0x1] =	stream.indirect.gather @!p1 [hbm4b:s4+s19], $0x80, s6, s19, $0xb8;
	[tilespmem:$0x1A800] =	vst v63  }
0x2fc: {  	_ =	swait.ge [sflag:s25], $0x4000  }
0x2fd: {  	[sflag:s25] =	ssyncset.done $0x0  }
0x2fe: {  	s6 =	simm.s32 @!p0 $0x4;
	[sflag:s25] =	ssyncadd.s32 $0xFFFFC000  }
0x2ff: {  	s5 =	sor.u32 $0x1, s5;
	_ =	swait.ge @!p0 [sflag:s6], $0x2000  }
0x300: {  	s19 =	sshll.u32 s5, $0x7;
	[sflag:s6] =	ssyncset.done @!p0 $0x0  }
0x301: {  	s19 =	sand.u32 $0x3FFFFF80, s19;
	[sflag:s6] =	ssyncadd.s32 @!p0 $0xFFFFE000  }
0x302: {  	v16 =	vld [tilespmem:s19+$0x8400]  }
0x303: {  	v17 =	vld [tilespmem:s19+$0x8410]  }
0x304: {  	v18 =	vld [tilespmem:s19+$0x8420]  }
0x305: {  	v19 =	vld [tilespmem:s19+$0x8430]  }
0x306: {  	v20 =	vld [tilespmem:s19+$0x8440]  }
0x307: {  	v21 =	vld [tilespmem:s19+$0x8450]  }
0x308: {  	v22 =	vld [tilespmem:s19+$0x8460]  }
0x309: {  	v23 =	vld [tilespmem:s19+$0x8470];
	s19 =	simm.s32 $0x7  }
.LBB2_21:
0x30a: {  	s6 =	sadd.s32 $0xFFFFFFF9, s19  }
0x30b: {  	v24 =	vadd.s32 s6, v0  }
0x30c: {  	v24 =	vand.u32 $0x3F, v24  }
0x30d: {  	v25 =	vadd.s32 v16, v24  }
0x30e: {  	v26 =	vadd.s32 v17, v24;
	v25 =	vadd.s32 v1, v25  }
0x30f: {  	v27 =	vadd.s32 v18, v24;
	v26 =	vadd.s32 v2, v26  }
0x310: {  	v28 =	vadd.s32 v19, v24;
	v27 =	vadd.s32 v3, v27  }
0x311: {  	v29 =	vadd.s32 v20, v24;
	v28 =	vadd.s32 v4, v28  }
0x312: {  	v30 =	vadd.s32 v21, v24;
	v29 =	vadd.s32 v5, v29  }
0x313: {  	v31 =	vadd.s32 v22, v24;
	v30 =	vadd.s32 v6, v30;
	v25 =	vld.idx.msk [tilespmem:v25+s20+$0x0], $0xffff  }
0x314: {  	v32 =	vadd.s32 v23, v24;
	v24 =	vshll.u32 v24, $0x7;
	v31 =	vadd.s32 v7, v31;
	v26 =	vld.idx.msk [tilespmem:v26+s20+$0x0], $0xffff  }
0x315: {  	v32 =	vadd.s32 v8, v32;
	v33 =	vor.u32 v0, v24;
	v27 =	vld.idx.msk [tilespmem:v27+s20+$0x0], $0xffff  }
0x316: {  	v34 =	vor.u32 v9, v24;
	v28 =	vld.idx.msk [tilespmem:v28+s20+$0x0], $0xffff  }
0x317: {  	v35 =	vor.u32 v10, v24;
	v29 =	vld.idx.msk [tilespmem:v29+s20+$0x0], $0xffff  }
0x318: {  	v36 =	vor.u32 v11, v24;
	v30 =	vld.idx.msk [tilespmem:v30+s20+$0x0], $0xffff  }
0x319: {  	s7 =	sadd.s32 $0xFFFFFFFA, s19;
	v37 =	vor.u32 v12, v24;
	v31 =	vld.idx.msk [tilespmem:v31+s20+$0x0], $0xffff  }
0x31a: {  	v40 =	vadd.s32 s7, v0;
	v39 =	vor.u32 v13, v24;
	v32 =	vld.idx.msk [tilespmem:v32+s20+$0x0], $0xffff;
	[tilespmem:v33+s26+$0x0] =	vst.idx.msk $0xffff, v25  }
0x31b: {  	v41 =	vor.u32 v14, v24;
	v33 =	vand.u32 $0x3F, v40;
	[tilespmem:v34+s26+$0x0] =	vst.idx.msk $0xffff, v26  }
0x31c: {  	v24 =	vor.u32 v15, v24;
	v42 =	vadd.s32 v16, v33;
	[tilespmem:v35+s26+$0x0] =	vst.idx.msk $0xffff, v27  }
0x31d: {  	v43 =	vadd.s32 v17, v33;
	v27 =	vadd.s32 v1, v42;
	[tilespmem:v36+s26+$0x0] =	vst.idx.msk $0xffff, v28  }
0x31e: {  	v44 =	vadd.s32 v18, v33;
	v28 =	vadd.s32 v2, v43;
	[tilespmem:v37+s26+$0x0] =	vst.idx.msk $0xffff, v29  }
0x31f: {  	v46 =	vadd.s32 v19, v33;
	v45 =	vadd.s32 v3, v44;
	[tilespmem:v39+s26+$0x0] =	vst.idx.msk $0xffff, v30  }
0x320: {  	v48 =	vadd.s32 v20, v33;
	v47 =	vadd.s32 v4, v46;
	[tilespmem:v41+s26+$0x0] =	vst.idx.msk $0xffff, v31  }
0x321: {  	v50 =	vadd.s32 v21, v33;
	v49 =	vadd.s32 v5, v48;
	[tilespmem:v24+s26+$0x0] =	vst.idx.msk $0xffff, v32  }
0x322: {  	v51 =	vadd.s32 v22, v33;
	v29 =	vadd.s32 v6, v50;
	v27 =	vld.idx.msk [tilespmem:v27+s20+$0x0], $0xffff  }
0x323: {  	v52 =	vadd.s32 v23, v33;
	v53 =	vshll.u32 v33, $0x7;
	v30 =	vadd.s32 v7, v51;
	v28 =	vld.idx.msk [tilespmem:v28+s20+$0x0], $0xffff  }
0x324: {  	v33 =	vor.u32 v0, v53;
	v31 =	vadd.s32 v8, v52;
	v25 =	vld.idx.msk [tilespmem:v45+s20+$0x0], $0xffff  }
0x325: {  	v54 =	vor.u32 v9, v53;
	v26 =	vld.idx.msk [tilespmem:v47+s20+$0x0], $0xffff  }
0x326: {  	v55 =	vor.u32 v10, v53;
	v24 =	vld.idx.msk [tilespmem:v49+s20+$0x0], $0xffff  }
0x327: {  	v56 =	vor.u32 v11, v53;
	v29 =	vld.idx.msk [tilespmem:v29+s20+$0x0], $0xffff  }
0x328: {  	s7 =	sadd.s32 $0xFFFFFFFB, s19;
	v57 =	vor.u32 v12, v53;
	v30 =	vld.idx.msk [tilespmem:v30+s20+$0x0], $0xffff  }
0x329: {  	v59 =	vadd.s32 s7, v0;
	v58 =	vor.u32 v13, v53;
	v31 =	vld.idx.msk [tilespmem:v31+s20+$0x0], $0xffff;
	[tilespmem:v33+s26+$0x0] =	vst.idx.msk $0xffff, v27  }
0x32a: {  	v60 =	vor.u32 v14, v53;
	v33 =	vand.u32 $0x3F, v59;
	[tilespmem:v54+s26+$0x0] =	vst.idx.msk $0xffff, v28  }
0x32b: {  	v61 =	vor.u32 v15, v53;
	v62 =	vadd.s32 v16, v33;
	[tilespmem:v55+s26+$0x0] =	vst.idx.msk $0xffff, v25  }
0x32c: {  	v36 =	vadd.s32 v17, v33;
	v63 =	vadd.s32 v1, v62;
	[tilespmem:v56+s26+$0x0] =	vst.idx.msk $0xffff, v26  }
0x32d: {  	v38 =	vadd.s32 v18, v33;
	v37 =	vadd.s32 v2, v36;
	[tilespmem:v57+s26+$0x0] =	vst.idx.msk $0xffff, v24  }
0x32e: {  	v40 =	vadd.s32 v19, v33;
	v39 =	vadd.s32 v3, v38;
	[tilespmem:v58+s26+$0x0] =	vst.idx.msk $0xffff, v29  }
0x32f: {  	v42 =	vadd.s32 v20, v33;
	v41 =	vadd.s32 v4, v40;
	[tilespmem:v60+s26+$0x0] =	vst.idx.msk $0xffff, v30  }
0x330: {  	v44 =	vadd.s32 v21, v33;
	v43 =	vadd.s32 v5, v42;
	[tilespmem:v61+s26+$0x0] =	vst.idx.msk $0xffff, v31  }
0x331: {  	v45 =	vadd.s32 v22, v33;
	v29 =	vadd.s32 v6, v44;
	v26 =	vld.idx.msk [tilespmem:v63+s20+$0x0], $0xffff  }
0x332: {  	v46 =	vadd.s32 v23, v33;
	v47 =	vshll.u32 v33, $0x7;
	v30 =	vadd.s32 v7, v45;
	v24 =	vld.idx.msk [tilespmem:v37+s20+$0x0], $0xffff  }
0x333: {  	v33 =	vor.u32 v0, v47;
	v31 =	vadd.s32 v8, v46;
	v27 =	vld.idx.msk [tilespmem:v39+s20+$0x0], $0xffff  }
0x334: {  	v48 =	vor.u32 v9, v47;
	v28 =	vld.idx.msk [tilespmem:v41+s20+$0x0], $0xffff  }
0x335: {  	v49 =	vor.u32 v10, v47;
	v25 =	vld.idx.msk [tilespmem:v43+s20+$0x0], $0xffff  }
0x336: {  	v50 =	vor.u32 v11, v47;
	v29 =	vld.idx.msk [tilespmem:v29+s20+$0x0], $0xffff  }
0x337: {  	s7 =	sadd.s32 $0xFFFFFFFC, s19;
	v51 =	vor.u32 v12, v47;
	v30 =	vld.idx.msk [tilespmem:v30+s20+$0x0], $0xffff  }
0x338: {  	v53 =	vadd.s32 s7, v0;
	v52 =	vor.u32 v13, v47;
	v31 =	vld.idx.msk [tilespmem:v31+s20+$0x0], $0xffff;
	[tilespmem:v33+s26+$0x0] =	vst.idx.msk $0xffff, v26  }
0x339: {  	v54 =	vor.u32 v14, v47;
	v33 =	vand.u32 $0x3F, v53;
	[tilespmem:v48+s26+$0x0] =	vst.idx.msk $0xffff, v24  }
0x33a: {  	v55 =	vor.u32 v15, v47;
	v56 =	vadd.s32 v16, v33;
	[tilespmem:v49+s26+$0x0] =	vst.idx.msk $0xffff, v27  }
0x33b: {  	v58 =	vadd.s32 v17, v33;
	v57 =	vadd.s32 v1, v56;
	[tilespmem:v50+s26+$0x0] =	vst.idx.msk $0xffff, v28  }
0x33c: {  	v60 =	vadd.s32 v18, v33;
	v59 =	vadd.s32 v2, v58;
	[tilespmem:v51+s26+$0x0] =	vst.idx.msk $0xffff, v25  }
0x33d: {  	v62 =	vadd.s32 v19, v33;
	v61 =	vadd.s32 v3, v60;
	[tilespmem:v52+s26+$0x0] =	vst.idx.msk $0xffff, v29  }
0x33e: {  	v36 =	vadd.s32 v20, v33;
	v63 =	vadd.s32 v4, v62;
	[tilespmem:v54+s26+$0x0] =	vst.idx.msk $0xffff, v30  }
0x33f: {  	v38 =	vadd.s32 v21, v33;
	v37 =	vadd.s32 v5, v36;
	[tilespmem:v55+s26+$0x0] =	vst.idx.msk $0xffff, v31  }
0x340: {  	v39 =	vadd.s32 v22, v33;
	v29 =	vadd.s32 v6, v38;
	v28 =	vld.idx.msk [tilespmem:v57+s20+$0x0], $0xffff  }
0x341: {  	v40 =	vadd.s32 v23, v33;
	v41 =	vshll.u32 v33, $0x7;
	v30 =	vadd.s32 v7, v39;
	v25 =	vld.idx.msk [tilespmem:v59+s20+$0x0], $0xffff  }
0x342: {  	v33 =	vor.u32 v0, v41;
	v31 =	vadd.s32 v8, v40;
	v26 =	vld.idx.msk [tilespmem:v61+s20+$0x0], $0xffff  }
0x343: {  	v42 =	vor.u32 v9, v41;
	v24 =	vld.idx.msk [tilespmem:v63+s20+$0x0], $0xffff  }
0x344: {  	v43 =	vor.u32 v10, v41;
	v27 =	vld.idx.msk [tilespmem:v37+s20+$0x0], $0xffff  }
0x345: {  	v44 =	vor.u32 v11, v41;
	v29 =	vld.idx.msk [tilespmem:v29+s20+$0x0], $0xffff  }
0x346: {  	s7 =	sadd.s32 $0xFFFFFFFD, s19;
	v45 =	vor.u32 v12, v41;
	v30 =	vld.idx.msk [tilespmem:v30+s20+$0x0], $0xffff  }
0x347: {  	v47 =	vadd.s32 s7, v0;
	v46 =	vor.u32 v13, v41;
	v31 =	vld.idx.msk [tilespmem:v31+s20+$0x0], $0xffff;
	[tilespmem:v33+s26+$0x0] =	vst.idx.msk $0xffff, v28  }
0x348: {  	v48 =	vor.u32 v14, v41;
	v33 =	vand.u32 $0x3F, v47;
	[tilespmem:v42+s26+$0x0] =	vst.idx.msk $0xffff, v25  }
0x349: {  	v49 =	vor.u32 v15, v41;
	v50 =	vadd.s32 v16, v33;
	[tilespmem:v43+s26+$0x0] =	vst.idx.msk $0xffff, v26  }
0x34a: {  	v52 =	vadd.s32 v17, v33;
	v51 =	vadd.s32 v1, v50;
	[tilespmem:v44+s26+$0x0] =	vst.idx.msk $0xffff, v24  }
0x34b: {  	v54 =	vadd.s32 v18, v33;
	v53 =	vadd.s32 v2, v52;
	[tilespmem:v45+s26+$0x0] =	vst.idx.msk $0xffff, v27  }
0x34c: {  	v56 =	vadd.s32 v19, v33;
	v55 =	vadd.s32 v3, v54;
	[tilespmem:v46+s26+$0x0] =	vst.idx.msk $0xffff, v29  }
0x34d: {  	v58 =	vadd.s32 v20, v33;
	v57 =	vadd.s32 v4, v56;
	[tilespmem:v48+s26+$0x0] =	vst.idx.msk $0xffff, v30  }
0x34e: {  	v60 =	vadd.s32 v21, v33;
	v59 =	vadd.s32 v5, v58;
	[tilespmem:v49+s26+$0x0] =	vst.idx.msk $0xffff, v31  }
0x34f: {  	v61 =	vadd.s32 v22, v33;
	v29 =	vadd.s32 v6, v60;
	v24 =	vld.idx.msk [tilespmem:v51+s20+$0x0], $0xffff  }
0x350: {  	v62 =	vadd.s32 v23, v33;
	v63 =	vshll.u32 v33, $0x7;
	v30 =	vadd.s32 v7, v61;
	v27 =	vld.idx.msk [tilespmem:v53+s20+$0x0], $0xffff  }
0x351: {  	v33 =	vor.u32 v0, v63;
	v31 =	vadd.s32 v8, v62;
	v28 =	vld.idx.msk [tilespmem:v55+s20+$0x0], $0xffff  }
0x352: {  	v40 =	vor.u32 v9, v63;
	v25 =	vld.idx.msk [tilespmem:v57+s20+$0x0], $0xffff  }
0x353: {  	v41 =	vor.u32 v10, v63;
	v26 =	vld.idx.msk [tilespmem:v59+s20+$0x0], $0xffff  }
0x354: {  	v42 =	vor.u32 v11, v63;
	v29 =	vld.idx.msk [tilespmem:v29+s20+$0x0], $0xffff  }
0x355: {  	s7 =	sadd.s32 $0xFFFFFFFE, s19;
	v43 =	vor.u32 v12, v63;
	v30 =	vld.idx.msk [tilespmem:v30+s20+$0x0], $0xffff  }
0x356: {  	v44 =	vor.u32 v13, v63;
	v45 =	vadd.s32 s7, v0;
	v31 =	vld.idx.msk [tilespmem:v31+s20+$0x0], $0xffff;
	[tilespmem:v33+s26+$0x0] =	vst.idx.msk $0xffff, v24  }
0x357: {  	v46 =	vor.u32 v14, v63;
	v33 =	vand.u32 $0x3F, v45;
	[tilespmem:v40+s26+$0x0] =	vst.idx.msk $0xffff, v27  }
0x358: {  	v47 =	vor.u32 v15, v63;
	v48 =	vadd.s32 v16, v33;
	[tilespmem:v41+s26+$0x0] =	vst.idx.msk $0xffff, v28  }
0x359: {  	v50 =	vadd.s32 v17, v33;
	v49 =	vadd.s32 v1, v48;
	[tilespmem:v42+s26+$0x0] =	vst.idx.msk $0xffff, v25  }
0x35a: {  	v52 =	vadd.s32 v18, v33;
	v51 =	vadd.s32 v2, v50;
	[tilespmem:v43+s26+$0x0] =	vst.idx.msk $0xffff, v26  }
0x35b: {  	v54 =	vadd.s32 v19, v33;
	v53 =	vadd.s32 v3, v52;
	[tilespmem:v44+s26+$0x0] =	vst.idx.msk $0xffff, v29  }
0x35c: {  	v56 =	vadd.s32 v20, v33;
	v55 =	vadd.s32 v4, v54;
	[tilespmem:v46+s26+$0x0] =	vst.idx.msk $0xffff, v30  }
0x35d: {  	v58 =	vadd.s32 v21, v33;
	v57 =	vadd.s32 v5, v56;
	[tilespmem:v47+s26+$0x0] =	vst.idx.msk $0xffff, v31  }
0x35e: {  	v59 =	vadd.s32 v22, v33;
	v29 =	vadd.s32 v6, v58;
	v25 =	vld.idx.msk [tilespmem:v49+s20+$0x0], $0xffff  }
0x35f: {  	v60 =	vadd.s32 v23, v33;
	v61 =	vshll.u32 v33, $0x7;
	v30 =	vadd.s32 v7, v59;
	v26 =	vld.idx.msk [tilespmem:v51+s20+$0x0], $0xffff  }
0x360: {  	v33 =	vor.u32 v0, v61;
	v31 =	vadd.s32 v8, v60;
	v24 =	vld.idx.msk [tilespmem:v53+s20+$0x0], $0xffff  }
0x361: {  	v62 =	vor.u32 v9, v61;
	v27 =	vld.idx.msk [tilespmem:v55+s20+$0x0], $0xffff  }
0x362: {  	v63 =	vor.u32 v10, v61;
	v28 =	vld.idx.msk [tilespmem:v57+s20+$0x0], $0xffff  }
0x363: {  	v40 =	vor.u32 v11, v61;
	v29 =	vld.idx.msk [tilespmem:v29+s20+$0x0], $0xffff  }
0x364: {  	s7 =	sadd.s32 $0xFFFFFFFF, s19;
	v41 =	vor.u32 v12, v61;
	v30 =	vld.idx.msk [tilespmem:v30+s20+$0x0], $0xffff  }
0x365: {  	v42 =	vor.u32 v13, v61;
	v43 =	vadd.s32 s7, v0;
	v31 =	vld.idx.msk [tilespmem:v31+s20+$0x0], $0xffff;
	[tilespmem:v33+s26+$0x0] =	vst.idx.msk $0xffff, v25  }
0x366: {  	v44 =	vor.u32 v14, v61;
	v33 =	vand.u32 $0x3F, v43;
	[tilespmem:v62+s26+$0x0] =	vst.idx.msk $0xffff, v26  }
0x367: {  	v45 =	vor.u32 v15, v61;
	v46 =	vadd.s32 v16, v33;
	[tilespmem:v63+s26+$0x0] =	vst.idx.msk $0xffff, v24  }
0x368: {  	v48 =	vadd.s32 v17, v33;
	v47 =	vadd.s32 v1, v46;
	[tilespmem:v40+s26+$0x0] =	vst.idx.msk $0xffff, v27  }
0x369: {  	v50 =	vadd.s32 v18, v33;
	v49 =	vadd.s32 v2, v48;
	[tilespmem:v41+s26+$0x0] =	vst.idx.msk $0xffff, v28  }
0x36a: {  	v52 =	vadd.s32 v19, v33;
	v51 =	vadd.s32 v3, v50;
	[tilespmem:v42+s26+$0x0] =	vst.idx.msk $0xffff, v29  }
0x36b: {  	v54 =	vadd.s32 v20, v33;
	v53 =	vadd.s32 v4, v52;
	[tilespmem:v44+s26+$0x0] =	vst.idx.msk $0xffff, v30  }
0x36c: {  	v56 =	vadd.s32 v21, v33;
	v55 =	vadd.s32 v5, v54;
	[tilespmem:v45+s26+$0x0] =	vst.idx.msk $0xffff, v31  }
0x36d: {  	v57 =	vadd.s32 v22, v33;
	v29 =	vadd.s32 v6, v56;
	v27 =	vld.idx.msk [tilespmem:v47+s20+$0x0], $0xffff  }
0x36e: {  	v58 =	vadd.s32 v23, v33;
	v59 =	vshll.u32 v33, $0x7;
	v30 =	vadd.s32 v7, v57;
	v28 =	vld.idx.msk [tilespmem:v49+s20+$0x0], $0xffff  }
0x36f: {  	v33 =	vor.u32 v0, v59;
	v31 =	vadd.s32 v8, v58;
	v25 =	vld.idx.msk [tilespmem:v51+s20+$0x0], $0xffff  }
0x370: {  	v60 =	vor.u32 v9, v59;
	v26 =	vld.idx.msk [tilespmem:v53+s20+$0x0], $0xffff  }
0x371: {  	v61 =	vor.u32 v10, v59;
	v24 =	vld.idx.msk [tilespmem:v55+s20+$0x0], $0xffff  }
0x372: {  	v62 =	vor.u32 v11, v59;
	v29 =	vld.idx.msk [tilespmem:v29+s20+$0x0], $0xffff  }
0x373: {  	v63 =	vor.u32 v12, v59;
	v30 =	vld.idx.msk [tilespmem:v30+s20+$0x0], $0xffff  }
0x374: {  	v39 =	vor.u32 v13, v59;
	v40 =	vadd.s32 s19, v0;
	v31 =	vld.idx.msk [tilespmem:v31+s20+$0x0], $0xffff;
	[tilespmem:v33+s26+$0x0] =	vst.idx.msk $0xffff, v27  }
0x375: {  	v41 =	vor.u32 v14, v59;
	v33 =	vand.u32 $0x3F, v40;
	[tilespmem:v60+s26+$0x0] =	vst.idx.msk $0xffff, v28  }
0x376: {  	v42 =	vor.u32 v15, v59;
	v43 =	vadd.s32 v16, v33;
	[tilespmem:v61+s26+$0x0] =	vst.idx.msk $0xffff, v25  }
0x377: {  	v45 =	vadd.s32 v17, v33;
	v44 =	vadd.s32 v1, v43;
	[tilespmem:v62+s26+$0x0] =	vst.idx.msk $0xffff, v26  }
0x378: {  	v47 =	vadd.s32 v18, v33;
	v46 =	vadd.s32 v2, v45;
	[tilespmem:v63+s26+$0x0] =	vst.idx.msk $0xffff, v24  }
0x379: {  	v49 =	vadd.s32 v19, v33;
	v48 =	vadd.s32 v3, v47;
	[tilespmem:v39+s26+$0x0] =	vst.idx.msk $0xffff, v29  }
0x37a: {  	v51 =	vadd.s32 v20, v33;
	v50 =	vadd.s32 v4, v49;
	[tilespmem:v41+s26+$0x0] =	vst.idx.msk $0xffff, v30  }
0x37b: {  	v53 =	vadd.s32 v21, v33;
	v52 =	vadd.s32 v5, v51;
	[tilespmem:v42+s26+$0x0] =	vst.idx.msk $0xffff, v31  }
0x37c: {  	v54 =	vadd.s32 v22, v33;
	v29 =	vadd.s32 v6, v53;
	v26 =	vld.idx.msk [tilespmem:v44+s20+$0x0], $0xffff  }
0x37d: {  	v55 =	vadd.s32 v23, v33;
	v56 =	vshll.u32 v33, $0x7;
	v30 =	vadd.s32 v7, v54;
	v24 =	vld.idx.msk [tilespmem:v46+s20+$0x0], $0xffff  }
0x37e: {  	v33 =	vor.u32 v0, v56;
	v31 =	vadd.s32 v8, v55;
	v27 =	vld.idx.msk [tilespmem:v48+s20+$0x0], $0xffff  }
0x37f: {  	v57 =	vor.u32 v9, v56;
	v28 =	vld.idx.msk [tilespmem:v50+s20+$0x0], $0xffff  }
0x380: {  	v58 =	vor.u32 v10, v56;
	v25 =	vld.idx.msk [tilespmem:v52+s20+$0x0], $0xffff  }
0x381: {  	v59 =	vor.u32 v11, v56;
	v29 =	vld.idx.msk [tilespmem:v29+s20+$0x0], $0xffff  }
0x382: {  	v60 =	vor.u32 v12, v56;
	v30 =	vld.idx.msk [tilespmem:v30+s20+$0x0], $0xffff  }
0x383: {  	v61 =	vor.u32 v13, v56;
	v31 =	vld.idx.msk [tilespmem:v31+s20+$0x0], $0xffff;
	[tilespmem:v33+s26+$0x0] =	vst.idx.msk $0xffff, v26  }
0x384: {  	v62 =	vor.u32 v14, v56;
	[tilespmem:v57+s26+$0x0] =	vst.idx.msk $0xffff, v24  }
0x385: {  	p0 =	sne.s32 s19, $0x3F;
	v63 =	vor.u32 v15, v56;
	[tilespmem:v58+s26+$0x0] =	vst.idx.msk $0xffff, v27  }
.Ltmp11:
0x386: {  	[tilespmem:v59+s26+$0x0] =	vst.idx.msk $0xffff, v28;
	(pc) =	sbr.rel @p0 .LBB2_21-.Ltmp11, $4  }
0x387: {  	[tilespmem:v60+s26+$0x0] =	vst.idx.msk $0xffff, v25  }
0x388: {  	[tilespmem:v61+s26+$0x0] =	vst.idx.msk $0xffff, v29  }
0x389: {  	[tilespmem:v62+s26+$0x0] =	vst.idx.msk $0xffff, v30  }
0x38a: {  	s19 =	sadd.s32 $0x8, s19;
	[tilespmem:v63+s26+$0x0] =	vst.idx.msk $0xffff, v31  }
0x38b: {  	s0 =	sadd.s32 s5, s0  }
.Ltmp12:
0x38c: {  	s0 =	sshll.u32 s0, $0x14;
	(pc) =	sbr.rel @p1 .LBB2_24-.Ltmp12, $4  }
0x38d: {  	s0 =	sadd.s32 s17, s0  }
0x38e: {  	s0 =	sshrl.u32 s0, $0x3  }
0x38f: {  	s0 =	sadd.s32 s2, s0  }
0x390: {  	[hbm4b:s0+s23] =	stream.strided.scatter [tilespmem:s26], [sflag:$0x4], $0x2000, s24, s23, $0x38;
	[tilespmem:$0x1A800] =	vst v63  }
.Ltmp13:
0x391: {  	(pc) =	sbr.rel .LBB2_18-.Ltmp13, $3  }
0x392: {  	_ =	sdelay $0x1  }
0x393: {  	s0 =	sadd.s32 $0x2180, s1;
	s31 =	sadd.s32 $0x1, s31  }
0x394: {  	[tilespmem:s20], [sflag:$0x2] =	stream.indirect.gather [hbm4b:s4+s16], $0x80, s0, s16, $0xb8;
	[tilespmem:$0x1A800] =	vst v63  }
.LBB2_25:
0x395: {  	_ =	sfence.sel $0x180000  }
0x396: {  	[bflag:$0x0] =	sbarrier.arrive $0xFFFF  }
0x397: {  	_ =	strace $0x90000047  }
0x398: {  	s0 =	stileid.u32;
	[bflag:$0x2] =	sbarrier.arrive $0xFFFF  }
0x399: {  	p0 =	sne.s32 s0, $0x0;
	s0 =	rddreg [dreg:$0x2]  }
0x39a: {  	s0 =	sadd.s32 @!p0 $0x100000, s0  }
0x39b: {  	[sflag:s0] =	ssyncadd.tile.s32 @!p0 $0x1;
	_ =	shalt  }
.Lfunc_end2:
_tile_overlayer_lowered:
.L_overlay_start_2:
0x39c: {  	(tag) =	ssettag $0x2  }
0x39d: {  	s0 =	rddreg [dreg:$0x0];
	s2 =	stileid.u32  }
0x39e: {  	s1 =	rddreg [dreg:$0x1];
	p0 =	sne.s32 s2, $0x0  }
0x39f: {  	s3 =	rddreg [dreg:$0x2];
	[bflag:$0x3] =	sbarrier.arrive $0xFFFF;
	s2 =	simm.s32 @!p0 $0x1C05  }
0x3a0: {  	[timem:s3], [sflag:s2] =	dma.local @!p0 [hbm:s0], s1  }
0x3a1: {  	s0 =	simm.s32 @!p0 $0x5  }
0x3a2: {  	_ =	swait.ge @!p0 [sflag:s0], s1  }
0x3a3: {  	s1 =	ssub.s32 @!p0 $0x0, s1;
	[sflag:s0] =	ssyncset.done @!p0 $0x0  }
0x3a4: {  	[sflag:s0] =	ssyncadd.s32 @!p0 s1  }
0x3a5: {  	[bflag:$0x3] =	sbarrier.arrive $0xFFFF  }
0x3a6: {  	_ =	shalt  }

</sc_bundles>
